<compile_context>
chip_gen: v7x
topology: tpu7x:2x2x1
jax: 0.10.2.dev20260603
libtpu: 0.0.44.dev20260713+nightly
codegen_flags: <defaults>
</compile_context>

<pallas_src>
import functools

import jax
import jax.numpy as jnp
from jax import lax
from jax.experimental import pallas as pl
from jax.experimental.pallas import tpu as pltpu
from jax.experimental.pallas import tpu_sc as plsc

N = 4096
D = 512
KVD = 1024
T = 6
TP = 8
NH = 8
HD = 64
SCALE = float(HD) ** -0.5
SW = 128
F32 = jnp.float32
I32 = jnp.int32



def _k12_body(x_ref, w1_ref, b1_ref, wh_ref, bh_ref, wt_ref, bt_ref,
              wkv_ref, bkv_ref,
              h_ref, s_ref, eh_ref, et_ref, kk_ref, vv_ref, hv):
    p = pl.program_id(0)
    j = pl.program_id(1)
    r = x_ref.shape[0]

    @pl.when(p == 0)
    def _():
        h = (jnp.dot(x_ref[...], w1_ref[...], preferred_element_type=F32)
             + b1_ref[...])
        h = jnp.where(h >= 0, h, 0.01 * h)
        h_ref[...] = h
        hv[pl.ds(j * r, r), :] = h

        @pl.when(j == 0)
        def _():
            s_ref[...] = jnp.zeros_like(s_ref)

        s_ref[...] += jnp.sum(h, axis=0, keepdims=True)

    @pl.when(p == 1)
    def _():
        hblk = hv[pl.ds(j * r, r), :]
        h_ref[...] = hblk
        hb = (hblk + s_ref[...] * (1.0 / N)) * 0.5
        eh = jnp.dot(hb, wh_ref[...], preferred_element_type=F32) + bh_ref[...]
        et = jnp.dot(hb, wt_ref[...], preferred_element_type=F32) + bt_ref[...]
        eh_ref[...] = eh
        et_ref[...] = et
        kv = (jnp.dot(et, wkv_ref[...], preferred_element_type=F32)
              + bkv_ref[...])
        kk_ref[...] = kv[:, :D]
        v1 = lax.bitcast_convert_type(
            kv[:, D:D + D // 2].astype(jnp.bfloat16).astype(F32), I32)
        v2 = lax.bitcast_convert_type(
            kv[:, D + D // 2:].astype(jnp.bfloat16).astype(F32), I32)
        vv_ref[...] = (v1 & I32(-65536)) | lax.shift_right_logical(v2, 16)



def _k3_body(eh_ref, et_ref, idx_ref, cnt_ref):
    logits = lax.dot_general(eh_ref[...] * SCALE, et_ref[...],
                             (((1,), (1,)), ((), ())),
                             preferred_element_type=F32)
    cols = lax.broadcasted_iota(I32, logits.shape, 1)
    l = logits
    outs = []
    for _ in range(T):
        m = jnp.max(l, axis=1, keepdims=True)
        cand = jnp.where(l == m, cols, I32(N))
        j = jnp.min(cand, axis=1, keepdims=True)
        outs.append(j)
        l = jnp.where(cols == j, -jnp.inf, l)
    idx_ref[...] = jnp.concatenate(outs, axis=1)
    cnt_ref[...] = jnp.sum((l == -jnp.inf).astype(I32), axis=0,
                           keepdims=True).reshape(cnt_ref.shape)



def _sc_gather(v, s16, idx_flat):
    info = plsc.get_sparse_core_info()
    nc = info.num_cores
    nw = nc * info.num_subcores
    b_per_w = (N * T) // nw
    ch = 96
    n_ch = b_per_w // ch
    dw = D // 2
    mesh = plsc.VectorSubcoreMesh(core_axis_name="c", subcore_axis_name="s")

    @functools.partial(
        pl.kernel,
        out_type=(jax.ShapeDtypeStruct((N * T, dw), I32),
                  jax.ShapeDtypeStruct((N * T, SW), F32)),
        mesh=mesh,
        scratch_types=[
            pltpu.VMEM((b_per_w,), I32),
            pltpu.VMEM((2, ch, dw), I32),
            pltpu.VMEM((2, ch, SW), F32),
            pltpu.SemaphoreType.DMA((2,)),
            pltpu.SemaphoreType.DMA((2,)),
            pltpu.SemaphoreType.DMA((2,)),
            pltpu.SemaphoreType.DMA((2,)),
        ],
    )
    def sc_k(v_hbm, s_hbm, idx_hbm, gv_hbm, gs_hbm, idx_v, vbuf, sbuf,
             vsem, ssem, vosem, sosem):
        wid = lax.axis_index("s") * nc + lax.axis_index("c")
        base = wid * b_per_w
        pltpu.sync_copy(idx_hbm.at[pl.ds(base, b_per_w)], idx_v)
        gath = [None, None]
        stor = [None, None]
        for c in range(n_ch):
            b = c % 2
            if stor[b] is not None:
                for d in stor[b]:
                    d.wait()
                stor[b] = None
            idxc = idx_v.at[pl.ds(c * ch, ch)]
            gath[b] = (
                pltpu.async_copy(v_hbm.at[idxc], vbuf.at[b], vsem.at[b]),
                pltpu.async_copy(s_hbm.at[idxc], sbuf.at[b], ssem.at[b]),
                base + c * ch,
            )
            pb = (c - 1) % 2
            if c > 0 and gath[pb] is not None:
                gv_d, gs_d, poff = gath[pb]
                gv_d.wait()
                gs_d.wait()
                gath[pb] = None
                stor[pb] = (
                    pltpu.async_copy(vbuf.at[pb], gv_hbm.at[pl.ds(poff, ch)],
                                     vosem.at[pb]),
                    pltpu.async_copy(sbuf.at[pb], gs_hbm.at[pl.ds(poff, ch)],
                                     sosem.at[pb]),
                )
        lb = (n_ch - 1) % 2
        gv_d, gs_d, poff = gath[lb]
        gv_d.wait()
        gs_d.wait()
        stor[lb] = (
            pltpu.async_copy(vbuf.at[lb], gv_hbm.at[pl.ds(poff, ch)],
                             vosem.at[lb]),
            pltpu.async_copy(sbuf.at[lb], gs_hbm.at[pl.ds(poff, ch)],
                             sosem.at[lb]),
        )
        for b in range(2):
            if stor[b] is not None:
                for d in stor[b]:
                    d.wait()

    return sc_k(v, s16, idx_flat)



def _k4_body(c_ref, s_ref, h_ref, x_ref, wq_ref, bq_ref, kk_ref,
             s16_ref, ins_ref):
    counts = jnp.sum(c_ref[...], axis=0, keepdims=True)
    m = jnp.max(counts)
    lane = lax.broadcasted_iota(I32, counts.shape, 1)
    top = jnp.min(jnp.where(counts == m, lane, I32(N)))
    onehot = (lane == top).astype(F32)
    htop = jnp.dot(onehot, h_ref[...], preferred_element_type=F32)
    ins_ref[...] = jnp.dot(onehot, x_ref[...], preferred_element_type=F32)
    qrow = (htop + s_ref[...] * (1.0 / N)) * 0.5
    q = (jnp.dot(qrow, wq_ref[...], preferred_element_type=F32)
         + bq_ref[...]) * SCALE
    kq = kk_ref[...] * q
    parts = [jnp.sum(kq[:, hh * HD:(hh + 1) * HD], axis=1, keepdims=True)
             for hh in range(NH)]
    parts.append(jnp.zeros((N, SW - NH), F32))
    s16_ref[...] = jnp.concatenate(parts, axis=1)



def _layernorm(v, gamma, beta):
    mu = jnp.mean(v, axis=-1, keepdims=True)
    var = jnp.mean((v - mu) ** 2, axis=-1, keepdims=True)
    return (v - mu) / jnp.sqrt(var + 1e-5) * gamma + beta


def _k6_body(gv_ref, gs_ref, eh_ref, x_ref, wl_ref, bl_ref, gm_ref,
             bt_ref, out_ref):
    pv = gv_ref[...]
    v1 = lax.bitcast_convert_type(pv & I32(-65536), F32)
    v2 = lax.bitcast_convert_type(lax.shift_left(pv, 16), F32)
    wl = gs_ref[...][:, :, :NH]
    m = jnp.max(wl, axis=1, keepdims=True)
    e = jnp.exp(wl - m)
    w = e / jnp.sum(e, axis=1, keepdims=True)
    nb_parts = []
    hw = D // 2
    for h in range(NH):
        wh = w[:, :, h:h + 1]
        src_half = v1 if h < NH // 2 else v2
        off = h * HD if h < NH // 2 else h * HD - hw
        vh = src_half[:, :, off:off + HD]
        nb_parts.append(jnp.sum(wh * vh, axis=1))
    nb = jnp.concatenate(nb_parts, axis=1)
    gamma = gm_ref[...]
    beta = bt_ref[...]
    nb = _layernorm(nb, gamma, beta)
    t2 = _layernorm(eh_ref[...] + nb, gamma, beta)
    o = jnp.dot(t2, wl_ref[...], preferred_element_type=F32) + bl_ref[...]
    o = jnp.where(o >= 0, o, 0.01 * o)
    out_ref[...] = o + x_ref[...]



def _full(shape):
    nd = len(shape)
    return pl.BlockSpec(shape, lambda i: (0,) * nd)


def kernel(x, W1, b1, Wh, bh, Wt, bt, Wq, bq, Wkv, bkv, Wl, bl, gamma, beta):
    x2 = x.reshape(N, D)
    b1r = b1.reshape(1, D)
    bhr = bh.reshape(1, D)
    btr = bt.reshape(1, D)
    bqr = bq.reshape(1, D)
    bkvr = bkv.reshape(1, KVD)
    blr = bl.reshape(1, D)
    gmr = gamma.reshape(1, D)
    ber = beta.reshape(1, D)

    r2 = 512
    blk = pl.BlockSpec((r2, D), lambda p, j: (j, 0))
    f2 = lambda shp: pl.BlockSpec(shp, lambda p, j: (0,) * len(shp))
    h, s, eh, et, kk, vv = pl.pallas_call(
        _k12_body,
        grid=(2, N // r2),
        in_specs=[blk,
                  f2((D, D)), f2((1, D)),
                  f2((D, D)), f2((1, D)),
                  f2((D, D)), f2((1, D)),
                  f2((D, KVD)), f2((1, KVD))],
        out_specs=[blk, f2((1, D)), blk, blk, blk,
                   pl.BlockSpec((r2, D // 2), lambda p, j: (j, 0))],
        out_shape=[jax.ShapeDtypeStruct((N, D), F32),
                   jax.ShapeDtypeStruct((1, D), F32),
                   jax.ShapeDtypeStruct((N, D), F32),
                   jax.ShapeDtypeStruct((N, D), F32),
                   jax.ShapeDtypeStruct((N, D), F32),
                   jax.ShapeDtypeStruct((N, D // 2), I32)],
        scratch_shapes=[pltpu.VMEM((N, D), F32)],
    )(x2, W1, b1r, Wh, bhr, Wt, btr, Wkv, bkvr)

    r3 = 512
    idx8, cnts = pl.pallas_call(
        _k3_body,
        grid=(N // r3,),
        in_specs=[pl.BlockSpec((r3, D), lambda i: (i, 0)), _full((N, D))],
        out_specs=[pl.BlockSpec((r3, T), lambda i: (i, 0)),
                   pl.BlockSpec((1, 1, N), lambda i: (i, 0, 0))],
        out_shape=[jax.ShapeDtypeStruct((N, T), I32),
                   jax.ShapeDtypeStruct((N // r3, 1, N), I32)],
    )(eh, et)

    cnts2 = cnts.reshape(N // r3, N)
    s16, ins = pl.pallas_call(
        _k4_body,
        grid=(1,),
        in_specs=[_full(cnts2.shape), _full((1, D)), _full((N, D)),
                  _full((N, D)), _full((D, D)), _full((1, D)),
                  _full((N, D))],
        out_specs=[_full((N, SW)), _full((1, D))],
        out_shape=[jax.ShapeDtypeStruct((N, SW), F32),
                   jax.ShapeDtypeStruct((1, D), F32)],
    )(cnts2, s, h, x2, Wq, bqr, kk)

    idx_flat = idx8.reshape(N * T)
    gv, gs = _sc_gather(vv, s16, idx_flat)

    r6 = 256
    gv3 = gv.reshape(N, T, D // 2)
    gs3 = gs.reshape(N, T, SW)
    emb = pl.pallas_call(
        _k6_body,
        grid=(N // r6,),
        in_specs=[pl.BlockSpec((r6, T, D // 2), lambda i: (i, 0, 0)),
                  pl.BlockSpec((r6, T, SW), lambda i: (i, 0, 0)),
                  pl.BlockSpec((r6, D), lambda i: (i, 0)),
                  pl.BlockSpec((r6, D), lambda i: (i, 0)),
                  _full((D, D)), _full((1, D)), _full((1, D)), _full((1, D))],
        out_specs=pl.BlockSpec((r6, D), lambda i: (i, 0)),
        out_shape=jax.ShapeDtypeStruct((N, D), F32),
    )(gv3, gs3, eh, x2, Wl, blr, gmr, ber)

    return emb.reshape(1, N, D), ins.reshape(1, 1, D)

# --- scband reference (transcript-rebuilt; emitter-appended) ---
"""Pipeline reference for scband-wi-kg-74560632259324 (READ-ONLY COPY).

The authoritative reference and input builder live on the scoring server;
editing this copy changes nothing except your own understanding.
"""

import jax, jax.numpy as jnp
import numpy as np

DIM_IN = 512
DIM_HIDDEN = 512
TOPK = 6
NUM_HEADS = 8
HEAD_DIM = DIM_HIDDEN // NUM_HEADS
N = 4096


def _xavier(key, shape):
    std = (2.0 / (shape[0] + shape[1])) ** 0.5
    return jax.random.normal(key, shape, dtype=jnp.float32) * std


def setup_inputs(seed: int = 0) -> dict:
    key = jax.random.key(seed)
    ks = jax.random.split(key, 8)
    return {
        "x": jax.random.normal(ks[0], (1, N, DIM_IN), dtype=jnp.float32),
        "W1": _xavier(ks[1], (DIM_IN, DIM_HIDDEN)),
        "b1": jnp.zeros((DIM_HIDDEN,), jnp.float32),
        "Wh": _xavier(ks[2], (DIM_HIDDEN, DIM_HIDDEN)),
        "bh": jnp.zeros((DIM_HIDDEN,), jnp.float32),
        "Wt": _xavier(ks[3], (DIM_HIDDEN, DIM_HIDDEN)),
        "bt": jnp.zeros((DIM_HIDDEN,), jnp.float32),
        "Wq": _xavier(ks[4], (DIM_HIDDEN, NUM_HEADS * HEAD_DIM)),
        "bq": jnp.zeros((NUM_HEADS * HEAD_DIM,), jnp.float32),
        "Wkv": _xavier(ks[5], (DIM_HIDDEN, 2 * NUM_HEADS * HEAD_DIM)),
        "bkv": jnp.zeros((2 * NUM_HEADS * HEAD_DIM,), jnp.float32),
        "Wl": _xavier(ks[6], (DIM_HIDDEN, DIM_HIDDEN)),
        "bl": jnp.zeros((DIM_HIDDEN,), jnp.float32),
        "gamma": jnp.ones((DIM_HIDDEN,), jnp.float32),
        "beta": jnp.zeros((DIM_HIDDEN,), jnp.float32),
    }


def _leaky(x):
    return jnp.where(x >= 0, x, 0.01 * x)


def _layernorm(x, gamma, beta, eps=1e-5):
    mu = x.mean(axis=-1, keepdims=True)
    var = ((x - mu) ** 2).mean(axis=-1, keepdims=True)
    return (x - mu) / jnp.sqrt(var + eps) * gamma + beta


def reference(x, W1, b1, Wh, bh, Wt, bt, Wq, bq, Wkv, bkv, Wl, bl, gamma, beta):
    scale = HEAD_DIM ** (-0.5)
    x_input = x
    h = _leaky(x @ W1 + b1)
    h = (h + h.mean(axis=1, keepdims=True)) * 0.5
    e_h = h @ Wh + bh
    e_t = h @ Wt + bt
    attn_logit = (e_h * scale) @ jnp.swapaxes(e_t, -2, -1)  # [1, N, N]
    topk_weight, topk_index = jax.lax.top_k(attn_logit, TOPK)  # [1, N, TOPK]
    # prototype: most frequent top-k index (torch unique + counts.argsort desc, top=1)
    counts = jnp.bincount(topk_index.reshape(-1), length=N)
    top_idx = jnp.argmax(counts)
    ins_top = x_input[:, top_idx[None], :]  # [1, 1, DIM_IN]
    emb_topk = h[:, top_idx[None], :]  # [1, 1, H]
    q_node = jnp.broadcast_to(emb_topk[None], (1, N, 1, DIM_HIDDEN))[0]  # [N, 1, H]
    Nb_h = e_t[0][topk_index[0]]  # [N, TOPK, H] gather of tail embeddings
    kv_node = Nb_h
    q_lin = (q_node @ Wq + bq).reshape(N, 1, NUM_HEADS, HEAD_DIM).transpose(0, 2, 1, 3)
    kv = (kv_node @ Wkv + bkv).reshape(N, TOPK, 2, NUM_HEADS, HEAD_DIM).transpose(2, 0, 3, 1, 4)
    k_, v = kv[0], kv[1]
    q_ = q_lin * scale
    attn = jax.nn.softmax(q_ @ jnp.swapaxes(k_, -2, -1), axis=-1)  # [N, heads, 1, TOPK]
    nb_attn = (attn @ v).transpose(0, 2, 1, 3).reshape(N, 1, DIM_HIDDEN)
    nb_attn = _layernorm(nb_attn, gamma, beta)
    e_Nh = nb_attn[None, :, 0, :]  # [1, N, H]
    sum_embedding = _leaky(_layernorm(e_h + e_Nh, gamma, beta) @ Wl + bl)
    embedding = sum_embedding + x_input
    return (embedding, ins_top)

if __name__ == "__main__":
    import jax
    _d = setup_inputs()
    print(jax.jit(kernel)(*tuple(_d.values())))

</pallas_src>

<mosaic_0001>
#map = affine_map<(d0, d1) -> (0, 0)>
#map1 = affine_map<(d0, d1) -> (0)>
module attributes {stable_mosaic.version = 14 : i64} {
  func.func @sc_k(%arg0: i32, %arg1: i32, %arg2: memref<4096x256xi32, #tpu.memory_space<hbm>>, %arg3: memref<4096x128xf32, #tpu.memory_space<hbm>>, %arg4: memref<24576xi32, #tpu.memory_space<hbm>>, %arg5: memref<24576x256xi32, #tpu.memory_space<hbm>>, %arg6: memref<24576x128xf32, #tpu.memory_space<hbm>>, %arg7: memref<768xi32, #tpu.memory_space<vmem>>, %arg8: memref<2x96x256xi32, #tpu.memory_space<vmem>>, %arg9: memref<2x96x128xf32, #tpu.memory_space<vmem>>, %arg10: memref<2x!tpu.dma_semaphore, #tpu.memory_space<semaphore_mem>>, %arg11: memref<2x!tpu.dma_semaphore, #tpu.memory_space<semaphore_mem>>, %arg12: memref<2x!tpu.dma_semaphore, #tpu.memory_space<semaphore_mem>>, %arg13: memref<2x!tpu.dma_semaphore, #tpu.memory_space<semaphore_mem>>) attributes {dimension_semantics = [#tpu.dimension_semantics<core_parallel>, #tpu.dimension_semantics<subcore_parallel>], iteration_bounds = array<i64: 2, 16>, scalar_prefetch = 0 : i64, scratch_operands = 7 : i64, tpu.core_type = #tpu.core_type<sc_vector_subcore>, window_params = [{transform_indices = #map}, {transform_indices = #map}, {transform_indices = #map1}, {transform_indices = #map}, {transform_indices = #map}]} {
    %mul3A = arith.constant 2 : i32
    %mul3A_0 = arith.muli %arg1, %mul3A : i32
    %add3A = arith.addi %mul3A_0, %arg0 : i32
    %mul3A_1 = arith.constant 768 : i32
    %mul3A_2 = arith.muli %add3A, %mul3A_1 : i32
    "tpu.region"() ({
      %run_scoped3A = tpu.sem_alloc : memref<!tpu.dma_semaphore, #tpu.memory_space<semaphore_mem>>
      %dma_start3A_945 = tpu.memref_slice %arg4[%mul3A_2] : memref<24576xi32, #tpu.memory_space<hbm>> -> memref<768xi32, #tpu.memory_space<hbm>>
      %dma_start3A_946 = tpu.memref_slice %arg4[%mul3A_2] : memref<24576xi32, #tpu.memory_space<hbm>> -> memref<768xi32, #tpu.memory_space<hbm>>
      tpu.enqueue_dma source(%dma_start3A_946 : memref<768xi32, #tpu.memory_space<hbm>>) target(%arg7 : memref<768xi32, #tpu.memory_space<vmem>>) target_semaphore(%run_scoped3A : memref<!tpu.dma_semaphore, #tpu.memory_space<semaphore_mem>>)
      %dma_wait3A_947 = tpu.memref_slice %arg4[%mul3A_2] : memref<24576xi32, #tpu.memory_space<hbm>> -> memref<768xi32, #tpu.memory_space<hbm>>
      %dma_wait3A_948 = tpu.memref_slice %arg4[%mul3A_2] : memref<24576xi32, #tpu.memory_space<hbm>> -> memref<768xi32, #tpu.memory_space<hbm>>
      tpu.wait_dma2 semaphore(%run_scoped3A : memref<!tpu.dma_semaphore, #tpu.memory_space<semaphore_mem>>) src(%dma_wait3A_948 : memref<768xi32, #tpu.memory_space<hbm>>) dst(%arg7 : memref<768xi32, #tpu.memory_space<vmem>>)
      tpu.yield
    }) : () -> ()
    %dma_start3A = arith.constant 0 : i32
    %dma_start3A_3 = arith.constant 0 : i32
    %dma_start3A_4 = arith.constant 0 : i32
    %dma_start3A_5 = arith.constant 0 : i32
    %dma_start3A_6 = tpu.memref_slice %arg8[%dma_start3A, %dma_start3A_4, %dma_start3A_5] : memref<2x96x256xi32, #tpu.memory_space<vmem>> -> memref<1x96x256xi32, #tpu.memory_space<vmem>>
    %dma_start3A_7 = tpu.memref_squeeze %dma_start3A_6 : memref<1x96x256xi32, #tpu.memory_space<vmem>> -> memref<96x256xi32, #tpu.memory_space<vmem>>
    %dma_start3A_8 = arith.constant 0 : i32
    %dma_start3A_9 = tpu.memref_slice %arg7[%dma_start3A_8] : memref<768xi32, #tpu.memory_space<vmem>> -> memref<96xi32, #tpu.memory_space<vmem>>
    %dma_start3A_10 = arith.constant 0 : i32
    %dma_start3A_11 = arith.constant 0 : i32
    %dma_start3A_12 = tpu.memref_slice %arg2[%dma_start3A_10, %dma_start3A_11] : memref<4096x256xi32, #tpu.memory_space<hbm>> -> memref<4096x256xi32, #tpu.memory_space<hbm>>
    %dma_start3A_13 = tpu.memref_slice %arg10[%dma_start3A_3] : memref<2x!tpu.dma_semaphore, #tpu.memory_space<semaphore_mem>> -> memref<1x!tpu.dma_semaphore, #tpu.memory_space<semaphore_mem>>
    %dma_start3A_14 = tpu.memref_squeeze %dma_start3A_13 : memref<1x!tpu.dma_semaphore, #tpu.memory_space<semaphore_mem>> -> memref<!tpu.dma_semaphore, #tpu.memory_space<semaphore_mem>>
    tpu.enqueue_indirect_dma source(%dma_start3A_12 : memref<4096x256xi32, #tpu.memory_space<hbm>>) target(%dma_start3A_7 : memref<96x256xi32, #tpu.memory_space<vmem>>) offsets(%dma_start3A_9 : memref<96xi32, #tpu.memory_space<vmem>>) semaphore(%dma_start3A_14 : memref<!tpu.dma_semaphore, #tpu.memory_space<semaphore_mem>>)
    %dma_start3A_15 = arith.constant 0 : i32
    %dma_start3A_16 = arith.constant 0 : i32
    %dma_start3A_17 = arith.constant 0 : i32
    %dma_start3A_18 = arith.constant 0 : i32
    %dma_start3A_19 = tpu.memref_slice %arg9[%dma_start3A_15, %dma_start3A_17, %dma_start3A_18] : memref<2x96x128xf32, #tpu.memory_space<vmem>> -> memref<1x96x128xf32, #tpu.memory_space<vmem>>
    %dma_start3A_20 = tpu.memref_squeeze %dma_start3A_19 : memref<1x96x128xf32, #tpu.memory_space<vmem>> -> memref<96x128xf32, #tpu.memory_space<vmem>>
    %dma_start3A_21 = arith.constant 0 : i32
    %dma_start3A_22 = tpu.memref_slice %arg7[%dma_start3A_21] : memref<768xi32, #tpu.memory_space<vmem>> -> memref<96xi32, #tpu.memory_space<vmem>>
    %dma_start3A_23 = arith.constant 0 : i32
    %dma_start3A_24 = arith.constant 0 : i32
    %dma_start3A_25 = tpu.memref_slice %arg3[%dma_start3A_23, %dma_start3A_24] : memref<4096x128xf32, #tpu.memory_space<hbm>> -> memref<4096x128xf32, #tpu.memory_space<hbm>>
    %dma_start3A_26 = tpu.memref_slice %arg11[%dma_start3A_16] : memref<2x!tpu.dma_semaphore, #tpu.memory_space<semaphore_mem>> -> memref<1x!tpu.dma_semaphore, #tpu.memory_space<semaphore_mem>>
    %dma_start3A_27 = tpu.memref_squeeze %dma_start3A_26 : memref<1x!tpu.dma_semaphore, #tpu.memory_space<semaphore_mem>> -> memref<!tpu.dma_semaphore, #tpu.memory_space<semaphore_mem>>
    tpu.enqueue_indirect_dma source(%dma_start3A_25 : memref<4096x128xf32, #tpu.memory_space<hbm>>) target(%dma_start3A_20 : memref<96x128xf32, #tpu.memory_space<vmem>>) offsets(%dma_start3A_22 : memref<96xi32, #tpu.memory_space<vmem>>) semaphore(%dma_start3A_27 : memref<!tpu.dma_semaphore, #tpu.memory_space<semaphore_mem>>)
    %add3A_28 = arith.constant 0 : i32
    %add3A_29 = arith.addi %mul3A_2, %add3A_28 : i32
    %dma_start3A_30 = arith.constant 1 : i32
    %dma_start3A_31 = arith.constant 1 : i32
    %dma_start3A_32 = arith.constant 0 : i32
    %dma_start3A_33 = arith.constant 0 : i32
    %dma_start3A_34 = tpu.memref_slice %arg8[%dma_start3A_30, %dma_start3A_32, %dma_start3A_33] : memref<2x96x256xi32, #tpu.memory_space<vmem>> -> memref<1x96x256xi32, #tpu.memory_space<vmem>>
    %dma_start3A_35 = tpu.memref_squeeze %dma_start3A_34 : memref<1x96x256xi32, #tpu.memory_space<vmem>> -> memref<96x256xi32, #tpu.memory_space<vmem>>
    %dma_start3A_36 = arith.constant 96 : i32
    %dma_start3A_37 = tpu.memref_slice %arg7[%dma_start3A_36] : memref<768xi32, #tpu.memory_space<vmem>> -> memref<96xi32, #tpu.memory_space<vmem>>
    %dma_start3A_38 = arith.constant 0 : i32
    %dma_start3A_39 = arith.constant 0 : i32
    %dma_start3A_40 = tpu.memref_slice %arg2[%dma_start3A_38, %dma_start3A_39] : memref<4096x256xi32, #tpu.memory_space<hbm>> -> memref<4096x256xi32, #tpu.memory_space<hbm>>
    %dma_start3A_41 = tpu.memref_slice %arg10[%dma_start3A_31] : memref<2x!tpu.dma_semaphore, #tpu.memory_space<semaphore_mem>> -> memref<1x!tpu.dma_semaphore, #tpu.memory_space<semaphore_mem>>
    %dma_start3A_42 = tpu.memref_squeeze %dma_start3A_41 : memref<1x!tpu.dma_semaphore, #tpu.memory_space<semaphore_mem>> -> memref<!tpu.dma_semaphore, #tpu.memory_space<semaphore_mem>>
    tpu.enqueue_indirect_dma source(%dma_start3A_40 : memref<4096x256xi32, #tpu.memory_space<hbm>>) target(%dma_start3A_35 : memref<96x256xi32, #tpu.memory_space<vmem>>) offsets(%dma_start3A_37 : memref<96xi32, #tpu.memory_space<vmem>>) semaphore(%dma_start3A_42 : memref<!tpu.dma_semaphore, #tpu.memory_space<semaphore_mem>>)
    %dma_start3A_43 = arith.constant 1 : i32
    %dma_start3A_44 = arith.constant 1 : i32
    %dma_start3A_45 = arith.constant 0 : i32
    %dma_start3A_46 = arith.constant 0 : i32
    %dma_start3A_47 = tpu.memref_slice %arg9[%dma_start3A_43, %dma_start3A_45, %dma_start3A_46] : memref<2x96x128xf32, #tpu.memory_space<vmem>> -> memref<1x96x128xf32, #tpu.memory_space<vmem>>
    %dma_start3A_48 = tpu.memref_squeeze %dma_start3A_47 : memref<1x96x128xf32, #tpu.memory_space<vmem>> -> memref<96x128xf32, #tpu.memory_space<vmem>>
    %dma_start3A_49 = arith.constant 96 : i32
    %dma_start3A_50 = tpu.memref_slice %arg7[%dma_start3A_49] : memref<768xi32, #tpu.memory_space<vmem>> -> memref<96xi32, #tpu.memory_space<vmem>>
    %dma_start3A_51 = arith.constant 0 : i32
    %dma_start3A_52 = arith.constant 0 : i32
    %dma_start3A_53 = tpu.memref_slice %arg3[%dma_start3A_51, %dma_start3A_52] : memref<4096x128xf32, #tpu.memory_space<hbm>> -> memref<4096x128xf32, #tpu.memory_space<hbm>>
    %dma_start3A_54 = tpu.memref_slice %arg11[%dma_start3A_44] : memref<2x!tpu.dma_semaphore, #tpu.memory_space<semaphore_mem>> -> memref<1x!tpu.dma_semaphore, #tpu.memory_space<semaphore_mem>>
    %dma_start3A_55 = tpu.memref_squeeze %dma_start3A_54 : memref<1x!tpu.dma_semaphore, #tpu.memory_space<semaphore_mem>> -> memref<!tpu.dma_semaphore, #tpu.memory_space<semaphore_mem>>
    tpu.enqueue_indirect_dma source(%dma_start3A_53 : memref<4096x128xf32, #tpu.memory_space<hbm>>) target(%dma_start3A_48 : memref<96x128xf32, #tpu.memory_space<vmem>>) offsets(%dma_start3A_50 : memref<96xi32, #tpu.memory_space<vmem>>) semaphore(%dma_start3A_55 : memref<!tpu.dma_semaphore, #tpu.memory_space<semaphore_mem>>)
    %add3A_56 = arith.constant 96 : i32
    %add3A_57 = arith.addi %mul3A_2, %add3A_56 : i32
    %dma_wait3A = arith.constant 0 : i32
    %dma_wait3A_58 = arith.constant 0 : i32
    %dma_wait3A_59 = arith.constant 0 : i32
    %dma_wait3A_60 = arith.constant 0 : i32
    %dma_wait3A_61 = tpu.memref_slice %arg8[%dma_wait3A, %dma_wait3A_59, %dma_wait3A_60] : memref<2x96x256xi32, #tpu.memory_space<vmem>> -> memref<1x96x256xi32, #tpu.memory_space<vmem>>
    %dma_wait3A_62 = tpu.memref_squeeze %dma_wait3A_61 : memref<1x96x256xi32, #tpu.memory_space<vmem>> -> memref<96x256xi32, #tpu.memory_space<vmem>>
    %dma_wait3A_63 = arith.constant 0 : i32
    %dma_wait3A_64 = tpu.memref_slice %arg7[%dma_wait3A_63] : memref<768xi32, #tpu.memory_space<vmem>> -> memref<96xi32, #tpu.memory_space<vmem>>
    %dma_wait3A_65 = arith.constant 0 : i32
    %dma_wait3A_66 = arith.constant 0 : i32
    %dma_wait3A_67 = tpu.memref_slice %arg2[%dma_wait3A_65, %dma_wait3A_66] : memref<4096x256xi32, #tpu.memory_space<hbm>> -> memref<4096x256xi32, #tpu.memory_space<hbm>>
    %dma_wait3A_68 = tpu.memref_slice %arg10[%dma_wait3A_58] : memref<2x!tpu.dma_semaphore, #tpu.memory_space<semaphore_mem>> -> memref<1x!tpu.dma_semaphore, #tpu.memory_space<semaphore_mem>>
    %dma_wait3A_69 = tpu.memref_squeeze %dma_wait3A_68 : memref<1x!tpu.dma_semaphore, #tpu.memory_space<semaphore_mem>> -> memref<!tpu.dma_semaphore, #tpu.memory_space<semaphore_mem>>
    tpu.wait_indirect_dma semaphore(%dma_wait3A_69 : memref<!tpu.dma_semaphore, #tpu.memory_space<semaphore_mem>>) src(%dma_wait3A_67 : memref<4096x256xi32, #tpu.memory_space<hbm>>) dst(%dma_wait3A_62 : memref<96x256xi32, #tpu.memory_space<vmem>>)
    %dma_wait3A_70 = arith.constant 0 : i32
    %dma_wait3A_71 = arith.constant 0 : i32
    %dma_wait3A_72 = arith.constant 0 : i32
    %dma_wait3A_73 = arith.constant 0 : i32
    %dma_wait3A_74 = tpu.memref_slice %arg9[%dma_wait3A_70, %dma_wait3A_72, %dma_wait3A_73] : memref<2x96x128xf32, #tpu.memory_space<vmem>> -> memref<1x96x128xf32, #tpu.memory_space<vmem>>
    %dma_wait3A_75 = tpu.memref_squeeze %dma_wait3A_74 : memref<1x96x128xf32, #tpu.memory_space<vmem>> -> memref<96x128xf32, #tpu.memory_space<vmem>>
    %dma_wait3A_76 = arith.constant 0 : i32
    %dma_wait3A_77 = tpu.memref_slice %arg7[%dma_wait3A_76] : memref<768xi32, #tpu.memory_space<vmem>> -> memref<96xi32, #tpu.memory_space<vmem>>
    %dma_wait3A_78 = arith.constant 0 : i32
    %dma_wait3A_79 = arith.constant 0 : i32
    %dma_wait3A_80 = tpu.memref_slice %arg3[%dma_wait3A_78, %dma_wait3A_79] : memref<4096x128xf32, #tpu.memory_space<hbm>> -> memref<4096x128xf32, #tpu.memory_space<hbm>>
    %dma_wait3A_81 = tpu.memref_slice %arg11[%dma_wait3A_71] : memref<2x!tpu.dma_semaphore, #tpu.memory_space<semaphore_mem>> -> memref<1x!tpu.dma_semaphore, #tpu.memory_space<semaphore_mem>>
    %dma_wait3A_82 = tpu.memref_squeeze %dma_wait3A_81 : memref<1x!tpu.dma_semaphore, #tpu.memory_space<semaphore_mem>> -> memref<!tpu.dma_semaphore, #tpu.memory_space<semaphore_mem>>
    tpu.wait_indirect_dma semaphore(%dma_wait3A_82 : memref<!tpu.dma_semaphore, #tpu.memory_space<semaphore_mem>>) src(%dma_wait3A_80 : memref<4096x128xf32, #tpu.memory_space<hbm>>) dst(%dma_wait3A_75 : memref<96x128xf32, #tpu.memory_space<vmem>>)
    %dma_start3A_83 = arith.constant 0 : i32
    %dma_start3A_84 = arith.constant 0 : i32
    %dma_start3A_85 = arith.constant 0 : i32
    %dma_start3A_86 = arith.constant 0 : i32
    %dma_start3A_87 = tpu.memref_slice %arg8[%dma_start3A_83, %dma_start3A_85, %dma_start3A_86] : memref<2x96x256xi32, #tpu.memory_space<vmem>> -> memref<1x96x256xi32, #tpu.memory_space<vmem>>
    %dma_start3A_88 = tpu.memref_squeeze %dma_start3A_87 : memref<1x96x256xi32, #tpu.memory_space<vmem>> -> memref<96x256xi32, #tpu.memory_space<vmem>>
    %dma_start3A_89 = arith.constant 0 : i32
    %dma_start3A_90 = tpu.memref_slice %arg5[%add3A_29, %dma_start3A_89] : memref<24576x256xi32, #tpu.memory_space<hbm>> -> memref<96x256xi32, #tpu.memory_space<hbm>>
    %dma_start3A_91 = tpu.memref_slice %arg12[%dma_start3A_84] : memref<2x!tpu.dma_semaphore, #tpu.memory_space<semaphore_mem>> -> memref<1x!tpu.dma_semaphore, #tpu.memory_space<semaphore_mem>>
    %dma_start3A_92 = tpu.memref_squeeze %dma_start3A_91 : memref<1x!tpu.dma_semaphore, #tpu.memory_space<semaphore_mem>> -> memref<!tpu.dma_semaphore, #tpu.memory_space<semaphore_mem>>
    %dma_start3A_93 = arith.constant 0 : i32
    %dma_start3A_94 = tpu.memref_slice %arg5[%add3A_29, %dma_start3A_93] : memref<24576x256xi32, #tpu.memory_space<hbm>> -> memref<96x256xi32, #tpu.memory_space<hbm>>
    %dma_start3A_95 = arith.constant 0 : i32
    %dma_start3A_96 = arith.constant 0 : i32
    %dma_start3A_97 = tpu.memref_slice %arg8[%dma_start3A_83, %dma_start3A_95, %dma_start3A_96] : memref<2x96x256xi32, #tpu.memory_space<vmem>> -> memref<1x96x256xi32, #tpu.memory_space<vmem>>
    %dma_start3A_98 = tpu.memref_squeeze %dma_start3A_97 : memref<1x96x256xi32, #tpu.memory_space<vmem>> -> memref<96x256xi32, #tpu.memory_space<vmem>>
    tpu.enqueue_dma source(%dma_start3A_98 : memref<96x256xi32, #tpu.memory_space<vmem>>) target(%dma_start3A_94 : memref<96x256xi32, #tpu.memory_space<hbm>>) target_semaphore(%dma_start3A_92 : memref<!tpu.dma_semaphore, #tpu.memory_space<semaphore_mem>>)
    %dma_start3A_99 = arith.constant 0 : i32
    %dma_start3A_100 = arith.constant 0 : i32
    %dma_start3A_101 = arith.constant 0 : i32
    %dma_start3A_102 = arith.constant 0 : i32
    %dma_start3A_103 = tpu.memref_slice %arg9[%dma_start3A_99, %dma_start3A_101, %dma_start3A_102] : memref<2x96x128xf32, #tpu.memory_space<vmem>> -> memref<1x96x128xf32, #tpu.memory_space<vmem>>
    %dma_start3A_104 = tpu.memref_squeeze %dma_start3A_103 : memref<1x96x128xf32, #tpu.memory_space<vmem>> -> memref<96x128xf32, #tpu.memory_space<vmem>>
    %dma_start3A_105 = arith.constant 0 : i32
    %dma_start3A_106 = tpu.memref_slice %arg6[%add3A_29, %dma_start3A_105] : memref<24576x128xf32, #tpu.memory_space<hbm>> -> memref<96x128xf32, #tpu.memory_space<hbm>>
    %dma_start3A_107 = tpu.memref_slice %arg13[%dma_start3A_100] : memref<2x!tpu.dma_semaphore, #tpu.memory_space<semaphore_mem>> -> memref<1x!tpu.dma_semaphore, #tpu.memory_space<semaphore_mem>>
    %dma_start3A_108 = tpu.memref_squeeze %dma_start3A_107 : memref<1x!tpu.dma_semaphore, #tpu.memory_space<semaphore_mem>> -> memref<!tpu.dma_semaphore, #tpu.memory_space<semaphore_mem>>
    %dma_start3A_109 = arith.constant 0 : i32
    %dma_start3A_110 = tpu.memref_slice %arg6[%add3A_29, %dma_start3A_109] : memref<24576x128xf32, #tpu.memory_space<hbm>> -> memref<96x128xf32, #tpu.memory_space<hbm>>
    %dma_start3A_111 = arith.constant 0 : i32
    %dma_start3A_112 = arith.constant 0 : i32
    %dma_start3A_113 = tpu.memref_slice %arg9[%dma_start3A_99, %dma_start3A_111, %dma_start3A_112] : memref<2x96x128xf32, #tpu.memory_space<vmem>> -> memref<1x96x128xf32, #tpu.memory_space<vmem>>
    %dma_start3A_114 = tpu.memref_squeeze %dma_start3A_113 : memref<1x96x128xf32, #tpu.memory_space<vmem>> -> memref<96x128xf32, #tpu.memory_space<vmem>>
    tpu.enqueue_dma source(%dma_start3A_114 : memref<96x128xf32, #tpu.memory_space<vmem>>) target(%dma_start3A_110 : memref<96x128xf32, #tpu.memory_space<hbm>>) target_semaphore(%dma_start3A_108 : memref<!tpu.dma_semaphore, #tpu.memory_space<semaphore_mem>>)
    %dma_wait3A_115 = arith.constant 0 : i32
    %dma_wait3A_116 = arith.constant 0 : i32
    %dma_wait3A_117 = arith.constant 0 : i32
    %dma_wait3A_118 = arith.constant 0 : i32
    %dma_wait3A_119 = tpu.memref_slice %arg8[%dma_wait3A_115, %dma_wait3A_117, %dma_wait3A_118] : memref<2x96x256xi32, #tpu.memory_space<vmem>> -> memref<1x96x256xi32, #tpu.memory_space<vmem>>
    %dma_wait3A_120 = tpu.memref_squeeze %dma_wait3A_119 : memref<1x96x256xi32, #tpu.memory_space<vmem>> -> memref<96x256xi32, #tpu.memory_space<vmem>>
    %dma_wait3A_121 = arith.constant 0 : i32
    %dma_wait3A_122 = tpu.memref_slice %arg5[%add3A_29, %dma_wait3A_121] : memref<24576x256xi32, #tpu.memory_space<hbm>> -> memref<96x256xi32, #tpu.memory_space<hbm>>
    %dma_wait3A_123 = tpu.memref_slice %arg12[%dma_wait3A_116] : memref<2x!tpu.dma_semaphore, #tpu.memory_space<semaphore_mem>> -> memref<1x!tpu.dma_semaphore, #tpu.memory_space<semaphore_mem>>
    %dma_wait3A_124 = tpu.memref_squeeze %dma_wait3A_123 : memref<1x!tpu.dma_semaphore, #tpu.memory_space<semaphore_mem>> -> memref<!tpu.dma_semaphore, #tpu.memory_space<semaphore_mem>>
    %dma_wait3A_125 = arith.constant 0 : i32
    %dma_wait3A_126 = tpu.memref_slice %arg5[%add3A_29, %dma_wait3A_125] : memref<24576x256xi32, #tpu.memory_space<hbm>> -> memref<96x256xi32, #tpu.memory_space<hbm>>
    %dma_wait3A_127 = arith.constant 0 : i32
    %dma_wait3A_128 = arith.constant 0 : i32
    %dma_wait3A_129 = tpu.memref_slice %arg8[%dma_wait3A_115, %dma_wait3A_127, %dma_wait3A_128] : memref<2x96x256xi32, #tpu.memory_space<vmem>> -> memref<1x96x256xi32, #tpu.memory_space<vmem>>
    %dma_wait3A_130 = tpu.memref_squeeze %dma_wait3A_129 : memref<1x96x256xi32, #tpu.memory_space<vmem>> -> memref<96x256xi32, #tpu.memory_space<vmem>>
    tpu.wait_dma2 semaphore(%dma_wait3A_124 : memref<!tpu.dma_semaphore, #tpu.memory_space<semaphore_mem>>) src(%dma_wait3A_130 : memref<96x256xi32, #tpu.memory_space<vmem>>) dst(%dma_wait3A_126 : memref<96x256xi32, #tpu.memory_space<hbm>>)
    %dma_wait3A_131 = arith.constant 0 : i32
    %dma_wait3A_132 = arith.constant 0 : i32
    %dma_wait3A_133 = arith.constant 0 : i32
    %dma_wait3A_134 = arith.constant 0 : i32
    %dma_wait3A_135 = tpu.memref_slice %arg9[%dma_wait3A_131, %dma_wait3A_133, %dma_wait3A_134] : memref<2x96x128xf32, #tpu.memory_space<vmem>> -> memref<1x96x128xf32, #tpu.memory_space<vmem>>
    %dma_wait3A_136 = tpu.memref_squeeze %dma_wait3A_135 : memref<1x96x128xf32, #tpu.memory_space<vmem>> -> memref<96x128xf32, #tpu.memory_space<vmem>>
    %dma_wait3A_137 = arith.constant 0 : i32
    %dma_wait3A_138 = tpu.memref_slice %arg6[%add3A_29, %dma_wait3A_137] : memref<24576x128xf32, #tpu.memory_space<hbm>> -> memref<96x128xf32, #tpu.memory_space<hbm>>
    %dma_wait3A_139 = tpu.memref_slice %arg13[%dma_wait3A_132] : memref<2x!tpu.dma_semaphore, #tpu.memory_space<semaphore_mem>> -> memref<1x!tpu.dma_semaphore, #tpu.memory_space<semaphore_mem>>
    %dma_wait3A_140 = tpu.memref_squeeze %dma_wait3A_139 : memref<1x!tpu.dma_semaphore, #tpu.memory_space<semaphore_mem>> -> memref<!tpu.dma_semaphore, #tpu.memory_space<semaphore_mem>>
    %dma_wait3A_141 = arith.constant 0 : i32
    %dma_wait3A_142 = tpu.memref_slice %arg6[%add3A_29, %dma_wait3A_141] : memref<24576x128xf32, #tpu.memory_space<hbm>> -> memref<96x128xf32, #tpu.memory_space<hbm>>
    %dma_wait3A_143 = arith.constant 0 : i32
    %dma_wait3A_144 = arith.constant 0 : i32
    %dma_wait3A_145 = tpu.memref_slice %arg9[%dma_wait3A_131, %dma_wait3A_143, %dma_wait3A_144] : memref<2x96x128xf32, #tpu.memory_space<vmem>> -> memref<1x96x128xf32, #tpu.memory_space<vmem>>
    %dma_wait3A_146 = tpu.memref_squeeze %dma_wait3A_145 : memref<1x96x128xf32, #tpu.memory_space<vmem>> -> memref<96x128xf32, #tpu.memory_space<vmem>>
    tpu.wait_dma2 semaphore(%dma_wait3A_140 : memref<!tpu.dma_semaphore, #tpu.memory_space<semaphore_mem>>) src(%dma_wait3A_146 : memref<96x128xf32, #tpu.memory_space<vmem>>) dst(%dma_wait3A_142 : memref<96x128xf32, #tpu.memory_space<hbm>>)
    %dma_start3A_147 = arith.constant 0 : i32
    %dma_start3A_148 = arith.constant 0 : i32
    %dma_start3A_149 = arith.constant 0 : i32
    %dma_start3A_150 = arith.constant 0 : i32
    %dma_start3A_151 = tpu.memref_slice %arg8[%dma_start3A_147, %dma_start3A_149, %dma_start3A_150] : memref<2x96x256xi32, #tpu.memory_space<vmem>> -> memref<1x96x256xi32, #tpu.memory_space<vmem>>
    %dma_start3A_152 = tpu.memref_squeeze %dma_start3A_151 : memref<1x96x256xi32, #tpu.memory_space<vmem>> -> memref<96x256xi32, #tpu.memory_space<vmem>>
    %dma_start3A_153 = arith.constant 192 : i32
    %dma_start3A_154 = tpu.memref_slice %arg7[%dma_start3A_153] : memref<768xi32, #tpu.memory_space<vmem>> -> memref<96xi32, #tpu.memory_space<vmem>>
    %dma_start3A_155 = arith.constant 0 : i32
    %dma_start3A_156 = arith.constant 0 : i32
    %dma_start3A_157 = tpu.memref_slice %arg2[%dma_start3A_155, %dma_start3A_156] : memref<4096x256xi32, #tpu.memory_space<hbm>> -> memref<4096x256xi32, #tpu.memory_space<hbm>>
    %dma_start3A_158 = tpu.memref_slice %arg10[%dma_start3A_148] : memref<2x!tpu.dma_semaphore, #tpu.memory_space<semaphore_mem>> -> memref<1x!tpu.dma_semaphore, #tpu.memory_space<semaphore_mem>>
    %dma_start3A_159 = tpu.memref_squeeze %dma_start3A_158 : memref<1x!tpu.dma_semaphore, #tpu.memory_space<semaphore_mem>> -> memref<!tpu.dma_semaphore, #tpu.memory_space<semaphore_mem>>
    tpu.enqueue_indirect_dma source(%dma_start3A_157 : memref<4096x256xi32, #tpu.memory_space<hbm>>) target(%dma_start3A_152 : memref<96x256xi32, #tpu.memory_space<vmem>>) offsets(%dma_start3A_154 : memref<96xi32, #tpu.memory_space<vmem>>) semaphore(%dma_start3A_159 : memref<!tpu.dma_semaphore, #tpu.memory_space<semaphore_mem>>)
    %dma_start3A_160 = arith.constant 0 : i32
    %dma_start3A_161 = arith.constant 0 : i32
    %dma_start3A_162 = arith.constant 0 : i32
    %dma_start3A_163 = arith.constant 0 : i32
    %dma_start3A_164 = tpu.memref_slice %arg9[%dma_start3A_160, %dma_start3A_162, %dma_start3A_163] : memref<2x96x128xf32, #tpu.memory_space<vmem>> -> memref<1x96x128xf32, #tpu.memory_space<vmem>>
    %dma_start3A_165 = tpu.memref_squeeze %dma_start3A_164 : memref<1x96x128xf32, #tpu.memory_space<vmem>> -> memref<96x128xf32, #tpu.memory_space<vmem>>
    %dma_start3A_166 = arith.constant 192 : i32
    %dma_start3A_167 = tpu.memref_slice %arg7[%dma_start3A_166] : memref<768xi32, #tpu.memory_space<vmem>> -> memref<96xi32, #tpu.memory_space<vmem>>
    %dma_start3A_168 = arith.constant 0 : i32
    %dma_start3A_169 = arith.constant 0 : i32
    %dma_start3A_170 = tpu.memref_slice %arg3[%dma_start3A_168, %dma_start3A_169] : memref<4096x128xf32, #tpu.memory_space<hbm>> -> memref<4096x128xf32, #tpu.memory_space<hbm>>
    %dma_start3A_171 = tpu.memref_slice %arg11[%dma_start3A_161] : memref<2x!tpu.dma_semaphore, #tpu.memory_space<semaphore_mem>> -> memref<1x!tpu.dma_semaphore, #tpu.memory_space<semaphore_mem>>
    %dma_start3A_172 = tpu.memref_squeeze %dma_start3A_171 : memref<1x!tpu.dma_semaphore, #tpu.memory_space<semaphore_mem>> -> memref<!tpu.dma_semaphore, #tpu.memory_space<semaphore_mem>>
    tpu.enqueue_indirect_dma source(%dma_start3A_170 : memref<4096x128xf32, #tpu.memory_space<hbm>>) target(%dma_start3A_165 : memref<96x128xf32, #tpu.memory_space<vmem>>) offsets(%dma_start3A_167 : memref<96xi32, #tpu.memory_space<vmem>>) semaphore(%dma_start3A_172 : memref<!tpu.dma_semaphore, #tpu.memory_space<semaphore_mem>>)
    %add3A_173 = arith.constant 192 : i32
    %add3A_174 = arith.addi %mul3A_2, %add3A_173 : i32
    %dma_wait3A_175 = arith.constant 1 : i32
    %dma_wait3A_176 = arith.constant 1 : i32
    %dma_wait3A_177 = arith.constant 0 : i32
    %dma_wait3A_178 = arith.constant 0 : i32
    %dma_wait3A_179 = tpu.memref_slice %arg8[%dma_wait3A_175, %dma_wait3A_177, %dma_wait3A_178] : memref<2x96x256xi32, #tpu.memory_space<vmem>> -> memref<1x96x256xi32, #tpu.memory_space<vmem>>
    %dma_wait3A_180 = tpu.memref_squeeze %dma_wait3A_179 : memref<1x96x256xi32, #tpu.memory_space<vmem>> -> memref<96x256xi32, #tpu.memory_space<vmem>>
    %dma_wait3A_181 = arith.constant 96 : i32
    %dma_wait3A_182 = tpu.memref_slice %arg7[%dma_wait3A_181] : memref<768xi32, #tpu.memory_space<vmem>> -> memref<96xi32, #tpu.memory_space<vmem>>
    %dma_wait3A_183 = arith.constant 0 : i32
    %dma_wait3A_184 = arith.constant 0 : i32
    %dma_wait3A_185 = tpu.memref_slice %arg2[%dma_wait3A_183, %dma_wait3A_184] : memref<4096x256xi32, #tpu.memory_space<hbm>> -> memref<4096x256xi32, #tpu.memory_space<hbm>>
    %dma_wait3A_186 = tpu.memref_slice %arg10[%dma_wait3A_176] : memref<2x!tpu.dma_semaphore, #tpu.memory_space<semaphore_mem>> -> memref<1x!tpu.dma_semaphore, #tpu.memory_space<semaphore_mem>>
    %dma_wait3A_187 = tpu.memref_squeeze %dma_wait3A_186 : memref<1x!tpu.dma_semaphore, #tpu.memory_space<semaphore_mem>> -> memref<!tpu.dma_semaphore, #tpu.memory_space<semaphore_mem>>
    tpu.wait_indirect_dma semaphore(%dma_wait3A_187 : memref<!tpu.dma_semaphore, #tpu.memory_space<semaphore_mem>>) src(%dma_wait3A_185 : memref<4096x256xi32, #tpu.memory_space<hbm>>) dst(%dma_wait3A_180 : memref<96x256xi32, #tpu.memory_space<vmem>>)
    %dma_wait3A_188 = arith.constant 1 : i32
    %dma_wait3A_189 = arith.constant 1 : i32
    %dma_wait3A_190 = arith.constant 0 : i32
    %dma_wait3A_191 = arith.constant 0 : i32
    %dma_wait3A_192 = tpu.memref_slice %arg9[%dma_wait3A_188, %dma_wait3A_190, %dma_wait3A_191] : memref<2x96x128xf32, #tpu.memory_space<vmem>> -> memref<1x96x128xf32, #tpu.memory_space<vmem>>
    %dma_wait3A_193 = tpu.memref_squeeze %dma_wait3A_192 : memref<1x96x128xf32, #tpu.memory_space<vmem>> -> memref<96x128xf32, #tpu.memory_space<vmem>>
    %dma_wait3A_194 = arith.constant 96 : i32
    %dma_wait3A_195 = tpu.memref_slice %arg7[%dma_wait3A_194] : memref<768xi32, #tpu.memory_space<vmem>> -> memref<96xi32, #tpu.memory_space<vmem>>
    %dma_wait3A_196 = arith.constant 0 : i32
    %dma_wait3A_197 = arith.constant 0 : i32
    %dma_wait3A_198 = tpu.memref_slice %arg3[%dma_wait3A_196, %dma_wait3A_197] : memref<4096x128xf32, #tpu.memory_space<hbm>> -> memref<4096x128xf32, #tpu.memory_space<hbm>>
    %dma_wait3A_199 = tpu.memref_slice %arg11[%dma_wait3A_189] : memref<2x!tpu.dma_semaphore, #tpu.memory_space<semaphore_mem>> -> memref<1x!tpu.dma_semaphore, #tpu.memory_space<semaphore_mem>>
    %dma_wait3A_200 = tpu.memref_squeeze %dma_wait3A_199 : memref<1x!tpu.dma_semaphore, #tpu.memory_space<semaphore_mem>> -> memref<!tpu.dma_semaphore, #tpu.memory_space<semaphore_mem>>
    tpu.wait_indirect_dma semaphore(%dma_wait3A_200 : memref<!tpu.dma_semaphore, #tpu.memory_space<semaphore_mem>>) src(%dma_wait3A_198 : memref<4096x128xf32, #tpu.memory_space<hbm>>) dst(%dma_wait3A_193 : memref<96x128xf32, #tpu.memory_space<vmem>>)
    %dma_start3A_201 = arith.constant 1 : i32
    %dma_start3A_202 = arith.constant 1 : i32
    %dma_start3A_203 = arith.constant 0 : i32
    %dma_start3A_204 = arith.constant 0 : i32
    %dma_start3A_205 = tpu.memref_slice %arg8[%dma_start3A_201, %dma_start3A_203, %dma_start3A_204] : memref<2x96x256xi32, #tpu.memory_space<vmem>> -> memref<1x96x256xi32, #tpu.memory_space<vmem>>
    %dma_start3A_206 = tpu.memref_squeeze %dma_start3A_205 : memref<1x96x256xi32, #tpu.memory_space<vmem>> -> memref<96x256xi32, #tpu.memory_space<vmem>>
    %dma_start3A_207 = arith.constant 0 : i32
    %dma_start3A_208 = tpu.memref_slice %arg5[%add3A_57, %dma_start3A_207] : memref<24576x256xi32, #tpu.memory_space<hbm>> -> memref<96x256xi32, #tpu.memory_space<hbm>>
    %dma_start3A_209 = tpu.memref_slice %arg12[%dma_start3A_202] : memref<2x!tpu.dma_semaphore, #tpu.memory_space<semaphore_mem>> -> memref<1x!tpu.dma_semaphore, #tpu.memory_space<semaphore_mem>>
    %dma_start3A_210 = tpu.memref_squeeze %dma_start3A_209 : memref<1x!tpu.dma_semaphore, #tpu.memory_space<semaphore_mem>> -> memref<!tpu.dma_semaphore, #tpu.memory_space<semaphore_mem>>
    %dma_start3A_211 = arith.constant 0 : i32
    %dma_start3A_212 = tpu.memref_slice %arg5[%add3A_57, %dma_start3A_211] : memref<24576x256xi32, #tpu.memory_space<hbm>> -> memref<96x256xi32, #tpu.memory_space<hbm>>
    %dma_start3A_213 = arith.constant 0 : i32
    %dma_start3A_214 = arith.constant 0 : i32
    %dma_start3A_215 = tpu.memref_slice %arg8[%dma_start3A_201, %dma_start3A_213, %dma_start3A_214] : memref<2x96x256xi32, #tpu.memory_space<vmem>> -> memref<1x96x256xi32, #tpu.memory_space<vmem>>
    %dma_start3A_216 = tpu.memref_squeeze %dma_start3A_215 : memref<1x96x256xi32, #tpu.memory_space<vmem>> -> memref<96x256xi32, #tpu.memory_space<vmem>>
    tpu.enqueue_dma source(%dma_start3A_216 : memref<96x256xi32, #tpu.memory_space<vmem>>) target(%dma_start3A_212 : memref<96x256xi32, #tpu.memory_space<hbm>>) target_semaphore(%dma_start3A_210 : memref<!tpu.dma_semaphore, #tpu.memory_space<semaphore_mem>>)
    %dma_start3A_217 = arith.constant 1 : i32
    %dma_start3A_218 = arith.constant 1 : i32
    %dma_start3A_219 = arith.constant 0 : i32
    %dma_start3A_220 = arith.constant 0 : i32
    %dma_start3A_221 = tpu.memref_slice %arg9[%dma_start3A_217, %dma_start3A_219, %dma_start3A_220] : memref<2x96x128xf32, #tpu.memory_space<vmem>> -> memref<1x96x128xf32, #tpu.memory_space<vmem>>
    %dma_start3A_222 = tpu.memref_squeeze %dma_start3A_221 : memref<1x96x128xf32, #tpu.memory_space<vmem>> -> memref<96x128xf32, #tpu.memory_space<vmem>>
    %dma_start3A_223 = arith.constant 0 : i32
    %dma_start3A_224 = tpu.memref_slice %arg6[%add3A_57, %dma_start3A_223] : memref<24576x128xf32, #tpu.memory_space<hbm>> -> memref<96x128xf32, #tpu.memory_space<hbm>>
    %dma_start3A_225 = tpu.memref_slice %arg13[%dma_start3A_218] : memref<2x!tpu.dma_semaphore, #tpu.memory_space<semaphore_mem>> -> memref<1x!tpu.dma_semaphore, #tpu.memory_space<semaphore_mem>>
    %dma_start3A_226 = tpu.memref_squeeze %dma_start3A_225 : memref<1x!tpu.dma_semaphore, #tpu.memory_space<semaphore_mem>> -> memref<!tpu.dma_semaphore, #tpu.memory_space<semaphore_mem>>
    %dma_start3A_227 = arith.constant 0 : i32
    %dma_start3A_228 = tpu.memref_slice %arg6[%add3A_57, %dma_start3A_227] : memref<24576x128xf32, #tpu.memory_space<hbm>> -> memref<96x128xf32, #tpu.memory_space<hbm>>
    %dma_start3A_229 = arith.constant 0 : i32
    %dma_start3A_230 = arith.constant 0 : i32
    %dma_start3A_231 = tpu.memref_slice %arg9[%dma_start3A_217, %dma_start3A_229, %dma_start3A_230] : memref<2x96x128xf32, #tpu.memory_space<vmem>> -> memref<1x96x128xf32, #tpu.memory_space<vmem>>
    %dma_start3A_232 = tpu.memref_squeeze %dma_start3A_231 : memref<1x96x128xf32, #tpu.memory_space<vmem>> -> memref<96x128xf32, #tpu.memory_space<vmem>>
    tpu.enqueue_dma source(%dma_start3A_232 : memref<96x128xf32, #tpu.memory_space<vmem>>) target(%dma_start3A_228 : memref<96x128xf32, #tpu.memory_space<hbm>>) target_semaphore(%dma_start3A_226 : memref<!tpu.dma_semaphore, #tpu.memory_space<semaphore_mem>>)
    %dma_wait3A_233 = arith.constant 1 : i32
    %dma_wait3A_234 = arith.constant 1 : i32
    %dma_wait3A_235 = arith.constant 0 : i32
    %dma_wait3A_236 = arith.constant 0 : i32
    %dma_wait3A_237 = tpu.memref_slice %arg8[%dma_wait3A_233, %dma_wait3A_235, %dma_wait3A_236] : memref<2x96x256xi32, #tpu.memory_space<vmem>> -> memref<1x96x256xi32, #tpu.memory_space<vmem>>
    %dma_wait3A_238 = tpu.memref_squeeze %dma_wait3A_237 : memref<1x96x256xi32, #tpu.memory_space<vmem>> -> memref<96x256xi32, #tpu.memory_space<vmem>>
    %dma_wait3A_239 = arith.constant 0 : i32
    %dma_wait3A_240 = tpu.memref_slice %arg5[%add3A_57, %dma_wait3A_239] : memref<24576x256xi32, #tpu.memory_space<hbm>> -> memref<96x256xi32, #tpu.memory_space<hbm>>
    %dma_wait3A_241 = tpu.memref_slice %arg12[%dma_wait3A_234] : memref<2x!tpu.dma_semaphore, #tpu.memory_space<semaphore_mem>> -> memref<1x!tpu.dma_semaphore, #tpu.memory_space<semaphore_mem>>
    %dma_wait3A_242 = tpu.memref_squeeze %dma_wait3A_241 : memref<1x!tpu.dma_semaphore, #tpu.memory_space<semaphore_mem>> -> memref<!tpu.dma_semaphore, #tpu.memory_space<semaphore_mem>>
    %dma_wait3A_243 = arith.constant 0 : i32
    %dma_wait3A_244 = tpu.memref_slice %arg5[%add3A_57, %dma_wait3A_243] : memref<24576x256xi32, #tpu.memory_space<hbm>> -> memref<96x256xi32, #tpu.memory_space<hbm>>
    %dma_wait3A_245 = arith.constant 0 : i32
    %dma_wait3A_246 = arith.constant 0 : i32
    %dma_wait3A_247 = tpu.memref_slice %arg8[%dma_wait3A_233, %dma_wait3A_245, %dma_wait3A_246] : memref<2x96x256xi32, #tpu.memory_space<vmem>> -> memref<1x96x256xi32, #tpu.memory_space<vmem>>
    %dma_wait3A_248 = tpu.memref_squeeze %dma_wait3A_247 : memref<1x96x256xi32, #tpu.memory_space<vmem>> -> memref<96x256xi32, #tpu.memory_space<vmem>>
    tpu.wait_dma2 semaphore(%dma_wait3A_242 : memref<!tpu.dma_semaphore, #tpu.memory_space<semaphore_mem>>) src(%dma_wait3A_248 : memref<96x256xi32, #tpu.memory_space<vmem>>) dst(%dma_wait3A_244 : memref<96x256xi32, #tpu.memory_space<hbm>>)
    %dma_wait3A_249 = arith.constant 1 : i32
    %dma_wait3A_250 = arith.constant 1 : i32
    %dma_wait3A_251 = arith.constant 0 : i32
    %dma_wait3A_252 = arith.constant 0 : i32
    %dma_wait3A_253 = tpu.memref_slice %arg9[%dma_wait3A_249, %dma_wait3A_251, %dma_wait3A_252] : memref<2x96x128xf32, #tpu.memory_space<vmem>> -> memref<1x96x128xf32, #tpu.memory_space<vmem>>
    %dma_wait3A_254 = tpu.memref_squeeze %dma_wait3A_253 : memref<1x96x128xf32, #tpu.memory_space<vmem>> -> memref<96x128xf32, #tpu.memory_space<vmem>>
    %dma_wait3A_255 = arith.constant 0 : i32
    %dma_wait3A_256 = tpu.memref_slice %arg6[%add3A_57, %dma_wait3A_255] : memref<24576x128xf32, #tpu.memory_space<hbm>> -> memref<96x128xf32, #tpu.memory_space<hbm>>
    %dma_wait3A_257 = tpu.memref_slice %arg13[%dma_wait3A_250] : memref<2x!tpu.dma_semaphore, #tpu.memory_space<semaphore_mem>> -> memref<1x!tpu.dma_semaphore, #tpu.memory_space<semaphore_mem>>
    %dma_wait3A_258 = tpu.memref_squeeze %dma_wait3A_257 : memref<1x!tpu.dma_semaphore, #tpu.memory_space<semaphore_mem>> -> memref<!tpu.dma_semaphore, #tpu.memory_space<semaphore_mem>>
    %dma_wait3A_259 = arith.constant 0 : i32
    %dma_wait3A_260 = tpu.memref_slice %arg6[%add3A_57, %dma_wait3A_259] : memref<24576x128xf32, #tpu.memory_space<hbm>> -> memref<96x128xf32, #tpu.memory_space<hbm>>
    %dma_wait3A_261 = arith.constant 0 : i32
    %dma_wait3A_262 = arith.constant 0 : i32
    %dma_wait3A_263 = tpu.memref_slice %arg9[%dma_wait3A_249, %dma_wait3A_261, %dma_wait3A_262] : memref<2x96x128xf32, #tpu.memory_space<vmem>> -> memref<1x96x128xf32, #tpu.memory_space<vmem>>
    %dma_wait3A_264 = tpu.memref_squeeze %dma_wait3A_263 : memref<1x96x128xf32, #tpu.memory_space<vmem>> -> memref<96x128xf32, #tpu.memory_space<vmem>>
    tpu.wait_dma2 semaphore(%dma_wait3A_258 : memref<!tpu.dma_semaphore, #tpu.memory_space<semaphore_mem>>) src(%dma_wait3A_264 : memref<96x128xf32, #tpu.memory_space<vmem>>) dst(%dma_wait3A_260 : memref<96x128xf32, #tpu.memory_space<hbm>>)
    %dma_start3A_265 = arith.constant 1 : i32
    %dma_start3A_266 = arith.constant 1 : i32
    %dma_start3A_267 = arith.constant 0 : i32
    %dma_start3A_268 = arith.constant 0 : i32
    %dma_start3A_269 = tpu.memref_slice %arg8[%dma_start3A_265, %dma_start3A_267, %dma_start3A_268] : memref<2x96x256xi32, #tpu.memory_space<vmem>> -> memref<1x96x256xi32, #tpu.memory_space<vmem>>
    %dma_start3A_270 = tpu.memref_squeeze %dma_start3A_269 : memref<1x96x256xi32, #tpu.memory_space<vmem>> -> memref<96x256xi32, #tpu.memory_space<vmem>>
    %dma_start3A_271 = arith.constant 288 : i32
    %dma_start3A_272 = tpu.memref_slice %arg7[%dma_start3A_271] : memref<768xi32, #tpu.memory_space<vmem>> -> memref<96xi32, #tpu.memory_space<vmem>>
    %dma_start3A_273 = arith.constant 0 : i32
    %dma_start3A_274 = arith.constant 0 : i32
    %dma_start3A_275 = tpu.memref_slice %arg2[%dma_start3A_273, %dma_start3A_274] : memref<4096x256xi32, #tpu.memory_space<hbm>> -> memref<4096x256xi32, #tpu.memory_space<hbm>>
    %dma_start3A_276 = tpu.memref_slice %arg10[%dma_start3A_266] : memref<2x!tpu.dma_semaphore, #tpu.memory_space<semaphore_mem>> -> memref<1x!tpu.dma_semaphore, #tpu.memory_space<semaphore_mem>>
    %dma_start3A_277 = tpu.memref_squeeze %dma_start3A_276 : memref<1x!tpu.dma_semaphore, #tpu.memory_space<semaphore_mem>> -> memref<!tpu.dma_semaphore, #tpu.memory_space<semaphore_mem>>
    tpu.enqueue_indirect_dma source(%dma_start3A_275 : memref<4096x256xi32, #tpu.memory_space<hbm>>) target(%dma_start3A_270 : memref<96x256xi32, #tpu.memory_space<vmem>>) offsets(%dma_start3A_272 : memref<96xi32, #tpu.memory_space<vmem>>) semaphore(%dma_start3A_277 : memref<!tpu.dma_semaphore, #tpu.memory_space<semaphore_mem>>)
    %dma_start3A_278 = arith.constant 1 : i32
    %dma_start3A_279 = arith.constant 1 : i32
    %dma_start3A_280 = arith.constant 0 : i32
    %dma_start3A_281 = arith.constant 0 : i32
    %dma_start3A_282 = tpu.memref_slice %arg9[%dma_start3A_278, %dma_start3A_280, %dma_start3A_281] : memref<2x96x128xf32, #tpu.memory_space<vmem>> -> memref<1x96x128xf32, #tpu.memory_space<vmem>>
    %dma_start3A_283 = tpu.memref_squeeze %dma_start3A_282 : memref<1x96x128xf32, #tpu.memory_space<vmem>> -> memref<96x128xf32, #tpu.memory_space<vmem>>
    %dma_start3A_284 = arith.constant 288 : i32
    %dma_start3A_285 = tpu.memref_slice %arg7[%dma_start3A_284] : memref<768xi32, #tpu.memory_space<vmem>> -> memref<96xi32, #tpu.memory_space<vmem>>
    %dma_start3A_286 = arith.constant 0 : i32
    %dma_start3A_287 = arith.constant 0 : i32
    %dma_start3A_288 = tpu.memref_slice %arg3[%dma_start3A_286, %dma_start3A_287] : memref<4096x128xf32, #tpu.memory_space<hbm>> -> memref<4096x128xf32, #tpu.memory_space<hbm>>
    %dma_start3A_289 = tpu.memref_slice %arg11[%dma_start3A_279] : memref<2x!tpu.dma_semaphore, #tpu.memory_space<semaphore_mem>> -> memref<1x!tpu.dma_semaphore, #tpu.memory_space<semaphore_mem>>
    %dma_start3A_290 = tpu.memref_squeeze %dma_start3A_289 : memref<1x!tpu.dma_semaphore, #tpu.memory_space<semaphore_mem>> -> memref<!tpu.dma_semaphore, #tpu.memory_space<semaphore_mem>>
    tpu.enqueue_indirect_dma source(%dma_start3A_288 : memref<4096x128xf32, #tpu.memory_space<hbm>>) target(%dma_start3A_283 : memref<96x128xf32, #tpu.memory_space<vmem>>) offsets(%dma_start3A_285 : memref<96xi32, #tpu.memory_space<vmem>>) semaphore(%dma_start3A_290 : memref<!tpu.dma_semaphore, #tpu.memory_space<semaphore_mem>>)
    %add3A_291 = arith.constant 288 : i32
    %add3A_292 = arith.addi %mul3A_2, %add3A_291 : i32
    %dma_wait3A_293 = arith.constant 0 : i32
    %dma_wait3A_294 = arith.constant 0 : i32
    %dma_wait3A_295 = arith.constant 0 : i32
    %dma_wait3A_296 = arith.constant 0 : i32
    %dma_wait3A_297 = tpu.memref_slice %arg8[%dma_wait3A_293, %dma_wait3A_295, %dma_wait3A_296] : memref<2x96x256xi32, #tpu.memory_space<vmem>> -> memref<1x96x256xi32, #tpu.memory_space<vmem>>
    %dma_wait3A_298 = tpu.memref_squeeze %dma_wait3A_297 : memref<1x96x256xi32, #tpu.memory_space<vmem>> -> memref<96x256xi32, #tpu.memory_space<vmem>>
    %dma_wait3A_299 = arith.constant 192 : i32
    %dma_wait3A_300 = tpu.memref_slice %arg7[%dma_wait3A_299] : memref<768xi32, #tpu.memory_space<vmem>> -> memref<96xi32, #tpu.memory_space<vmem>>
    %dma_wait3A_301 = arith.constant 0 : i32
    %dma_wait3A_302 = arith.constant 0 : i32
    %dma_wait3A_303 = tpu.memref_slice %arg2[%dma_wait3A_301, %dma_wait3A_302] : memref<4096x256xi32, #tpu.memory_space<hbm>> -> memref<4096x256xi32, #tpu.memory_space<hbm>>
    %dma_wait3A_304 = tpu.memref_slice %arg10[%dma_wait3A_294] : memref<2x!tpu.dma_semaphore, #tpu.memory_space<semaphore_mem>> -> memref<1x!tpu.dma_semaphore, #tpu.memory_space<semaphore_mem>>
    %dma_wait3A_305 = tpu.memref_squeeze %dma_wait3A_304 : memref<1x!tpu.dma_semaphore, #tpu.memory_space<semaphore_mem>> -> memref<!tpu.dma_semaphore, #tpu.memory_space<semaphore_mem>>
    tpu.wait_indirect_dma semaphore(%dma_wait3A_305 : memref<!tpu.dma_semaphore, #tpu.memory_space<semaphore_mem>>) src(%dma_wait3A_303 : memref<4096x256xi32, #tpu.memory_space<hbm>>) dst(%dma_wait3A_298 : memref<96x256xi32, #tpu.memory_space<vmem>>)
    %dma_wait3A_306 = arith.constant 0 : i32
    %dma_wait3A_307 = arith.constant 0 : i32
    %dma_wait3A_308 = arith.constant 0 : i32
    %dma_wait3A_309 = arith.constant 0 : i32
    %dma_wait3A_310 = tpu.memref_slice %arg9[%dma_wait3A_306, %dma_wait3A_308, %dma_wait3A_309] : memref<2x96x128xf32, #tpu.memory_space<vmem>> -> memref<1x96x128xf32, #tpu.memory_space<vmem>>
    %dma_wait3A_311 = tpu.memref_squeeze %dma_wait3A_310 : memref<1x96x128xf32, #tpu.memory_space<vmem>> -> memref<96x128xf32, #tpu.memory_space<vmem>>
    %dma_wait3A_312 = arith.constant 192 : i32
    %dma_wait3A_313 = tpu.memref_slice %arg7[%dma_wait3A_312] : memref<768xi32, #tpu.memory_space<vmem>> -> memref<96xi32, #tpu.memory_space<vmem>>
    %dma_wait3A_314 = arith.constant 0 : i32
    %dma_wait3A_315 = arith.constant 0 : i32
    %dma_wait3A_316 = tpu.memref_slice %arg3[%dma_wait3A_314, %dma_wait3A_315] : memref<4096x128xf32, #tpu.memory_space<hbm>> -> memref<4096x128xf32, #tpu.memory_space<hbm>>
    %dma_wait3A_317 = tpu.memref_slice %arg11[%dma_wait3A_307] : memref<2x!tpu.dma_semaphore, #tpu.memory_space<semaphore_mem>> -> memref<1x!tpu.dma_semaphore, #tpu.memory_space<semaphore_mem>>
    %dma_wait3A_318 = tpu.memref_squeeze %dma_wait3A_317 : memref<1x!tpu.dma_semaphore, #tpu.memory_space<semaphore_mem>> -> memref<!tpu.dma_semaphore, #tpu.memory_space<semaphore_mem>>
    tpu.wait_indirect_dma semaphore(%dma_wait3A_318 : memref<!tpu.dma_semaphore, #tpu.memory_space<semaphore_mem>>) src(%dma_wait3A_316 : memref<4096x128xf32, #tpu.memory_space<hbm>>) dst(%dma_wait3A_311 : memref<96x128xf32, #tpu.memory_space<vmem>>)
    %dma_start3A_319 = arith.constant 0 : i32
    %dma_start3A_320 = arith.constant 0 : i32
    %dma_start3A_321 = arith.constant 0 : i32
    %dma_start3A_322 = arith.constant 0 : i32
    %dma_start3A_323 = tpu.memref_slice %arg8[%dma_start3A_319, %dma_start3A_321, %dma_start3A_322] : memref<2x96x256xi32, #tpu.memory_space<vmem>> -> memref<1x96x256xi32, #tpu.memory_space<vmem>>
    %dma_start3A_324 = tpu.memref_squeeze %dma_start3A_323 : memref<1x96x256xi32, #tpu.memory_space<vmem>> -> memref<96x256xi32, #tpu.memory_space<vmem>>
    %dma_start3A_325 = arith.constant 0 : i32
    %dma_start3A_326 = tpu.memref_slice %arg5[%add3A_174, %dma_start3A_325] : memref<24576x256xi32, #tpu.memory_space<hbm>> -> memref<96x256xi32, #tpu.memory_space<hbm>>
    %dma_start3A_327 = tpu.memref_slice %arg12[%dma_start3A_320] : memref<2x!tpu.dma_semaphore, #tpu.memory_space<semaphore_mem>> -> memref<1x!tpu.dma_semaphore, #tpu.memory_space<semaphore_mem>>
    %dma_start3A_328 = tpu.memref_squeeze %dma_start3A_327 : memref<1x!tpu.dma_semaphore, #tpu.memory_space<semaphore_mem>> -> memref<!tpu.dma_semaphore, #tpu.memory_space<semaphore_mem>>
    %dma_start3A_329 = arith.constant 0 : i32
    %dma_start3A_330 = tpu.memref_slice %arg5[%add3A_174, %dma_start3A_329] : memref<24576x256xi32, #tpu.memory_space<hbm>> -> memref<96x256xi32, #tpu.memory_space<hbm>>
    %dma_start3A_331 = arith.constant 0 : i32
    %dma_start3A_332 = arith.constant 0 : i32
    %dma_start3A_333 = tpu.memref_slice %arg8[%dma_start3A_319, %dma_start3A_331, %dma_start3A_332] : memref<2x96x256xi32, #tpu.memory_space<vmem>> -> memref<1x96x256xi32, #tpu.memory_space<vmem>>
    %dma_start3A_334 = tpu.memref_squeeze %dma_start3A_333 : memref<1x96x256xi32, #tpu.memory_space<vmem>> -> memref<96x256xi32, #tpu.memory_space<vmem>>
    tpu.enqueue_dma source(%dma_start3A_334 : memref<96x256xi32, #tpu.memory_space<vmem>>) target(%dma_start3A_330 : memref<96x256xi32, #tpu.memory_space<hbm>>) target_semaphore(%dma_start3A_328 : memref<!tpu.dma_semaphore, #tpu.memory_space<semaphore_mem>>)
    %dma_start3A_335 = arith.constant 0 : i32
    %dma_start3A_336 = arith.constant 0 : i32
    %dma_start3A_337 = arith.constant 0 : i32
    %dma_start3A_338 = arith.constant 0 : i32
    %dma_start3A_339 = tpu.memref_slice %arg9[%dma_start3A_335, %dma_start3A_337, %dma_start3A_338] : memref<2x96x128xf32, #tpu.memory_space<vmem>> -> memref<1x96x128xf32, #tpu.memory_space<vmem>>
    %dma_start3A_340 = tpu.memref_squeeze %dma_start3A_339 : memref<1x96x128xf32, #tpu.memory_space<vmem>> -> memref<96x128xf32, #tpu.memory_space<vmem>>
    %dma_start3A_341 = arith.constant 0 : i32
    %dma_start3A_342 = tpu.memref_slice %arg6[%add3A_174, %dma_start3A_341] : memref<24576x128xf32, #tpu.memory_space<hbm>> -> memref<96x128xf32, #tpu.memory_space<hbm>>
    %dma_start3A_343 = tpu.memref_slice %arg13[%dma_start3A_336] : memref<2x!tpu.dma_semaphore, #tpu.memory_space<semaphore_mem>> -> memref<1x!tpu.dma_semaphore, #tpu.memory_space<semaphore_mem>>
    %dma_start3A_344 = tpu.memref_squeeze %dma_start3A_343 : memref<1x!tpu.dma_semaphore, #tpu.memory_space<semaphore_mem>> -> memref<!tpu.dma_semaphore, #tpu.memory_space<semaphore_mem>>
    %dma_start3A_345 = arith.constant 0 : i32
    %dma_start3A_346 = tpu.memref_slice %arg6[%add3A_174, %dma_start3A_345] : memref<24576x128xf32, #tpu.memory_space<hbm>> -> memref<96x128xf32, #tpu.memory_space<hbm>>
    %dma_start3A_347 = arith.constant 0 : i32
    %dma_start3A_348 = arith.constant 0 : i32
    %dma_start3A_349 = tpu.memref_slice %arg9[%dma_start3A_335, %dma_start3A_347, %dma_start3A_348] : memref<2x96x128xf32, #tpu.memory_space<vmem>> -> memref<1x96x128xf32, #tpu.memory_space<vmem>>
    %dma_start3A_350 = tpu.memref_squeeze %dma_start3A_349 : memref<1x96x128xf32, #tpu.memory_space<vmem>> -> memref<96x128xf32, #tpu.memory_space<vmem>>
    tpu.enqueue_dma source(%dma_start3A_350 : memref<96x128xf32, #tpu.memory_space<vmem>>) target(%dma_start3A_346 : memref<96x128xf32, #tpu.memory_space<hbm>>) target_semaphore(%dma_start3A_344 : memref<!tpu.dma_semaphore, #tpu.memory_space<semaphore_mem>>)
    %dma_wait3A_351 = arith.constant 0 : i32
    %dma_wait3A_352 = arith.constant 0 : i32
    %dma_wait3A_353 = arith.constant 0 : i32
    %dma_wait3A_354 = arith.constant 0 : i32
    %dma_wait3A_355 = tpu.memref_slice %arg8[%dma_wait3A_351, %dma_wait3A_353, %dma_wait3A_354] : memref<2x96x256xi32, #tpu.memory_space<vmem>> -> memref<1x96x256xi32, #tpu.memory_space<vmem>>
    %dma_wait3A_356 = tpu.memref_squeeze %dma_wait3A_355 : memref<1x96x256xi32, #tpu.memory_space<vmem>> -> memref<96x256xi32, #tpu.memory_space<vmem>>
    %dma_wait3A_357 = arith.constant 0 : i32
    %dma_wait3A_358 = tpu.memref_slice %arg5[%add3A_174, %dma_wait3A_357] : memref<24576x256xi32, #tpu.memory_space<hbm>> -> memref<96x256xi32, #tpu.memory_space<hbm>>
    %dma_wait3A_359 = tpu.memref_slice %arg12[%dma_wait3A_352] : memref<2x!tpu.dma_semaphore, #tpu.memory_space<semaphore_mem>> -> memref<1x!tpu.dma_semaphore, #tpu.memory_space<semaphore_mem>>
    %dma_wait3A_360 = tpu.memref_squeeze %dma_wait3A_359 : memref<1x!tpu.dma_semaphore, #tpu.memory_space<semaphore_mem>> -> memref<!tpu.dma_semaphore, #tpu.memory_space<semaphore_mem>>
    %dma_wait3A_361 = arith.constant 0 : i32
    %dma_wait3A_362 = tpu.memref_slice %arg5[%add3A_174, %dma_wait3A_361] : memref<24576x256xi32, #tpu.memory_space<hbm>> -> memref<96x256xi32, #tpu.memory_space<hbm>>
    %dma_wait3A_363 = arith.constant 0 : i32
    %dma_wait3A_364 = arith.constant 0 : i32
    %dma_wait3A_365 = tpu.memref_slice %arg8[%dma_wait3A_351, %dma_wait3A_363, %dma_wait3A_364] : memref<2x96x256xi32, #tpu.memory_space<vmem>> -> memref<1x96x256xi32, #tpu.memory_space<vmem>>
    %dma_wait3A_366 = tpu.memref_squeeze %dma_wait3A_365 : memref<1x96x256xi32, #tpu.memory_space<vmem>> -> memref<96x256xi32, #tpu.memory_space<vmem>>
    tpu.wait_dma2 semaphore(%dma_wait3A_360 : memref<!tpu.dma_semaphore, #tpu.memory_space<semaphore_mem>>) src(%dma_wait3A_366 : memref<96x256xi32, #tpu.memory_space<vmem>>) dst(%dma_wait3A_362 : memref<96x256xi32, #tpu.memory_space<hbm>>)
    %dma_wait3A_367 = arith.constant 0 : i32
    %dma_wait3A_368 = arith.constant 0 : i32
    %dma_wait3A_369 = arith.constant 0 : i32
    %dma_wait3A_370 = arith.constant 0 : i32
    %dma_wait3A_371 = tpu.memref_slice %arg9[%dma_wait3A_367, %dma_wait3A_369, %dma_wait3A_370] : memref<2x96x128xf32, #tpu.memory_space<vmem>> -> memref<1x96x128xf32, #tpu.memory_space<vmem>>
    %dma_wait3A_372 = tpu.memref_squeeze %dma_wait3A_371 : memref<1x96x128xf32, #tpu.memory_space<vmem>> -> memref<96x128xf32, #tpu.memory_space<vmem>>
    %dma_wait3A_373 = arith.constant 0 : i32
    %dma_wait3A_374 = tpu.memref_slice %arg6[%add3A_174, %dma_wait3A_373] : memref<24576x128xf32, #tpu.memory_space<hbm>> -> memref<96x128xf32, #tpu.memory_space<hbm>>
    %dma_wait3A_375 = tpu.memref_slice %arg13[%dma_wait3A_368] : memref<2x!tpu.dma_semaphore, #tpu.memory_space<semaphore_mem>> -> memref<1x!tpu.dma_semaphore, #tpu.memory_space<semaphore_mem>>
    %dma_wait3A_376 = tpu.memref_squeeze %dma_wait3A_375 : memref<1x!tpu.dma_semaphore, #tpu.memory_space<semaphore_mem>> -> memref<!tpu.dma_semaphore, #tpu.memory_space<semaphore_mem>>
    %dma_wait3A_377 = arith.constant 0 : i32
    %dma_wait3A_378 = tpu.memref_slice %arg6[%add3A_174, %dma_wait3A_377] : memref<24576x128xf32, #tpu.memory_space<hbm>> -> memref<96x128xf32, #tpu.memory_space<hbm>>
    %dma_wait3A_379 = arith.constant 0 : i32
    %dma_wait3A_380 = arith.constant 0 : i32
    %dma_wait3A_381 = tpu.memref_slice %arg9[%dma_wait3A_367, %dma_wait3A_379, %dma_wait3A_380] : memref<2x96x128xf32, #tpu.memory_space<vmem>> -> memref<1x96x128xf32, #tpu.memory_space<vmem>>
    %dma_wait3A_382 = tpu.memref_squeeze %dma_wait3A_381 : memref<1x96x128xf32, #tpu.memory_space<vmem>> -> memref<96x128xf32, #tpu.memory_space<vmem>>
    tpu.wait_dma2 semaphore(%dma_wait3A_376 : memref<!tpu.dma_semaphore, #tpu.memory_space<semaphore_mem>>) src(%dma_wait3A_382 : memref<96x128xf32, #tpu.memory_space<vmem>>) dst(%dma_wait3A_378 : memref<96x128xf32, #tpu.memory_space<hbm>>)
    %dma_start3A_383 = arith.constant 0 : i32
    %dma_start3A_384 = arith.constant 0 : i32
    %dma_start3A_385 = arith.constant 0 : i32
    %dma_start3A_386 = arith.constant 0 : i32
    %dma_start3A_387 = tpu.memref_slice %arg8[%dma_start3A_383, %dma_start3A_385, %dma_start3A_386] : memref<2x96x256xi32, #tpu.memory_space<vmem>> -> memref<1x96x256xi32, #tpu.memory_space<vmem>>
    %dma_start3A_388 = tpu.memref_squeeze %dma_start3A_387 : memref<1x96x256xi32, #tpu.memory_space<vmem>> -> memref<96x256xi32, #tpu.memory_space<vmem>>
    %dma_start3A_389 = arith.constant 384 : i32
    %dma_start3A_390 = tpu.memref_slice %arg7[%dma_start3A_389] : memref<768xi32, #tpu.memory_space<vmem>> -> memref<96xi32, #tpu.memory_space<vmem>>
    %dma_start3A_391 = arith.constant 0 : i32
    %dma_start3A_392 = arith.constant 0 : i32
    %dma_start3A_393 = tpu.memref_slice %arg2[%dma_start3A_391, %dma_start3A_392] : memref<4096x256xi32, #tpu.memory_space<hbm>> -> memref<4096x256xi32, #tpu.memory_space<hbm>>
    %dma_start3A_394 = tpu.memref_slice %arg10[%dma_start3A_384] : memref<2x!tpu.dma_semaphore, #tpu.memory_space<semaphore_mem>> -> memref<1x!tpu.dma_semaphore, #tpu.memory_space<semaphore_mem>>
    %dma_start3A_395 = tpu.memref_squeeze %dma_start3A_394 : memref<1x!tpu.dma_semaphore, #tpu.memory_space<semaphore_mem>> -> memref<!tpu.dma_semaphore, #tpu.memory_space<semaphore_mem>>
    tpu.enqueue_indirect_dma source(%dma_start3A_393 : memref<4096x256xi32, #tpu.memory_space<hbm>>) target(%dma_start3A_388 : memref<96x256xi32, #tpu.memory_space<vmem>>) offsets(%dma_start3A_390 : memref<96xi32, #tpu.memory_space<vmem>>) semaphore(%dma_start3A_395 : memref<!tpu.dma_semaphore, #tpu.memory_space<semaphore_mem>>)
    %dma_start3A_396 = arith.constant 0 : i32
    %dma_start3A_397 = arith.constant 0 : i32
    %dma_start3A_398 = arith.constant 0 : i32
    %dma_start3A_399 = arith.constant 0 : i32
    %dma_start3A_400 = tpu.memref_slice %arg9[%dma_start3A_396, %dma_start3A_398, %dma_start3A_399] : memref<2x96x128xf32, #tpu.memory_space<vmem>> -> memref<1x96x128xf32, #tpu.memory_space<vmem>>
    %dma_start3A_401 = tpu.memref_squeeze %dma_start3A_400 : memref<1x96x128xf32, #tpu.memory_space<vmem>> -> memref<96x128xf32, #tpu.memory_space<vmem>>
    %dma_start3A_402 = arith.constant 384 : i32
    %dma_start3A_403 = tpu.memref_slice %arg7[%dma_start3A_402] : memref<768xi32, #tpu.memory_space<vmem>> -> memref<96xi32, #tpu.memory_space<vmem>>
    %dma_start3A_404 = arith.constant 0 : i32
    %dma_start3A_405 = arith.constant 0 : i32
    %dma_start3A_406 = tpu.memref_slice %arg3[%dma_start3A_404, %dma_start3A_405] : memref<4096x128xf32, #tpu.memory_space<hbm>> -> memref<4096x128xf32, #tpu.memory_space<hbm>>
    %dma_start3A_407 = tpu.memref_slice %arg11[%dma_start3A_397] : memref<2x!tpu.dma_semaphore, #tpu.memory_space<semaphore_mem>> -> memref<1x!tpu.dma_semaphore, #tpu.memory_space<semaphore_mem>>
    %dma_start3A_408 = tpu.memref_squeeze %dma_start3A_407 : memref<1x!tpu.dma_semaphore, #tpu.memory_space<semaphore_mem>> -> memref<!tpu.dma_semaphore, #tpu.memory_space<semaphore_mem>>
    tpu.enqueue_indirect_dma source(%dma_start3A_406 : memref<4096x128xf32, #tpu.memory_space<hbm>>) target(%dma_start3A_401 : memref<96x128xf32, #tpu.memory_space<vmem>>) offsets(%dma_start3A_403 : memref<96xi32, #tpu.memory_space<vmem>>) semaphore(%dma_start3A_408 : memref<!tpu.dma_semaphore, #tpu.memory_space<semaphore_mem>>)
    %add3A_409 = arith.constant 384 : i32
    %add3A_410 = arith.addi %mul3A_2, %add3A_409 : i32
    %dma_wait3A_411 = arith.constant 1 : i32
    %dma_wait3A_412 = arith.constant 1 : i32
    %dma_wait3A_413 = arith.constant 0 : i32
    %dma_wait3A_414 = arith.constant 0 : i32
    %dma_wait3A_415 = tpu.memref_slice %arg8[%dma_wait3A_411, %dma_wait3A_413, %dma_wait3A_414] : memref<2x96x256xi32, #tpu.memory_space<vmem>> -> memref<1x96x256xi32, #tpu.memory_space<vmem>>
    %dma_wait3A_416 = tpu.memref_squeeze %dma_wait3A_415 : memref<1x96x256xi32, #tpu.memory_space<vmem>> -> memref<96x256xi32, #tpu.memory_space<vmem>>
    %dma_wait3A_417 = arith.constant 288 : i32
    %dma_wait3A_418 = tpu.memref_slice %arg7[%dma_wait3A_417] : memref<768xi32, #tpu.memory_space<vmem>> -> memref<96xi32, #tpu.memory_space<vmem>>
    %dma_wait3A_419 = arith.constant 0 : i32
    %dma_wait3A_420 = arith.constant 0 : i32
    %dma_wait3A_421 = tpu.memref_slice %arg2[%dma_wait3A_419, %dma_wait3A_420] : memref<4096x256xi32, #tpu.memory_space<hbm>> -> memref<4096x256xi32, #tpu.memory_space<hbm>>
    %dma_wait3A_422 = tpu.memref_slice %arg10[%dma_wait3A_412] : memref<2x!tpu.dma_semaphore, #tpu.memory_space<semaphore_mem>> -> memref<1x!tpu.dma_semaphore, #tpu.memory_space<semaphore_mem>>
    %dma_wait3A_423 = tpu.memref_squeeze %dma_wait3A_422 : memref<1x!tpu.dma_semaphore, #tpu.memory_space<semaphore_mem>> -> memref<!tpu.dma_semaphore, #tpu.memory_space<semaphore_mem>>
    tpu.wait_indirect_dma semaphore(%dma_wait3A_423 : memref<!tpu.dma_semaphore, #tpu.memory_space<semaphore_mem>>) src(%dma_wait3A_421 : memref<4096x256xi32, #tpu.memory_space<hbm>>) dst(%dma_wait3A_416 : memref<96x256xi32, #tpu.memory_space<vmem>>)
    %dma_wait3A_424 = arith.constant 1 : i32
    %dma_wait3A_425 = arith.constant 1 : i32
    %dma_wait3A_426 = arith.constant 0 : i32
    %dma_wait3A_427 = arith.constant 0 : i32
    %dma_wait3A_428 = tpu.memref_slice %arg9[%dma_wait3A_424, %dma_wait3A_426, %dma_wait3A_427] : memref<2x96x128xf32, #tpu.memory_space<vmem>> -> memref<1x96x128xf32, #tpu.memory_space<vmem>>
    %dma_wait3A_429 = tpu.memref_squeeze %dma_wait3A_428 : memref<1x96x128xf32, #tpu.memory_space<vmem>> -> memref<96x128xf32, #tpu.memory_space<vmem>>
    %dma_wait3A_430 = arith.constant 288 : i32
    %dma_wait3A_431 = tpu.memref_slice %arg7[%dma_wait3A_430] : memref<768xi32, #tpu.memory_space<vmem>> -> memref<96xi32, #tpu.memory_space<vmem>>
    %dma_wait3A_432 = arith.constant 0 : i32
    %dma_wait3A_433 = arith.constant 0 : i32
    %dma_wait3A_434 = tpu.memref_slice %arg3[%dma_wait3A_432, %dma_wait3A_433] : memref<4096x128xf32, #tpu.memory_space<hbm>> -> memref<4096x128xf32, #tpu.memory_space<hbm>>
    %dma_wait3A_435 = tpu.memref_slice %arg11[%dma_wait3A_425] : memref<2x!tpu.dma_semaphore, #tpu.memory_space<semaphore_mem>> -> memref<1x!tpu.dma_semaphore, #tpu.memory_space<semaphore_mem>>
    %dma_wait3A_436 = tpu.memref_squeeze %dma_wait3A_435 : memref<1x!tpu.dma_semaphore, #tpu.memory_space<semaphore_mem>> -> memref<!tpu.dma_semaphore, #tpu.memory_space<semaphore_mem>>
    tpu.wait_indirect_dma semaphore(%dma_wait3A_436 : memref<!tpu.dma_semaphore, #tpu.memory_space<semaphore_mem>>) src(%dma_wait3A_434 : memref<4096x128xf32, #tpu.memory_space<hbm>>) dst(%dma_wait3A_429 : memref<96x128xf32, #tpu.memory_space<vmem>>)
    %dma_start3A_437 = arith.constant 1 : i32
    %dma_start3A_438 = arith.constant 1 : i32
    %dma_start3A_439 = arith.constant 0 : i32
    %dma_start3A_440 = arith.constant 0 : i32
    %dma_start3A_441 = tpu.memref_slice %arg8[%dma_start3A_437, %dma_start3A_439, %dma_start3A_440] : memref<2x96x256xi32, #tpu.memory_space<vmem>> -> memref<1x96x256xi32, #tpu.memory_space<vmem>>
    %dma_start3A_442 = tpu.memref_squeeze %dma_start3A_441 : memref<1x96x256xi32, #tpu.memory_space<vmem>> -> memref<96x256xi32, #tpu.memory_space<vmem>>
    %dma_start3A_443 = arith.constant 0 : i32
    %dma_start3A_444 = tpu.memref_slice %arg5[%add3A_292, %dma_start3A_443] : memref<24576x256xi32, #tpu.memory_space<hbm>> -> memref<96x256xi32, #tpu.memory_space<hbm>>
    %dma_start3A_445 = tpu.memref_slice %arg12[%dma_start3A_438] : memref<2x!tpu.dma_semaphore, #tpu.memory_space<semaphore_mem>> -> memref<1x!tpu.dma_semaphore, #tpu.memory_space<semaphore_mem>>
    %dma_start3A_446 = tpu.memref_squeeze %dma_start3A_445 : memref<1x!tpu.dma_semaphore, #tpu.memory_space<semaphore_mem>> -> memref<!tpu.dma_semaphore, #tpu.memory_space<semaphore_mem>>
    %dma_start3A_447 = arith.constant 0 : i32
    %dma_start3A_448 = tpu.memref_slice %arg5[%add3A_292, %dma_start3A_447] : memref<24576x256xi32, #tpu.memory_space<hbm>> -> memref<96x256xi32, #tpu.memory_space<hbm>>
    %dma_start3A_449 = arith.constant 0 : i32
    %dma_start3A_450 = arith.constant 0 : i32
    %dma_start3A_451 = tpu.memref_slice %arg8[%dma_start3A_437, %dma_start3A_449, %dma_start3A_450] : memref<2x96x256xi32, #tpu.memory_space<vmem>> -> memref<1x96x256xi32, #tpu.memory_space<vmem>>
    %dma_start3A_452 = tpu.memref_squeeze %dma_start3A_451 : memref<1x96x256xi32, #tpu.memory_space<vmem>> -> memref<96x256xi32, #tpu.memory_space<vmem>>
    tpu.enqueue_dma source(%dma_start3A_452 : memref<96x256xi32, #tpu.memory_space<vmem>>) target(%dma_start3A_448 : memref<96x256xi32, #tpu.memory_space<hbm>>) target_semaphore(%dma_start3A_446 : memref<!tpu.dma_semaphore, #tpu.memory_space<semaphore_mem>>)
    %dma_start3A_453 = arith.constant 1 : i32
    %dma_start3A_454 = arith.constant 1 : i32
    %dma_start3A_455 = arith.constant 0 : i32
    %dma_start3A_456 = arith.constant 0 : i32
    %dma_start3A_457 = tpu.memref_slice %arg9[%dma_start3A_453, %dma_start3A_455, %dma_start3A_456] : memref<2x96x128xf32, #tpu.memory_space<vmem>> -> memref<1x96x128xf32, #tpu.memory_space<vmem>>
    %dma_start3A_458 = tpu.memref_squeeze %dma_start3A_457 : memref<1x96x128xf32, #tpu.memory_space<vmem>> -> memref<96x128xf32, #tpu.memory_space<vmem>>
    %dma_start3A_459 = arith.constant 0 : i32
    %dma_start3A_460 = tpu.memref_slice %arg6[%add3A_292, %dma_start3A_459] : memref<24576x128xf32, #tpu.memory_space<hbm>> -> memref<96x128xf32, #tpu.memory_space<hbm>>
    %dma_start3A_461 = tpu.memref_slice %arg13[%dma_start3A_454] : memref<2x!tpu.dma_semaphore, #tpu.memory_space<semaphore_mem>> -> memref<1x!tpu.dma_semaphore, #tpu.memory_space<semaphore_mem>>
    %dma_start3A_462 = tpu.memref_squeeze %dma_start3A_461 : memref<1x!tpu.dma_semaphore, #tpu.memory_space<semaphore_mem>> -> memref<!tpu.dma_semaphore, #tpu.memory_space<semaphore_mem>>
    %dma_start3A_463 = arith.constant 0 : i32
    %dma_start3A_464 = tpu.memref_slice %arg6[%add3A_292, %dma_start3A_463] : memref<24576x128xf32, #tpu.memory_space<hbm>> -> memref<96x128xf32, #tpu.memory_space<hbm>>
    %dma_start3A_465 = arith.constant 0 : i32
    %dma_start3A_466 = arith.constant 0 : i32
    %dma_start3A_467 = tpu.memref_slice %arg9[%dma_start3A_453, %dma_start3A_465, %dma_start3A_466] : memref<2x96x128xf32, #tpu.memory_space<vmem>> -> memref<1x96x128xf32, #tpu.memory_space<vmem>>
    %dma_start3A_468 = tpu.memref_squeeze %dma_start3A_467 : memref<1x96x128xf32, #tpu.memory_space<vmem>> -> memref<96x128xf32, #tpu.memory_space<vmem>>
    tpu.enqueue_dma source(%dma_start3A_468 : memref<96x128xf32, #tpu.memory_space<vmem>>) target(%dma_start3A_464 : memref<96x128xf32, #tpu.memory_space<hbm>>) target_semaphore(%dma_start3A_462 : memref<!tpu.dma_semaphore, #tpu.memory_space<semaphore_mem>>)
    %dma_wait3A_469 = arith.constant 1 : i32
    %dma_wait3A_470 = arith.constant 1 : i32
    %dma_wait3A_471 = arith.constant 0 : i32
    %dma_wait3A_472 = arith.constant 0 : i32
    %dma_wait3A_473 = tpu.memref_slice %arg8[%dma_wait3A_469, %dma_wait3A_471, %dma_wait3A_472] : memref<2x96x256xi32, #tpu.memory_space<vmem>> -> memref<1x96x256xi32, #tpu.memory_space<vmem>>
    %dma_wait3A_474 = tpu.memref_squeeze %dma_wait3A_473 : memref<1x96x256xi32, #tpu.memory_space<vmem>> -> memref<96x256xi32, #tpu.memory_space<vmem>>
    %dma_wait3A_475 = arith.constant 0 : i32
    %dma_wait3A_476 = tpu.memref_slice %arg5[%add3A_292, %dma_wait3A_475] : memref<24576x256xi32, #tpu.memory_space<hbm>> -> memref<96x256xi32, #tpu.memory_space<hbm>>
    %dma_wait3A_477 = tpu.memref_slice %arg12[%dma_wait3A_470] : memref<2x!tpu.dma_semaphore, #tpu.memory_space<semaphore_mem>> -> memref<1x!tpu.dma_semaphore, #tpu.memory_space<semaphore_mem>>
    %dma_wait3A_478 = tpu.memref_squeeze %dma_wait3A_477 : memref<1x!tpu.dma_semaphore, #tpu.memory_space<semaphore_mem>> -> memref<!tpu.dma_semaphore, #tpu.memory_space<semaphore_mem>>
    %dma_wait3A_479 = arith.constant 0 : i32
    %dma_wait3A_480 = tpu.memref_slice %arg5[%add3A_292, %dma_wait3A_479] : memref<24576x256xi32, #tpu.memory_space<hbm>> -> memref<96x256xi32, #tpu.memory_space<hbm>>
    %dma_wait3A_481 = arith.constant 0 : i32
    %dma_wait3A_482 = arith.constant 0 : i32
    %dma_wait3A_483 = tpu.memref_slice %arg8[%dma_wait3A_469, %dma_wait3A_481, %dma_wait3A_482] : memref<2x96x256xi32, #tpu.memory_space<vmem>> -> memref<1x96x256xi32, #tpu.memory_space<vmem>>
    %dma_wait3A_484 = tpu.memref_squeeze %dma_wait3A_483 : memref<1x96x256xi32, #tpu.memory_space<vmem>> -> memref<96x256xi32, #tpu.memory_space<vmem>>
    tpu.wait_dma2 semaphore(%dma_wait3A_478 : memref<!tpu.dma_semaphore, #tpu.memory_space<semaphore_mem>>) src(%dma_wait3A_484 : memref<96x256xi32, #tpu.memory_space<vmem>>) dst(%dma_wait3A_480 : memref<96x256xi32, #tpu.memory_space<hbm>>)
    %dma_wait3A_485 = arith.constant 1 : i32
    %dma_wait3A_486 = arith.constant 1 : i32
    %dma_wait3A_487 = arith.constant 0 : i32
    %dma_wait3A_488 = arith.constant 0 : i32
    %dma_wait3A_489 = tpu.memref_slice %arg9[%dma_wait3A_485, %dma_wait3A_487, %dma_wait3A_488] : memref<2x96x128xf32, #tpu.memory_space<vmem>> -> memref<1x96x128xf32, #tpu.memory_space<vmem>>
    %dma_wait3A_490 = tpu.memref_squeeze %dma_wait3A_489 : memref<1x96x128xf32, #tpu.memory_space<vmem>> -> memref<96x128xf32, #tpu.memory_space<vmem>>
    %dma_wait3A_491 = arith.constant 0 : i32
    %dma_wait3A_492 = tpu.memref_slice %arg6[%add3A_292, %dma_wait3A_491] : memref<24576x128xf32, #tpu.memory_space<hbm>> -> memref<96x128xf32, #tpu.memory_space<hbm>>
    %dma_wait3A_493 = tpu.memref_slice %arg13[%dma_wait3A_486] : memref<2x!tpu.dma_semaphore, #tpu.memory_space<semaphore_mem>> -> memref<1x!tpu.dma_semaphore, #tpu.memory_space<semaphore_mem>>
    %dma_wait3A_494 = tpu.memref_squeeze %dma_wait3A_493 : memref<1x!tpu.dma_semaphore, #tpu.memory_space<semaphore_mem>> -> memref<!tpu.dma_semaphore, #tpu.memory_space<semaphore_mem>>
    %dma_wait3A_495 = arith.constant 0 : i32
    %dma_wait3A_496 = tpu.memref_slice %arg6[%add3A_292, %dma_wait3A_495] : memref<24576x128xf32, #tpu.memory_space<hbm>> -> memref<96x128xf32, #tpu.memory_space<hbm>>
    %dma_wait3A_497 = arith.constant 0 : i32
    %dma_wait3A_498 = arith.constant 0 : i32
    %dma_wait3A_499 = tpu.memref_slice %arg9[%dma_wait3A_485, %dma_wait3A_497, %dma_wait3A_498] : memref<2x96x128xf32, #tpu.memory_space<vmem>> -> memref<1x96x128xf32, #tpu.memory_space<vmem>>
    %dma_wait3A_500 = tpu.memref_squeeze %dma_wait3A_499 : memref<1x96x128xf32, #tpu.memory_space<vmem>> -> memref<96x128xf32, #tpu.memory_space<vmem>>
    tpu.wait_dma2 semaphore(%dma_wait3A_494 : memref<!tpu.dma_semaphore, #tpu.memory_space<semaphore_mem>>) src(%dma_wait3A_500 : memref<96x128xf32, #tpu.memory_space<vmem>>) dst(%dma_wait3A_496 : memref<96x128xf32, #tpu.memory_space<hbm>>)
    %dma_start3A_501 = arith.constant 1 : i32
    %dma_start3A_502 = arith.constant 1 : i32
    %dma_start3A_503 = arith.constant 0 : i32
    %dma_start3A_504 = arith.constant 0 : i32
    %dma_start3A_505 = tpu.memref_slice %arg8[%dma_start3A_501, %dma_start3A_503, %dma_start3A_504] : memref<2x96x256xi32, #tpu.memory_space<vmem>> -> memref<1x96x256xi32, #tpu.memory_space<vmem>>
    %dma_start3A_506 = tpu.memref_squeeze %dma_start3A_505 : memref<1x96x256xi32, #tpu.memory_space<vmem>> -> memref<96x256xi32, #tpu.memory_space<vmem>>
    %dma_start3A_507 = arith.constant 480 : i32
    %dma_start3A_508 = tpu.memref_slice %arg7[%dma_start3A_507] : memref<768xi32, #tpu.memory_space<vmem>> -> memref<96xi32, #tpu.memory_space<vmem>>
    %dma_start3A_509 = arith.constant 0 : i32
    %dma_start3A_510 = arith.constant 0 : i32
    %dma_start3A_511 = tpu.memref_slice %arg2[%dma_start3A_509, %dma_start3A_510] : memref<4096x256xi32, #tpu.memory_space<hbm>> -> memref<4096x256xi32, #tpu.memory_space<hbm>>
    %dma_start3A_512 = tpu.memref_slice %arg10[%dma_start3A_502] : memref<2x!tpu.dma_semaphore, #tpu.memory_space<semaphore_mem>> -> memref<1x!tpu.dma_semaphore, #tpu.memory_space<semaphore_mem>>
    %dma_start3A_513 = tpu.memref_squeeze %dma_start3A_512 : memref<1x!tpu.dma_semaphore, #tpu.memory_space<semaphore_mem>> -> memref<!tpu.dma_semaphore, #tpu.memory_space<semaphore_mem>>
    tpu.enqueue_indirect_dma source(%dma_start3A_511 : memref<4096x256xi32, #tpu.memory_space<hbm>>) target(%dma_start3A_506 : memref<96x256xi32, #tpu.memory_space<vmem>>) offsets(%dma_start3A_508 : memref<96xi32, #tpu.memory_space<vmem>>) semaphore(%dma_start3A_513 : memref<!tpu.dma_semaphore, #tpu.memory_space<semaphore_mem>>)
    %dma_start3A_514 = arith.constant 1 : i32
    %dma_start3A_515 = arith.constant 1 : i32
    %dma_start3A_516 = arith.constant 0 : i32
    %dma_start3A_517 = arith.constant 0 : i32
    %dma_start3A_518 = tpu.memref_slice %arg9[%dma_start3A_514, %dma_start3A_516, %dma_start3A_517] : memref<2x96x128xf32, #tpu.memory_space<vmem>> -> memref<1x96x128xf32, #tpu.memory_space<vmem>>
    %dma_start3A_519 = tpu.memref_squeeze %dma_start3A_518 : memref<1x96x128xf32, #tpu.memory_space<vmem>> -> memref<96x128xf32, #tpu.memory_space<vmem>>
    %dma_start3A_520 = arith.constant 480 : i32
    %dma_start3A_521 = tpu.memref_slice %arg7[%dma_start3A_520] : memref<768xi32, #tpu.memory_space<vmem>> -> memref<96xi32, #tpu.memory_space<vmem>>
    %dma_start3A_522 = arith.constant 0 : i32
    %dma_start3A_523 = arith.constant 0 : i32
    %dma_start3A_524 = tpu.memref_slice %arg3[%dma_start3A_522, %dma_start3A_523] : memref<4096x128xf32, #tpu.memory_space<hbm>> -> memref<4096x128xf32, #tpu.memory_space<hbm>>
    %dma_start3A_525 = tpu.memref_slice %arg11[%dma_start3A_515] : memref<2x!tpu.dma_semaphore, #tpu.memory_space<semaphore_mem>> -> memref<1x!tpu.dma_semaphore, #tpu.memory_space<semaphore_mem>>
    %dma_start3A_526 = tpu.memref_squeeze %dma_start3A_525 : memref<1x!tpu.dma_semaphore, #tpu.memory_space<semaphore_mem>> -> memref<!tpu.dma_semaphore, #tpu.memory_space<semaphore_mem>>
    tpu.enqueue_indirect_dma source(%dma_start3A_524 : memref<4096x128xf32, #tpu.memory_space<hbm>>) target(%dma_start3A_519 : memref<96x128xf32, #tpu.memory_space<vmem>>) offsets(%dma_start3A_521 : memref<96xi32, #tpu.memory_space<vmem>>) semaphore(%dma_start3A_526 : memref<!tpu.dma_semaphore, #tpu.memory_space<semaphore_mem>>)
    %add3A_527 = arith.constant 480 : i32
    %add3A_528 = arith.addi %mul3A_2, %add3A_527 : i32
    %dma_wait3A_529 = arith.constant 0 : i32
    %dma_wait3A_530 = arith.constant 0 : i32
    %dma_wait3A_531 = arith.constant 0 : i32
    %dma_wait3A_532 = arith.constant 0 : i32
    %dma_wait3A_533 = tpu.memref_slice %arg8[%dma_wait3A_529, %dma_wait3A_531, %dma_wait3A_532] : memref<2x96x256xi32, #tpu.memory_space<vmem>> -> memref<1x96x256xi32, #tpu.memory_space<vmem>>
    %dma_wait3A_534 = tpu.memref_squeeze %dma_wait3A_533 : memref<1x96x256xi32, #tpu.memory_space<vmem>> -> memref<96x256xi32, #tpu.memory_space<vmem>>
    %dma_wait3A_535 = arith.constant 384 : i32
    %dma_wait3A_536 = tpu.memref_slice %arg7[%dma_wait3A_535] : memref<768xi32, #tpu.memory_space<vmem>> -> memref<96xi32, #tpu.memory_space<vmem>>
    %dma_wait3A_537 = arith.constant 0 : i32
    %dma_wait3A_538 = arith.constant 0 : i32
    %dma_wait3A_539 = tpu.memref_slice %arg2[%dma_wait3A_537, %dma_wait3A_538] : memref<4096x256xi32, #tpu.memory_space<hbm>> -> memref<4096x256xi32, #tpu.memory_space<hbm>>
    %dma_wait3A_540 = tpu.memref_slice %arg10[%dma_wait3A_530] : memref<2x!tpu.dma_semaphore, #tpu.memory_space<semaphore_mem>> -> memref<1x!tpu.dma_semaphore, #tpu.memory_space<semaphore_mem>>
    %dma_wait3A_541 = tpu.memref_squeeze %dma_wait3A_540 : memref<1x!tpu.dma_semaphore, #tpu.memory_space<semaphore_mem>> -> memref<!tpu.dma_semaphore, #tpu.memory_space<semaphore_mem>>
    tpu.wait_indirect_dma semaphore(%dma_wait3A_541 : memref<!tpu.dma_semaphore, #tpu.memory_space<semaphore_mem>>) src(%dma_wait3A_539 : memref<4096x256xi32, #tpu.memory_space<hbm>>) dst(%dma_wait3A_534 : memref<96x256xi32, #tpu.memory_space<vmem>>)
    %dma_wait3A_542 = arith.constant 0 : i32
    %dma_wait3A_543 = arith.constant 0 : i32
    %dma_wait3A_544 = arith.constant 0 : i32
    %dma_wait3A_545 = arith.constant 0 : i32
    %dma_wait3A_546 = tpu.memref_slice %arg9[%dma_wait3A_542, %dma_wait3A_544, %dma_wait3A_545] : memref<2x96x128xf32, #tpu.memory_space<vmem>> -> memref<1x96x128xf32, #tpu.memory_space<vmem>>
    %dma_wait3A_547 = tpu.memref_squeeze %dma_wait3A_546 : memref<1x96x128xf32, #tpu.memory_space<vmem>> -> memref<96x128xf32, #tpu.memory_space<vmem>>
    %dma_wait3A_548 = arith.constant 384 : i32
    %dma_wait3A_549 = tpu.memref_slice %arg7[%dma_wait3A_548] : memref<768xi32, #tpu.memory_space<vmem>> -> memref<96xi32, #tpu.memory_space<vmem>>
    %dma_wait3A_550 = arith.constant 0 : i32
    %dma_wait3A_551 = arith.constant 0 : i32
    %dma_wait3A_552 = tpu.memref_slice %arg3[%dma_wait3A_550, %dma_wait3A_551] : memref<4096x128xf32, #tpu.memory_space<hbm>> -> memref<4096x128xf32, #tpu.memory_space<hbm>>
    %dma_wait3A_553 = tpu.memref_slice %arg11[%dma_wait3A_543] : memref<2x!tpu.dma_semaphore, #tpu.memory_space<semaphore_mem>> -> memref<1x!tpu.dma_semaphore, #tpu.memory_space<semaphore_mem>>
    %dma_wait3A_554 = tpu.memref_squeeze %dma_wait3A_553 : memref<1x!tpu.dma_semaphore, #tpu.memory_space<semaphore_mem>> -> memref<!tpu.dma_semaphore, #tpu.memory_space<semaphore_mem>>
    tpu.wait_indirect_dma semaphore(%dma_wait3A_554 : memref<!tpu.dma_semaphore, #tpu.memory_space<semaphore_mem>>) src(%dma_wait3A_552 : memref<4096x128xf32, #tpu.memory_space<hbm>>) dst(%dma_wait3A_547 : memref<96x128xf32, #tpu.memory_space<vmem>>)
    %dma_start3A_555 = arith.constant 0 : i32
    %dma_start3A_556 = arith.constant 0 : i32
    %dma_start3A_557 = arith.constant 0 : i32
    %dma_start3A_558 = arith.constant 0 : i32
    %dma_start3A_559 = tpu.memref_slice %arg8[%dma_start3A_555, %dma_start3A_557, %dma_start3A_558] : memref<2x96x256xi32, #tpu.memory_space<vmem>> -> memref<1x96x256xi32, #tpu.memory_space<vmem>>
    %dma_start3A_560 = tpu.memref_squeeze %dma_start3A_559 : memref<1x96x256xi32, #tpu.memory_space<vmem>> -> memref<96x256xi32, #tpu.memory_space<vmem>>
    %dma_start3A_561 = arith.constant 0 : i32
    %dma_start3A_562 = tpu.memref_slice %arg5[%add3A_410, %dma_start3A_561] : memref<24576x256xi32, #tpu.memory_space<hbm>> -> memref<96x256xi32, #tpu.memory_space<hbm>>
    %dma_start3A_563 = tpu.memref_slice %arg12[%dma_start3A_556] : memref<2x!tpu.dma_semaphore, #tpu.memory_space<semaphore_mem>> -> memref<1x!tpu.dma_semaphore, #tpu.memory_space<semaphore_mem>>
    %dma_start3A_564 = tpu.memref_squeeze %dma_start3A_563 : memref<1x!tpu.dma_semaphore, #tpu.memory_space<semaphore_mem>> -> memref<!tpu.dma_semaphore, #tpu.memory_space<semaphore_mem>>
    %dma_start3A_565 = arith.constant 0 : i32
    %dma_start3A_566 = tpu.memref_slice %arg5[%add3A_410, %dma_start3A_565] : memref<24576x256xi32, #tpu.memory_space<hbm>> -> memref<96x256xi32, #tpu.memory_space<hbm>>
    %dma_start3A_567 = arith.constant 0 : i32
    %dma_start3A_568 = arith.constant 0 : i32
    %dma_start3A_569 = tpu.memref_slice %arg8[%dma_start3A_555, %dma_start3A_567, %dma_start3A_568] : memref<2x96x256xi32, #tpu.memory_space<vmem>> -> memref<1x96x256xi32, #tpu.memory_space<vmem>>
    %dma_start3A_570 = tpu.memref_squeeze %dma_start3A_569 : memref<1x96x256xi32, #tpu.memory_space<vmem>> -> memref<96x256xi32, #tpu.memory_space<vmem>>
    tpu.enqueue_dma source(%dma_start3A_570 : memref<96x256xi32, #tpu.memory_space<vmem>>) target(%dma_start3A_566 : memref<96x256xi32, #tpu.memory_space<hbm>>) target_semaphore(%dma_start3A_564 : memref<!tpu.dma_semaphore, #tpu.memory_space<semaphore_mem>>)
    %dma_start3A_571 = arith.constant 0 : i32
    %dma_start3A_572 = arith.constant 0 : i32
    %dma_start3A_573 = arith.constant 0 : i32
    %dma_start3A_574 = arith.constant 0 : i32
    %dma_start3A_575 = tpu.memref_slice %arg9[%dma_start3A_571, %dma_start3A_573, %dma_start3A_574] : memref<2x96x128xf32, #tpu.memory_space<vmem>> -> memref<1x96x128xf32, #tpu.memory_space<vmem>>
    %dma_start3A_576 = tpu.memref_squeeze %dma_start3A_575 : memref<1x96x128xf32, #tpu.memory_space<vmem>> -> memref<96x128xf32, #tpu.memory_space<vmem>>
    %dma_start3A_577 = arith.constant 0 : i32
    %dma_start3A_578 = tpu.memref_slice %arg6[%add3A_410, %dma_start3A_577] : memref<24576x128xf32, #tpu.memory_space<hbm>> -> memref<96x128xf32, #tpu.memory_space<hbm>>
    %dma_start3A_579 = tpu.memref_slice %arg13[%dma_start3A_572] : memref<2x!tpu.dma_semaphore, #tpu.memory_space<semaphore_mem>> -> memref<1x!tpu.dma_semaphore, #tpu.memory_space<semaphore_mem>>
    %dma_start3A_580 = tpu.memref_squeeze %dma_start3A_579 : memref<1x!tpu.dma_semaphore, #tpu.memory_space<semaphore_mem>> -> memref<!tpu.dma_semaphore, #tpu.memory_space<semaphore_mem>>
    %dma_start3A_581 = arith.constant 0 : i32
    %dma_start3A_582 = tpu.memref_slice %arg6[%add3A_410, %dma_start3A_581] : memref<24576x128xf32, #tpu.memory_space<hbm>> -> memref<96x128xf32, #tpu.memory_space<hbm>>
    %dma_start3A_583 = arith.constant 0 : i32
    %dma_start3A_584 = arith.constant 0 : i32
    %dma_start3A_585 = tpu.memref_slice %arg9[%dma_start3A_571, %dma_start3A_583, %dma_start3A_584] : memref<2x96x128xf32, #tpu.memory_space<vmem>> -> memref<1x96x128xf32, #tpu.memory_space<vmem>>
    %dma_start3A_586 = tpu.memref_squeeze %dma_start3A_585 : memref<1x96x128xf32, #tpu.memory_space<vmem>> -> memref<96x128xf32, #tpu.memory_space<vmem>>
    tpu.enqueue_dma source(%dma_start3A_586 : memref<96x128xf32, #tpu.memory_space<vmem>>) target(%dma_start3A_582 : memref<96x128xf32, #tpu.memory_space<hbm>>) target_semaphore(%dma_start3A_580 : memref<!tpu.dma_semaphore, #tpu.memory_space<semaphore_mem>>)
    %dma_wait3A_587 = arith.constant 0 : i32
    %dma_wait3A_588 = arith.constant 0 : i32
    %dma_wait3A_589 = arith.constant 0 : i32
    %dma_wait3A_590 = arith.constant 0 : i32
    %dma_wait3A_591 = tpu.memref_slice %arg8[%dma_wait3A_587, %dma_wait3A_589, %dma_wait3A_590] : memref<2x96x256xi32, #tpu.memory_space<vmem>> -> memref<1x96x256xi32, #tpu.memory_space<vmem>>
    %dma_wait3A_592 = tpu.memref_squeeze %dma_wait3A_591 : memref<1x96x256xi32, #tpu.memory_space<vmem>> -> memref<96x256xi32, #tpu.memory_space<vmem>>
    %dma_wait3A_593 = arith.constant 0 : i32
    %dma_wait3A_594 = tpu.memref_slice %arg5[%add3A_410, %dma_wait3A_593] : memref<24576x256xi32, #tpu.memory_space<hbm>> -> memref<96x256xi32, #tpu.memory_space<hbm>>
    %dma_wait3A_595 = tpu.memref_slice %arg12[%dma_wait3A_588] : memref<2x!tpu.dma_semaphore, #tpu.memory_space<semaphore_mem>> -> memref<1x!tpu.dma_semaphore, #tpu.memory_space<semaphore_mem>>
    %dma_wait3A_596 = tpu.memref_squeeze %dma_wait3A_595 : memref<1x!tpu.dma_semaphore, #tpu.memory_space<semaphore_mem>> -> memref<!tpu.dma_semaphore, #tpu.memory_space<semaphore_mem>>
    %dma_wait3A_597 = arith.constant 0 : i32
    %dma_wait3A_598 = tpu.memref_slice %arg5[%add3A_410, %dma_wait3A_597] : memref<24576x256xi32, #tpu.memory_space<hbm>> -> memref<96x256xi32, #tpu.memory_space<hbm>>
    %dma_wait3A_599 = arith.constant 0 : i32
    %dma_wait3A_600 = arith.constant 0 : i32
    %dma_wait3A_601 = tpu.memref_slice %arg8[%dma_wait3A_587, %dma_wait3A_599, %dma_wait3A_600] : memref<2x96x256xi32, #tpu.memory_space<vmem>> -> memref<1x96x256xi32, #tpu.memory_space<vmem>>
    %dma_wait3A_602 = tpu.memref_squeeze %dma_wait3A_601 : memref<1x96x256xi32, #tpu.memory_space<vmem>> -> memref<96x256xi32, #tpu.memory_space<vmem>>
    tpu.wait_dma2 semaphore(%dma_wait3A_596 : memref<!tpu.dma_semaphore, #tpu.memory_space<semaphore_mem>>) src(%dma_wait3A_602 : memref<96x256xi32, #tpu.memory_space<vmem>>) dst(%dma_wait3A_598 : memref<96x256xi32, #tpu.memory_space<hbm>>)
    %dma_wait3A_603 = arith.constant 0 : i32
    %dma_wait3A_604 = arith.constant 0 : i32
    %dma_wait3A_605 = arith.constant 0 : i32
    %dma_wait3A_606 = arith.constant 0 : i32
    %dma_wait3A_607 = tpu.memref_slice %arg9[%dma_wait3A_603, %dma_wait3A_605, %dma_wait3A_606] : memref<2x96x128xf32, #tpu.memory_space<vmem>> -> memref<1x96x128xf32, #tpu.memory_space<vmem>>
    %dma_wait3A_608 = tpu.memref_squeeze %dma_wait3A_607 : memref<1x96x128xf32, #tpu.memory_space<vmem>> -> memref<96x128xf32, #tpu.memory_space<vmem>>
    %dma_wait3A_609 = arith.constant 0 : i32
    %dma_wait3A_610 = tpu.memref_slice %arg6[%add3A_410, %dma_wait3A_609] : memref<24576x128xf32, #tpu.memory_space<hbm>> -> memref<96x128xf32, #tpu.memory_space<hbm>>
    %dma_wait3A_611 = tpu.memref_slice %arg13[%dma_wait3A_604] : memref<2x!tpu.dma_semaphore, #tpu.memory_space<semaphore_mem>> -> memref<1x!tpu.dma_semaphore, #tpu.memory_space<semaphore_mem>>
    %dma_wait3A_612 = tpu.memref_squeeze %dma_wait3A_611 : memref<1x!tpu.dma_semaphore, #tpu.memory_space<semaphore_mem>> -> memref<!tpu.dma_semaphore, #tpu.memory_space<semaphore_mem>>
    %dma_wait3A_613 = arith.constant 0 : i32
    %dma_wait3A_614 = tpu.memref_slice %arg6[%add3A_410, %dma_wait3A_613] : memref<24576x128xf32, #tpu.memory_space<hbm>> -> memref<96x128xf32, #tpu.memory_space<hbm>>
    %dma_wait3A_615 = arith.constant 0 : i32
    %dma_wait3A_616 = arith.constant 0 : i32
    %dma_wait3A_617 = tpu.memref_slice %arg9[%dma_wait3A_603, %dma_wait3A_615, %dma_wait3A_616] : memref<2x96x128xf32, #tpu.memory_space<vmem>> -> memref<1x96x128xf32, #tpu.memory_space<vmem>>
    %dma_wait3A_618 = tpu.memref_squeeze %dma_wait3A_617 : memref<1x96x128xf32, #tpu.memory_space<vmem>> -> memref<96x128xf32, #tpu.memory_space<vmem>>
    tpu.wait_dma2 semaphore(%dma_wait3A_612 : memref<!tpu.dma_semaphore, #tpu.memory_space<semaphore_mem>>) src(%dma_wait3A_618 : memref<96x128xf32, #tpu.memory_space<vmem>>) dst(%dma_wait3A_614 : memref<96x128xf32, #tpu.memory_space<hbm>>)
    %dma_start3A_619 = arith.constant 0 : i32
    %dma_start3A_620 = arith.constant 0 : i32
    %dma_start3A_621 = arith.constant 0 : i32
    %dma_start3A_622 = arith.constant 0 : i32
    %dma_start3A_623 = tpu.memref_slice %arg8[%dma_start3A_619, %dma_start3A_621, %dma_start3A_622] : memref<2x96x256xi32, #tpu.memory_space<vmem>> -> memref<1x96x256xi32, #tpu.memory_space<vmem>>
    %dma_start3A_624 = tpu.memref_squeeze %dma_start3A_623 : memref<1x96x256xi32, #tpu.memory_space<vmem>> -> memref<96x256xi32, #tpu.memory_space<vmem>>
    %dma_start3A_625 = arith.constant 576 : i32
    %dma_start3A_626 = tpu.memref_slice %arg7[%dma_start3A_625] : memref<768xi32, #tpu.memory_space<vmem>> -> memref<96xi32, #tpu.memory_space<vmem>>
    %dma_start3A_627 = arith.constant 0 : i32
    %dma_start3A_628 = arith.constant 0 : i32
    %dma_start3A_629 = tpu.memref_slice %arg2[%dma_start3A_627, %dma_start3A_628] : memref<4096x256xi32, #tpu.memory_space<hbm>> -> memref<4096x256xi32, #tpu.memory_space<hbm>>
    %dma_start3A_630 = tpu.memref_slice %arg10[%dma_start3A_620] : memref<2x!tpu.dma_semaphore, #tpu.memory_space<semaphore_mem>> -> memref<1x!tpu.dma_semaphore, #tpu.memory_space<semaphore_mem>>
    %dma_start3A_631 = tpu.memref_squeeze %dma_start3A_630 : memref<1x!tpu.dma_semaphore, #tpu.memory_space<semaphore_mem>> -> memref<!tpu.dma_semaphore, #tpu.memory_space<semaphore_mem>>
    tpu.enqueue_indirect_dma source(%dma_start3A_629 : memref<4096x256xi32, #tpu.memory_space<hbm>>) target(%dma_start3A_624 : memref<96x256xi32, #tpu.memory_space<vmem>>) offsets(%dma_start3A_626 : memref<96xi32, #tpu.memory_space<vmem>>) semaphore(%dma_start3A_631 : memref<!tpu.dma_semaphore, #tpu.memory_space<semaphore_mem>>)
    %dma_start3A_632 = arith.constant 0 : i32
    %dma_start3A_633 = arith.constant 0 : i32
    %dma_start3A_634 = arith.constant 0 : i32
    %dma_start3A_635 = arith.constant 0 : i32
    %dma_start3A_636 = tpu.memref_slice %arg9[%dma_start3A_632, %dma_start3A_634, %dma_start3A_635] : memref<2x96x128xf32, #tpu.memory_space<vmem>> -> memref<1x96x128xf32, #tpu.memory_space<vmem>>
    %dma_start3A_637 = tpu.memref_squeeze %dma_start3A_636 : memref<1x96x128xf32, #tpu.memory_space<vmem>> -> memref<96x128xf32, #tpu.memory_space<vmem>>
    %dma_start3A_638 = arith.constant 576 : i32
    %dma_start3A_639 = tpu.memref_slice %arg7[%dma_start3A_638] : memref<768xi32, #tpu.memory_space<vmem>> -> memref<96xi32, #tpu.memory_space<vmem>>
    %dma_start3A_640 = arith.constant 0 : i32
    %dma_start3A_641 = arith.constant 0 : i32
    %dma_start3A_642 = tpu.memref_slice %arg3[%dma_start3A_640, %dma_start3A_641] : memref<4096x128xf32, #tpu.memory_space<hbm>> -> memref<4096x128xf32, #tpu.memory_space<hbm>>
    %dma_start3A_643 = tpu.memref_slice %arg11[%dma_start3A_633] : memref<2x!tpu.dma_semaphore, #tpu.memory_space<semaphore_mem>> -> memref<1x!tpu.dma_semaphore, #tpu.memory_space<semaphore_mem>>
    %dma_start3A_644 = tpu.memref_squeeze %dma_start3A_643 : memref<1x!tpu.dma_semaphore, #tpu.memory_space<semaphore_mem>> -> memref<!tpu.dma_semaphore, #tpu.memory_space<semaphore_mem>>
    tpu.enqueue_indirect_dma source(%dma_start3A_642 : memref<4096x128xf32, #tpu.memory_space<hbm>>) target(%dma_start3A_637 : memref<96x128xf32, #tpu.memory_space<vmem>>) offsets(%dma_start3A_639 : memref<96xi32, #tpu.memory_space<vmem>>) semaphore(%dma_start3A_644 : memref<!tpu.dma_semaphore, #tpu.memory_space<semaphore_mem>>)
    %add3A_645 = arith.constant 576 : i32
    %add3A_646 = arith.addi %mul3A_2, %add3A_645 : i32
    %dma_wait3A_647 = arith.constant 1 : i32
    %dma_wait3A_648 = arith.constant 1 : i32
    %dma_wait3A_649 = arith.constant 0 : i32
    %dma_wait3A_650 = arith.constant 0 : i32
    %dma_wait3A_651 = tpu.memref_slice %arg8[%dma_wait3A_647, %dma_wait3A_649, %dma_wait3A_650] : memref<2x96x256xi32, #tpu.memory_space<vmem>> -> memref<1x96x256xi32, #tpu.memory_space<vmem>>
    %dma_wait3A_652 = tpu.memref_squeeze %dma_wait3A_651 : memref<1x96x256xi32, #tpu.memory_space<vmem>> -> memref<96x256xi32, #tpu.memory_space<vmem>>
    %dma_wait3A_653 = arith.constant 480 : i32
    %dma_wait3A_654 = tpu.memref_slice %arg7[%dma_wait3A_653] : memref<768xi32, #tpu.memory_space<vmem>> -> memref<96xi32, #tpu.memory_space<vmem>>
    %dma_wait3A_655 = arith.constant 0 : i32
    %dma_wait3A_656 = arith.constant 0 : i32
    %dma_wait3A_657 = tpu.memref_slice %arg2[%dma_wait3A_655, %dma_wait3A_656] : memref<4096x256xi32, #tpu.memory_space<hbm>> -> memref<4096x256xi32, #tpu.memory_space<hbm>>
    %dma_wait3A_658 = tpu.memref_slice %arg10[%dma_wait3A_648] : memref<2x!tpu.dma_semaphore, #tpu.memory_space<semaphore_mem>> -> memref<1x!tpu.dma_semaphore, #tpu.memory_space<semaphore_mem>>
    %dma_wait3A_659 = tpu.memref_squeeze %dma_wait3A_658 : memref<1x!tpu.dma_semaphore, #tpu.memory_space<semaphore_mem>> -> memref<!tpu.dma_semaphore, #tpu.memory_space<semaphore_mem>>
    tpu.wait_indirect_dma semaphore(%dma_wait3A_659 : memref<!tpu.dma_semaphore, #tpu.memory_space<semaphore_mem>>) src(%dma_wait3A_657 : memref<4096x256xi32, #tpu.memory_space<hbm>>) dst(%dma_wait3A_652 : memref<96x256xi32, #tpu.memory_space<vmem>>)
    %dma_wait3A_660 = arith.constant 1 : i32
    %dma_wait3A_661 = arith.constant 1 : i32
    %dma_wait3A_662 = arith.constant 0 : i32
    %dma_wait3A_663 = arith.constant 0 : i32
    %dma_wait3A_664 = tpu.memref_slice %arg9[%dma_wait3A_660, %dma_wait3A_662, %dma_wait3A_663] : memref<2x96x128xf32, #tpu.memory_space<vmem>> -> memref<1x96x128xf32, #tpu.memory_space<vmem>>
    %dma_wait3A_665 = tpu.memref_squeeze %dma_wait3A_664 : memref<1x96x128xf32, #tpu.memory_space<vmem>> -> memref<96x128xf32, #tpu.memory_space<vmem>>
    %dma_wait3A_666 = arith.constant 480 : i32
    %dma_wait3A_667 = tpu.memref_slice %arg7[%dma_wait3A_666] : memref<768xi32, #tpu.memory_space<vmem>> -> memref<96xi32, #tpu.memory_space<vmem>>
    %dma_wait3A_668 = arith.constant 0 : i32
    %dma_wait3A_669 = arith.constant 0 : i32
    %dma_wait3A_670 = tpu.memref_slice %arg3[%dma_wait3A_668, %dma_wait3A_669] : memref<4096x128xf32, #tpu.memory_space<hbm>> -> memref<4096x128xf32, #tpu.memory_space<hbm>>
    %dma_wait3A_671 = tpu.memref_slice %arg11[%dma_wait3A_661] : memref<2x!tpu.dma_semaphore, #tpu.memory_space<semaphore_mem>> -> memref<1x!tpu.dma_semaphore, #tpu.memory_space<semaphore_mem>>
    %dma_wait3A_672 = tpu.memref_squeeze %dma_wait3A_671 : memref<1x!tpu.dma_semaphore, #tpu.memory_space<semaphore_mem>> -> memref<!tpu.dma_semaphore, #tpu.memory_space<semaphore_mem>>
    tpu.wait_indirect_dma semaphore(%dma_wait3A_672 : memref<!tpu.dma_semaphore, #tpu.memory_space<semaphore_mem>>) src(%dma_wait3A_670 : memref<4096x128xf32, #tpu.memory_space<hbm>>) dst(%dma_wait3A_665 : memref<96x128xf32, #tpu.memory_space<vmem>>)
    %dma_start3A_673 = arith.constant 1 : i32
    %dma_start3A_674 = arith.constant 1 : i32
    %dma_start3A_675 = arith.constant 0 : i32
    %dma_start3A_676 = arith.constant 0 : i32
    %dma_start3A_677 = tpu.memref_slice %arg8[%dma_start3A_673, %dma_start3A_675, %dma_start3A_676] : memref<2x96x256xi32, #tpu.memory_space<vmem>> -> memref<1x96x256xi32, #tpu.memory_space<vmem>>
    %dma_start3A_678 = tpu.memref_squeeze %dma_start3A_677 : memref<1x96x256xi32, #tpu.memory_space<vmem>> -> memref<96x256xi32, #tpu.memory_space<vmem>>
    %dma_start3A_679 = arith.constant 0 : i32
    %dma_start3A_680 = tpu.memref_slice %arg5[%add3A_528, %dma_start3A_679] : memref<24576x256xi32, #tpu.memory_space<hbm>> -> memref<96x256xi32, #tpu.memory_space<hbm>>
    %dma_start3A_681 = tpu.memref_slice %arg12[%dma_start3A_674] : memref<2x!tpu.dma_semaphore, #tpu.memory_space<semaphore_mem>> -> memref<1x!tpu.dma_semaphore, #tpu.memory_space<semaphore_mem>>
    %dma_start3A_682 = tpu.memref_squeeze %dma_start3A_681 : memref<1x!tpu.dma_semaphore, #tpu.memory_space<semaphore_mem>> -> memref<!tpu.dma_semaphore, #tpu.memory_space<semaphore_mem>>
    %dma_start3A_683 = arith.constant 0 : i32
    %dma_start3A_684 = tpu.memref_slice %arg5[%add3A_528, %dma_start3A_683] : memref<24576x256xi32, #tpu.memory_space<hbm>> -> memref<96x256xi32, #tpu.memory_space<hbm>>
    %dma_start3A_685 = arith.constant 0 : i32
    %dma_start3A_686 = arith.constant 0 : i32
    %dma_start3A_687 = tpu.memref_slice %arg8[%dma_start3A_673, %dma_start3A_685, %dma_start3A_686] : memref<2x96x256xi32, #tpu.memory_space<vmem>> -> memref<1x96x256xi32, #tpu.memory_space<vmem>>
    %dma_start3A_688 = tpu.memref_squeeze %dma_start3A_687 : memref<1x96x256xi32, #tpu.memory_space<vmem>> -> memref<96x256xi32, #tpu.memory_space<vmem>>
    tpu.enqueue_dma source(%dma_start3A_688 : memref<96x256xi32, #tpu.memory_space<vmem>>) target(%dma_start3A_684 : memref<96x256xi32, #tpu.memory_space<hbm>>) target_semaphore(%dma_start3A_682 : memref<!tpu.dma_semaphore, #tpu.memory_space<semaphore_mem>>)
    %dma_start3A_689 = arith.constant 1 : i32
    %dma_start3A_690 = arith.constant 1 : i32
    %dma_start3A_691 = arith.constant 0 : i32
    %dma_start3A_692 = arith.constant 0 : i32
    %dma_start3A_693 = tpu.memref_slice %arg9[%dma_start3A_689, %dma_start3A_691, %dma_start3A_692] : memref<2x96x128xf32, #tpu.memory_space<vmem>> -> memref<1x96x128xf32, #tpu.memory_space<vmem>>
    %dma_start3A_694 = tpu.memref_squeeze %dma_start3A_693 : memref<1x96x128xf32, #tpu.memory_space<vmem>> -> memref<96x128xf32, #tpu.memory_space<vmem>>
    %dma_start3A_695 = arith.constant 0 : i32
    %dma_start3A_696 = tpu.memref_slice %arg6[%add3A_528, %dma_start3A_695] : memref<24576x128xf32, #tpu.memory_space<hbm>> -> memref<96x128xf32, #tpu.memory_space<hbm>>
    %dma_start3A_697 = tpu.memref_slice %arg13[%dma_start3A_690] : memref<2x!tpu.dma_semaphore, #tpu.memory_space<semaphore_mem>> -> memref<1x!tpu.dma_semaphore, #tpu.memory_space<semaphore_mem>>
    %dma_start3A_698 = tpu.memref_squeeze %dma_start3A_697 : memref<1x!tpu.dma_semaphore, #tpu.memory_space<semaphore_mem>> -> memref<!tpu.dma_semaphore, #tpu.memory_space<semaphore_mem>>
    %dma_start3A_699 = arith.constant 0 : i32
    %dma_start3A_700 = tpu.memref_slice %arg6[%add3A_528, %dma_start3A_699] : memref<24576x128xf32, #tpu.memory_space<hbm>> -> memref<96x128xf32, #tpu.memory_space<hbm>>
    %dma_start3A_701 = arith.constant 0 : i32
    %dma_start3A_702 = arith.constant 0 : i32
    %dma_start3A_703 = tpu.memref_slice %arg9[%dma_start3A_689, %dma_start3A_701, %dma_start3A_702] : memref<2x96x128xf32, #tpu.memory_space<vmem>> -> memref<1x96x128xf32, #tpu.memory_space<vmem>>
    %dma_start3A_704 = tpu.memref_squeeze %dma_start3A_703 : memref<1x96x128xf32, #tpu.memory_space<vmem>> -> memref<96x128xf32, #tpu.memory_space<vmem>>
    tpu.enqueue_dma source(%dma_start3A_704 : memref<96x128xf32, #tpu.memory_space<vmem>>) target(%dma_start3A_700 : memref<96x128xf32, #tpu.memory_space<hbm>>) target_semaphore(%dma_start3A_698 : memref<!tpu.dma_semaphore, #tpu.memory_space<semaphore_mem>>)
    %dma_wait3A_705 = arith.constant 1 : i32
    %dma_wait3A_706 = arith.constant 1 : i32
    %dma_wait3A_707 = arith.constant 0 : i32
    %dma_wait3A_708 = arith.constant 0 : i32
    %dma_wait3A_709 = tpu.memref_slice %arg8[%dma_wait3A_705, %dma_wait3A_707, %dma_wait3A_708] : memref<2x96x256xi32, #tpu.memory_space<vmem>> -> memref<1x96x256xi32, #tpu.memory_space<vmem>>
    %dma_wait3A_710 = tpu.memref_squeeze %dma_wait3A_709 : memref<1x96x256xi32, #tpu.memory_space<vmem>> -> memref<96x256xi32, #tpu.memory_space<vmem>>
    %dma_wait3A_711 = arith.constant 0 : i32
    %dma_wait3A_712 = tpu.memref_slice %arg5[%add3A_528, %dma_wait3A_711] : memref<24576x256xi32, #tpu.memory_space<hbm>> -> memref<96x256xi32, #tpu.memory_space<hbm>>
    %dma_wait3A_713 = tpu.memref_slice %arg12[%dma_wait3A_706] : memref<2x!tpu.dma_semaphore, #tpu.memory_space<semaphore_mem>> -> memref<1x!tpu.dma_semaphore, #tpu.memory_space<semaphore_mem>>
    %dma_wait3A_714 = tpu.memref_squeeze %dma_wait3A_713 : memref<1x!tpu.dma_semaphore, #tpu.memory_space<semaphore_mem>> -> memref<!tpu.dma_semaphore, #tpu.memory_space<semaphore_mem>>
    %dma_wait3A_715 = arith.constant 0 : i32
    %dma_wait3A_716 = tpu.memref_slice %arg5[%add3A_528, %dma_wait3A_715] : memref<24576x256xi32, #tpu.memory_space<hbm>> -> memref<96x256xi32, #tpu.memory_space<hbm>>
    %dma_wait3A_717 = arith.constant 0 : i32
    %dma_wait3A_718 = arith.constant 0 : i32
    %dma_wait3A_719 = tpu.memref_slice %arg8[%dma_wait3A_705, %dma_wait3A_717, %dma_wait3A_718] : memref<2x96x256xi32, #tpu.memory_space<vmem>> -> memref<1x96x256xi32, #tpu.memory_space<vmem>>
    %dma_wait3A_720 = tpu.memref_squeeze %dma_wait3A_719 : memref<1x96x256xi32, #tpu.memory_space<vmem>> -> memref<96x256xi32, #tpu.memory_space<vmem>>
    tpu.wait_dma2 semaphore(%dma_wait3A_714 : memref<!tpu.dma_semaphore, #tpu.memory_space<semaphore_mem>>) src(%dma_wait3A_720 : memref<96x256xi32, #tpu.memory_space<vmem>>) dst(%dma_wait3A_716 : memref<96x256xi32, #tpu.memory_space<hbm>>)
    %dma_wait3A_721 = arith.constant 1 : i32
    %dma_wait3A_722 = arith.constant 1 : i32
    %dma_wait3A_723 = arith.constant 0 : i32
    %dma_wait3A_724 = arith.constant 0 : i32
    %dma_wait3A_725 = tpu.memref_slice %arg9[%dma_wait3A_721, %dma_wait3A_723, %dma_wait3A_724] : memref<2x96x128xf32, #tpu.memory_space<vmem>> -> memref<1x96x128xf32, #tpu.memory_space<vmem>>
    %dma_wait3A_726 = tpu.memref_squeeze %dma_wait3A_725 : memref<1x96x128xf32, #tpu.memory_space<vmem>> -> memref<96x128xf32, #tpu.memory_space<vmem>>
    %dma_wait3A_727 = arith.constant 0 : i32
    %dma_wait3A_728 = tpu.memref_slice %arg6[%add3A_528, %dma_wait3A_727] : memref<24576x128xf32, #tpu.memory_space<hbm>> -> memref<96x128xf32, #tpu.memory_space<hbm>>
    %dma_wait3A_729 = tpu.memref_slice %arg13[%dma_wait3A_722] : memref<2x!tpu.dma_semaphore, #tpu.memory_space<semaphore_mem>> -> memref<1x!tpu.dma_semaphore, #tpu.memory_space<semaphore_mem>>
    %dma_wait3A_730 = tpu.memref_squeeze %dma_wait3A_729 : memref<1x!tpu.dma_semaphore, #tpu.memory_space<semaphore_mem>> -> memref<!tpu.dma_semaphore, #tpu.memory_space<semaphore_mem>>
    %dma_wait3A_731 = arith.constant 0 : i32
    %dma_wait3A_732 = tpu.memref_slice %arg6[%add3A_528, %dma_wait3A_731] : memref<24576x128xf32, #tpu.memory_space<hbm>> -> memref<96x128xf32, #tpu.memory_space<hbm>>
    %dma_wait3A_733 = arith.constant 0 : i32
    %dma_wait3A_734 = arith.constant 0 : i32
    %dma_wait3A_735 = tpu.memref_slice %arg9[%dma_wait3A_721, %dma_wait3A_733, %dma_wait3A_734] : memref<2x96x128xf32, #tpu.memory_space<vmem>> -> memref<1x96x128xf32, #tpu.memory_space<vmem>>
    %dma_wait3A_736 = tpu.memref_squeeze %dma_wait3A_735 : memref<1x96x128xf32, #tpu.memory_space<vmem>> -> memref<96x128xf32, #tpu.memory_space<vmem>>
    tpu.wait_dma2 semaphore(%dma_wait3A_730 : memref<!tpu.dma_semaphore, #tpu.memory_space<semaphore_mem>>) src(%dma_wait3A_736 : memref<96x128xf32, #tpu.memory_space<vmem>>) dst(%dma_wait3A_732 : memref<96x128xf32, #tpu.memory_space<hbm>>)
    %dma_start3A_737 = arith.constant 1 : i32
    %dma_start3A_738 = arith.constant 1 : i32
    %dma_start3A_739 = arith.constant 0 : i32
    %dma_start3A_740 = arith.constant 0 : i32
    %dma_start3A_741 = tpu.memref_slice %arg8[%dma_start3A_737, %dma_start3A_739, %dma_start3A_740] : memref<2x96x256xi32, #tpu.memory_space<vmem>> -> memref<1x96x256xi32, #tpu.memory_space<vmem>>
    %dma_start3A_742 = tpu.memref_squeeze %dma_start3A_741 : memref<1x96x256xi32, #tpu.memory_space<vmem>> -> memref<96x256xi32, #tpu.memory_space<vmem>>
    %dma_start3A_743 = arith.constant 672 : i32
    %dma_start3A_744 = tpu.memref_slice %arg7[%dma_start3A_743] : memref<768xi32, #tpu.memory_space<vmem>> -> memref<96xi32, #tpu.memory_space<vmem>>
    %dma_start3A_745 = arith.constant 0 : i32
    %dma_start3A_746 = arith.constant 0 : i32
    %dma_start3A_747 = tpu.memref_slice %arg2[%dma_start3A_745, %dma_start3A_746] : memref<4096x256xi32, #tpu.memory_space<hbm>> -> memref<4096x256xi32, #tpu.memory_space<hbm>>
    %dma_start3A_748 = tpu.memref_slice %arg10[%dma_start3A_738] : memref<2x!tpu.dma_semaphore, #tpu.memory_space<semaphore_mem>> -> memref<1x!tpu.dma_semaphore, #tpu.memory_space<semaphore_mem>>
    %dma_start3A_749 = tpu.memref_squeeze %dma_start3A_748 : memref<1x!tpu.dma_semaphore, #tpu.memory_space<semaphore_mem>> -> memref<!tpu.dma_semaphore, #tpu.memory_space<semaphore_mem>>
    tpu.enqueue_indirect_dma source(%dma_start3A_747 : memref<4096x256xi32, #tpu.memory_space<hbm>>) target(%dma_start3A_742 : memref<96x256xi32, #tpu.memory_space<vmem>>) offsets(%dma_start3A_744 : memref<96xi32, #tpu.memory_space<vmem>>) semaphore(%dma_start3A_749 : memref<!tpu.dma_semaphore, #tpu.memory_space<semaphore_mem>>)
    %dma_start3A_750 = arith.constant 1 : i32
    %dma_start3A_751 = arith.constant 1 : i32
    %dma_start3A_752 = arith.constant 0 : i32
    %dma_start3A_753 = arith.constant 0 : i32
    %dma_start3A_754 = tpu.memref_slice %arg9[%dma_start3A_750, %dma_start3A_752, %dma_start3A_753] : memref<2x96x128xf32, #tpu.memory_space<vmem>> -> memref<1x96x128xf32, #tpu.memory_space<vmem>>
    %dma_start3A_755 = tpu.memref_squeeze %dma_start3A_754 : memref<1x96x128xf32, #tpu.memory_space<vmem>> -> memref<96x128xf32, #tpu.memory_space<vmem>>
    %dma_start3A_756 = arith.constant 672 : i32
    %dma_start3A_757 = tpu.memref_slice %arg7[%dma_start3A_756] : memref<768xi32, #tpu.memory_space<vmem>> -> memref<96xi32, #tpu.memory_space<vmem>>
    %dma_start3A_758 = arith.constant 0 : i32
    %dma_start3A_759 = arith.constant 0 : i32
    %dma_start3A_760 = tpu.memref_slice %arg3[%dma_start3A_758, %dma_start3A_759] : memref<4096x128xf32, #tpu.memory_space<hbm>> -> memref<4096x128xf32, #tpu.memory_space<hbm>>
    %dma_start3A_761 = tpu.memref_slice %arg11[%dma_start3A_751] : memref<2x!tpu.dma_semaphore, #tpu.memory_space<semaphore_mem>> -> memref<1x!tpu.dma_semaphore, #tpu.memory_space<semaphore_mem>>
    %dma_start3A_762 = tpu.memref_squeeze %dma_start3A_761 : memref<1x!tpu.dma_semaphore, #tpu.memory_space<semaphore_mem>> -> memref<!tpu.dma_semaphore, #tpu.memory_space<semaphore_mem>>
    tpu.enqueue_indirect_dma source(%dma_start3A_760 : memref<4096x128xf32, #tpu.memory_space<hbm>>) target(%dma_start3A_755 : memref<96x128xf32, #tpu.memory_space<vmem>>) offsets(%dma_start3A_757 : memref<96xi32, #tpu.memory_space<vmem>>) semaphore(%dma_start3A_762 : memref<!tpu.dma_semaphore, #tpu.memory_space<semaphore_mem>>)
    %add3A_763 = arith.constant 672 : i32
    %add3A_764 = arith.addi %mul3A_2, %add3A_763 : i32
    %dma_wait3A_765 = arith.constant 0 : i32
    %dma_wait3A_766 = arith.constant 0 : i32
    %dma_wait3A_767 = arith.constant 0 : i32
    %dma_wait3A_768 = arith.constant 0 : i32
    %dma_wait3A_769 = tpu.memref_slice %arg8[%dma_wait3A_765, %dma_wait3A_767, %dma_wait3A_768] : memref<2x96x256xi32, #tpu.memory_space<vmem>> -> memref<1x96x256xi32, #tpu.memory_space<vmem>>
    %dma_wait3A_770 = tpu.memref_squeeze %dma_wait3A_769 : memref<1x96x256xi32, #tpu.memory_space<vmem>> -> memref<96x256xi32, #tpu.memory_space<vmem>>
    %dma_wait3A_771 = arith.constant 576 : i32
    %dma_wait3A_772 = tpu.memref_slice %arg7[%dma_wait3A_771] : memref<768xi32, #tpu.memory_space<vmem>> -> memref<96xi32, #tpu.memory_space<vmem>>
    %dma_wait3A_773 = arith.constant 0 : i32
    %dma_wait3A_774 = arith.constant 0 : i32
    %dma_wait3A_775 = tpu.memref_slice %arg2[%dma_wait3A_773, %dma_wait3A_774] : memref<4096x256xi32, #tpu.memory_space<hbm>> -> memref<4096x256xi32, #tpu.memory_space<hbm>>
    %dma_wait3A_776 = tpu.memref_slice %arg10[%dma_wait3A_766] : memref<2x!tpu.dma_semaphore, #tpu.memory_space<semaphore_mem>> -> memref<1x!tpu.dma_semaphore, #tpu.memory_space<semaphore_mem>>
    %dma_wait3A_777 = tpu.memref_squeeze %dma_wait3A_776 : memref<1x!tpu.dma_semaphore, #tpu.memory_space<semaphore_mem>> -> memref<!tpu.dma_semaphore, #tpu.memory_space<semaphore_mem>>
    tpu.wait_indirect_dma semaphore(%dma_wait3A_777 : memref<!tpu.dma_semaphore, #tpu.memory_space<semaphore_mem>>) src(%dma_wait3A_775 : memref<4096x256xi32, #tpu.memory_space<hbm>>) dst(%dma_wait3A_770 : memref<96x256xi32, #tpu.memory_space<vmem>>)
    %dma_wait3A_778 = arith.constant 0 : i32
    %dma_wait3A_779 = arith.constant 0 : i32
    %dma_wait3A_780 = arith.constant 0 : i32
    %dma_wait3A_781 = arith.constant 0 : i32
    %dma_wait3A_782 = tpu.memref_slice %arg9[%dma_wait3A_778, %dma_wait3A_780, %dma_wait3A_781] : memref<2x96x128xf32, #tpu.memory_space<vmem>> -> memref<1x96x128xf32, #tpu.memory_space<vmem>>
    %dma_wait3A_783 = tpu.memref_squeeze %dma_wait3A_782 : memref<1x96x128xf32, #tpu.memory_space<vmem>> -> memref<96x128xf32, #tpu.memory_space<vmem>>
    %dma_wait3A_784 = arith.constant 576 : i32
    %dma_wait3A_785 = tpu.memref_slice %arg7[%dma_wait3A_784] : memref<768xi32, #tpu.memory_space<vmem>> -> memref<96xi32, #tpu.memory_space<vmem>>
    %dma_wait3A_786 = arith.constant 0 : i32
    %dma_wait3A_787 = arith.constant 0 : i32
    %dma_wait3A_788 = tpu.memref_slice %arg3[%dma_wait3A_786, %dma_wait3A_787] : memref<4096x128xf32, #tpu.memory_space<hbm>> -> memref<4096x128xf32, #tpu.memory_space<hbm>>
    %dma_wait3A_789 = tpu.memref_slice %arg11[%dma_wait3A_779] : memref<2x!tpu.dma_semaphore, #tpu.memory_space<semaphore_mem>> -> memref<1x!tpu.dma_semaphore, #tpu.memory_space<semaphore_mem>>
    %dma_wait3A_790 = tpu.memref_squeeze %dma_wait3A_789 : memref<1x!tpu.dma_semaphore, #tpu.memory_space<semaphore_mem>> -> memref<!tpu.dma_semaphore, #tpu.memory_space<semaphore_mem>>
    tpu.wait_indirect_dma semaphore(%dma_wait3A_790 : memref<!tpu.dma_semaphore, #tpu.memory_space<semaphore_mem>>) src(%dma_wait3A_788 : memref<4096x128xf32, #tpu.memory_space<hbm>>) dst(%dma_wait3A_783 : memref<96x128xf32, #tpu.memory_space<vmem>>)
    %dma_start3A_791 = arith.constant 0 : i32
    %dma_start3A_792 = arith.constant 0 : i32
    %dma_start3A_793 = arith.constant 0 : i32
    %dma_start3A_794 = arith.constant 0 : i32
    %dma_start3A_795 = tpu.memref_slice %arg8[%dma_start3A_791, %dma_start3A_793, %dma_start3A_794] : memref<2x96x256xi32, #tpu.memory_space<vmem>> -> memref<1x96x256xi32, #tpu.memory_space<vmem>>
    %dma_start3A_796 = tpu.memref_squeeze %dma_start3A_795 : memref<1x96x256xi32, #tpu.memory_space<vmem>> -> memref<96x256xi32, #tpu.memory_space<vmem>>
    %dma_start3A_797 = arith.constant 0 : i32
    %dma_start3A_798 = tpu.memref_slice %arg5[%add3A_646, %dma_start3A_797] : memref<24576x256xi32, #tpu.memory_space<hbm>> -> memref<96x256xi32, #tpu.memory_space<hbm>>
    %dma_start3A_799 = tpu.memref_slice %arg12[%dma_start3A_792] : memref<2x!tpu.dma_semaphore, #tpu.memory_space<semaphore_mem>> -> memref<1x!tpu.dma_semaphore, #tpu.memory_space<semaphore_mem>>
    %dma_start3A_800 = tpu.memref_squeeze %dma_start3A_799 : memref<1x!tpu.dma_semaphore, #tpu.memory_space<semaphore_mem>> -> memref<!tpu.dma_semaphore, #tpu.memory_space<semaphore_mem>>
    %dma_start3A_801 = arith.constant 0 : i32
    %dma_start3A_802 = tpu.memref_slice %arg5[%add3A_646, %dma_start3A_801] : memref<24576x256xi32, #tpu.memory_space<hbm>> -> memref<96x256xi32, #tpu.memory_space<hbm>>
    %dma_start3A_803 = arith.constant 0 : i32
    %dma_start3A_804 = arith.constant 0 : i32
    %dma_start3A_805 = tpu.memref_slice %arg8[%dma_start3A_791, %dma_start3A_803, %dma_start3A_804] : memref<2x96x256xi32, #tpu.memory_space<vmem>> -> memref<1x96x256xi32, #tpu.memory_space<vmem>>
    %dma_start3A_806 = tpu.memref_squeeze %dma_start3A_805 : memref<1x96x256xi32, #tpu.memory_space<vmem>> -> memref<96x256xi32, #tpu.memory_space<vmem>>
    tpu.enqueue_dma source(%dma_start3A_806 : memref<96x256xi32, #tpu.memory_space<vmem>>) target(%dma_start3A_802 : memref<96x256xi32, #tpu.memory_space<hbm>>) target_semaphore(%dma_start3A_800 : memref<!tpu.dma_semaphore, #tpu.memory_space<semaphore_mem>>)
    %dma_start3A_807 = arith.constant 0 : i32
    %dma_start3A_808 = arith.constant 0 : i32
    %dma_start3A_809 = arith.constant 0 : i32
    %dma_start3A_810 = arith.constant 0 : i32
    %dma_start3A_811 = tpu.memref_slice %arg9[%dma_start3A_807, %dma_start3A_809, %dma_start3A_810] : memref<2x96x128xf32, #tpu.memory_space<vmem>> -> memref<1x96x128xf32, #tpu.memory_space<vmem>>
    %dma_start3A_812 = tpu.memref_squeeze %dma_start3A_811 : memref<1x96x128xf32, #tpu.memory_space<vmem>> -> memref<96x128xf32, #tpu.memory_space<vmem>>
    %dma_start3A_813 = arith.constant 0 : i32
    %dma_start3A_814 = tpu.memref_slice %arg6[%add3A_646, %dma_start3A_813] : memref<24576x128xf32, #tpu.memory_space<hbm>> -> memref<96x128xf32, #tpu.memory_space<hbm>>
    %dma_start3A_815 = tpu.memref_slice %arg13[%dma_start3A_808] : memref<2x!tpu.dma_semaphore, #tpu.memory_space<semaphore_mem>> -> memref<1x!tpu.dma_semaphore, #tpu.memory_space<semaphore_mem>>
    %dma_start3A_816 = tpu.memref_squeeze %dma_start3A_815 : memref<1x!tpu.dma_semaphore, #tpu.memory_space<semaphore_mem>> -> memref<!tpu.dma_semaphore, #tpu.memory_space<semaphore_mem>>
    %dma_start3A_817 = arith.constant 0 : i32
    %dma_start3A_818 = tpu.memref_slice %arg6[%add3A_646, %dma_start3A_817] : memref<24576x128xf32, #tpu.memory_space<hbm>> -> memref<96x128xf32, #tpu.memory_space<hbm>>
    %dma_start3A_819 = arith.constant 0 : i32
    %dma_start3A_820 = arith.constant 0 : i32
    %dma_start3A_821 = tpu.memref_slice %arg9[%dma_start3A_807, %dma_start3A_819, %dma_start3A_820] : memref<2x96x128xf32, #tpu.memory_space<vmem>> -> memref<1x96x128xf32, #tpu.memory_space<vmem>>
    %dma_start3A_822 = tpu.memref_squeeze %dma_start3A_821 : memref<1x96x128xf32, #tpu.memory_space<vmem>> -> memref<96x128xf32, #tpu.memory_space<vmem>>
    tpu.enqueue_dma source(%dma_start3A_822 : memref<96x128xf32, #tpu.memory_space<vmem>>) target(%dma_start3A_818 : memref<96x128xf32, #tpu.memory_space<hbm>>) target_semaphore(%dma_start3A_816 : memref<!tpu.dma_semaphore, #tpu.memory_space<semaphore_mem>>)
    %dma_wait3A_823 = arith.constant 1 : i32
    %dma_wait3A_824 = arith.constant 1 : i32
    %dma_wait3A_825 = arith.constant 0 : i32
    %dma_wait3A_826 = arith.constant 0 : i32
    %dma_wait3A_827 = tpu.memref_slice %arg8[%dma_wait3A_823, %dma_wait3A_825, %dma_wait3A_826] : memref<2x96x256xi32, #tpu.memory_space<vmem>> -> memref<1x96x256xi32, #tpu.memory_space<vmem>>
    %dma_wait3A_828 = tpu.memref_squeeze %dma_wait3A_827 : memref<1x96x256xi32, #tpu.memory_space<vmem>> -> memref<96x256xi32, #tpu.memory_space<vmem>>
    %dma_wait3A_829 = arith.constant 672 : i32
    %dma_wait3A_830 = tpu.memref_slice %arg7[%dma_wait3A_829] : memref<768xi32, #tpu.memory_space<vmem>> -> memref<96xi32, #tpu.memory_space<vmem>>
    %dma_wait3A_831 = arith.constant 0 : i32
    %dma_wait3A_832 = arith.constant 0 : i32
    %dma_wait3A_833 = tpu.memref_slice %arg2[%dma_wait3A_831, %dma_wait3A_832] : memref<4096x256xi32, #tpu.memory_space<hbm>> -> memref<4096x256xi32, #tpu.memory_space<hbm>>
    %dma_wait3A_834 = tpu.memref_slice %arg10[%dma_wait3A_824] : memref<2x!tpu.dma_semaphore, #tpu.memory_space<semaphore_mem>> -> memref<1x!tpu.dma_semaphore, #tpu.memory_space<semaphore_mem>>
    %dma_wait3A_835 = tpu.memref_squeeze %dma_wait3A_834 : memref<1x!tpu.dma_semaphore, #tpu.memory_space<semaphore_mem>> -> memref<!tpu.dma_semaphore, #tpu.memory_space<semaphore_mem>>
    tpu.wait_indirect_dma semaphore(%dma_wait3A_835 : memref<!tpu.dma_semaphore, #tpu.memory_space<semaphore_mem>>) src(%dma_wait3A_833 : memref<4096x256xi32, #tpu.memory_space<hbm>>) dst(%dma_wait3A_828 : memref<96x256xi32, #tpu.memory_space<vmem>>)
    %dma_wait3A_836 = arith.constant 1 : i32
    %dma_wait3A_837 = arith.constant 1 : i32
    %dma_wait3A_838 = arith.constant 0 : i32
    %dma_wait3A_839 = arith.constant 0 : i32
    %dma_wait3A_840 = tpu.memref_slice %arg9[%dma_wait3A_836, %dma_wait3A_838, %dma_wait3A_839] : memref<2x96x128xf32, #tpu.memory_space<vmem>> -> memref<1x96x128xf32, #tpu.memory_space<vmem>>
    %dma_wait3A_841 = tpu.memref_squeeze %dma_wait3A_840 : memref<1x96x128xf32, #tpu.memory_space<vmem>> -> memref<96x128xf32, #tpu.memory_space<vmem>>
    %dma_wait3A_842 = arith.constant 672 : i32
    %dma_wait3A_843 = tpu.memref_slice %arg7[%dma_wait3A_842] : memref<768xi32, #tpu.memory_space<vmem>> -> memref<96xi32, #tpu.memory_space<vmem>>
    %dma_wait3A_844 = arith.constant 0 : i32
    %dma_wait3A_845 = arith.constant 0 : i32
    %dma_wait3A_846 = tpu.memref_slice %arg3[%dma_wait3A_844, %dma_wait3A_845] : memref<4096x128xf32, #tpu.memory_space<hbm>> -> memref<4096x128xf32, #tpu.memory_space<hbm>>
    %dma_wait3A_847 = tpu.memref_slice %arg11[%dma_wait3A_837] : memref<2x!tpu.dma_semaphore, #tpu.memory_space<semaphore_mem>> -> memref<1x!tpu.dma_semaphore, #tpu.memory_space<semaphore_mem>>
    %dma_wait3A_848 = tpu.memref_squeeze %dma_wait3A_847 : memref<1x!tpu.dma_semaphore, #tpu.memory_space<semaphore_mem>> -> memref<!tpu.dma_semaphore, #tpu.memory_space<semaphore_mem>>
    tpu.wait_indirect_dma semaphore(%dma_wait3A_848 : memref<!tpu.dma_semaphore, #tpu.memory_space<semaphore_mem>>) src(%dma_wait3A_846 : memref<4096x128xf32, #tpu.memory_space<hbm>>) dst(%dma_wait3A_841 : memref<96x128xf32, #tpu.memory_space<vmem>>)
    %dma_start3A_849 = arith.constant 1 : i32
    %dma_start3A_850 = arith.constant 1 : i32
    %dma_start3A_851 = arith.constant 0 : i32
    %dma_start3A_852 = arith.constant 0 : i32
    %dma_start3A_853 = tpu.memref_slice %arg8[%dma_start3A_849, %dma_start3A_851, %dma_start3A_852] : memref<2x96x256xi32, #tpu.memory_space<vmem>> -> memref<1x96x256xi32, #tpu.memory_space<vmem>>
    %dma_start3A_854 = tpu.memref_squeeze %dma_start3A_853 : memref<1x96x256xi32, #tpu.memory_space<vmem>> -> memref<96x256xi32, #tpu.memory_space<vmem>>
    %dma_start3A_855 = arith.constant 0 : i32
    %dma_start3A_856 = tpu.memref_slice %arg5[%add3A_764, %dma_start3A_855] : memref<24576x256xi32, #tpu.memory_space<hbm>> -> memref<96x256xi32, #tpu.memory_space<hbm>>
    %dma_start3A_857 = tpu.memref_slice %arg12[%dma_start3A_850] : memref<2x!tpu.dma_semaphore, #tpu.memory_space<semaphore_mem>> -> memref<1x!tpu.dma_semaphore, #tpu.memory_space<semaphore_mem>>
    %dma_start3A_858 = tpu.memref_squeeze %dma_start3A_857 : memref<1x!tpu.dma_semaphore, #tpu.memory_space<semaphore_mem>> -> memref<!tpu.dma_semaphore, #tpu.memory_space<semaphore_mem>>
    %dma_start3A_859 = arith.constant 0 : i32
    %dma_start3A_860 = tpu.memref_slice %arg5[%add3A_764, %dma_start3A_859] : memref<24576x256xi32, #tpu.memory_space<hbm>> -> memref<96x256xi32, #tpu.memory_space<hbm>>
    %dma_start3A_861 = arith.constant 0 : i32
    %dma_start3A_862 = arith.constant 0 : i32
    %dma_start3A_863 = tpu.memref_slice %arg8[%dma_start3A_849, %dma_start3A_861, %dma_start3A_862] : memref<2x96x256xi32, #tpu.memory_space<vmem>> -> memref<1x96x256xi32, #tpu.memory_space<vmem>>
    %dma_start3A_864 = tpu.memref_squeeze %dma_start3A_863 : memref<1x96x256xi32, #tpu.memory_space<vmem>> -> memref<96x256xi32, #tpu.memory_space<vmem>>
    tpu.enqueue_dma source(%dma_start3A_864 : memref<96x256xi32, #tpu.memory_space<vmem>>) target(%dma_start3A_860 : memref<96x256xi32, #tpu.memory_space<hbm>>) target_semaphore(%dma_start3A_858 : memref<!tpu.dma_semaphore, #tpu.memory_space<semaphore_mem>>)
    %dma_start3A_865 = arith.constant 1 : i32
    %dma_start3A_866 = arith.constant 1 : i32
    %dma_start3A_867 = arith.constant 0 : i32
    %dma_start3A_868 = arith.constant 0 : i32
    %dma_start3A_869 = tpu.memref_slice %arg9[%dma_start3A_865, %dma_start3A_867, %dma_start3A_868] : memref<2x96x128xf32, #tpu.memory_space<vmem>> -> memref<1x96x128xf32, #tpu.memory_space<vmem>>
    %dma_start3A_870 = tpu.memref_squeeze %dma_start3A_869 : memref<1x96x128xf32, #tpu.memory_space<vmem>> -> memref<96x128xf32, #tpu.memory_space<vmem>>
    %dma_start3A_871 = arith.constant 0 : i32
    %dma_start3A_872 = tpu.memref_slice %arg6[%add3A_764, %dma_start3A_871] : memref<24576x128xf32, #tpu.memory_space<hbm>> -> memref<96x128xf32, #tpu.memory_space<hbm>>
    %dma_start3A_873 = tpu.memref_slice %arg13[%dma_start3A_866] : memref<2x!tpu.dma_semaphore, #tpu.memory_space<semaphore_mem>> -> memref<1x!tpu.dma_semaphore, #tpu.memory_space<semaphore_mem>>
    %dma_start3A_874 = tpu.memref_squeeze %dma_start3A_873 : memref<1x!tpu.dma_semaphore, #tpu.memory_space<semaphore_mem>> -> memref<!tpu.dma_semaphore, #tpu.memory_space<semaphore_mem>>
    %dma_start3A_875 = arith.constant 0 : i32
    %dma_start3A_876 = tpu.memref_slice %arg6[%add3A_764, %dma_start3A_875] : memref<24576x128xf32, #tpu.memory_space<hbm>> -> memref<96x128xf32, #tpu.memory_space<hbm>>
    %dma_start3A_877 = arith.constant 0 : i32
    %dma_start3A_878 = arith.constant 0 : i32
    %dma_start3A_879 = tpu.memref_slice %arg9[%dma_start3A_865, %dma_start3A_877, %dma_start3A_878] : memref<2x96x128xf32, #tpu.memory_space<vmem>> -> memref<1x96x128xf32, #tpu.memory_space<vmem>>
    %dma_start3A_880 = tpu.memref_squeeze %dma_start3A_879 : memref<1x96x128xf32, #tpu.memory_space<vmem>> -> memref<96x128xf32, #tpu.memory_space<vmem>>
    tpu.enqueue_dma source(%dma_start3A_880 : memref<96x128xf32, #tpu.memory_space<vmem>>) target(%dma_start3A_876 : memref<96x128xf32, #tpu.memory_space<hbm>>) target_semaphore(%dma_start3A_874 : memref<!tpu.dma_semaphore, #tpu.memory_space<semaphore_mem>>)
    %dma_wait3A_881 = arith.constant 0 : i32
    %dma_wait3A_882 = arith.constant 0 : i32
    %dma_wait3A_883 = arith.constant 0 : i32
    %dma_wait3A_884 = arith.constant 0 : i32
    %dma_wait3A_885 = tpu.memref_slice %arg8[%dma_wait3A_881, %dma_wait3A_883, %dma_wait3A_884] : memref<2x96x256xi32, #tpu.memory_space<vmem>> -> memref<1x96x256xi32, #tpu.memory_space<vmem>>
    %dma_wait3A_886 = tpu.memref_squeeze %dma_wait3A_885 : memref<1x96x256xi32, #tpu.memory_space<vmem>> -> memref<96x256xi32, #tpu.memory_space<vmem>>
    %dma_wait3A_887 = arith.constant 0 : i32
    %dma_wait3A_888 = tpu.memref_slice %arg5[%add3A_646, %dma_wait3A_887] : memref<24576x256xi32, #tpu.memory_space<hbm>> -> memref<96x256xi32, #tpu.memory_space<hbm>>
    %dma_wait3A_889 = tpu.memref_slice %arg12[%dma_wait3A_882] : memref<2x!tpu.dma_semaphore, #tpu.memory_space<semaphore_mem>> -> memref<1x!tpu.dma_semaphore, #tpu.memory_space<semaphore_mem>>
    %dma_wait3A_890 = tpu.memref_squeeze %dma_wait3A_889 : memref<1x!tpu.dma_semaphore, #tpu.memory_space<semaphore_mem>> -> memref<!tpu.dma_semaphore, #tpu.memory_space<semaphore_mem>>
    %dma_wait3A_891 = arith.constant 0 : i32
    %dma_wait3A_892 = tpu.memref_slice %arg5[%add3A_646, %dma_wait3A_891] : memref<24576x256xi32, #tpu.memory_space<hbm>> -> memref<96x256xi32, #tpu.memory_space<hbm>>
    %dma_wait3A_893 = arith.constant 0 : i32
    %dma_wait3A_894 = arith.constant 0 : i32
    %dma_wait3A_895 = tpu.memref_slice %arg8[%dma_wait3A_881, %dma_wait3A_893, %dma_wait3A_894] : memref<2x96x256xi32, #tpu.memory_space<vmem>> -> memref<1x96x256xi32, #tpu.memory_space<vmem>>
    %dma_wait3A_896 = tpu.memref_squeeze %dma_wait3A_895 : memref<1x96x256xi32, #tpu.memory_space<vmem>> -> memref<96x256xi32, #tpu.memory_space<vmem>>
    tpu.wait_dma2 semaphore(%dma_wait3A_890 : memref<!tpu.dma_semaphore, #tpu.memory_space<semaphore_mem>>) src(%dma_wait3A_896 : memref<96x256xi32, #tpu.memory_space<vmem>>) dst(%dma_wait3A_892 : memref<96x256xi32, #tpu.memory_space<hbm>>)
    %dma_wait3A_897 = arith.constant 0 : i32
    %dma_wait3A_898 = arith.constant 0 : i32
    %dma_wait3A_899 = arith.constant 0 : i32
    %dma_wait3A_900 = arith.constant 0 : i32
    %dma_wait3A_901 = tpu.memref_slice %arg9[%dma_wait3A_897, %dma_wait3A_899, %dma_wait3A_900] : memref<2x96x128xf32, #tpu.memory_space<vmem>> -> memref<1x96x128xf32, #tpu.memory_space<vmem>>
    %dma_wait3A_902 = tpu.memref_squeeze %dma_wait3A_901 : memref<1x96x128xf32, #tpu.memory_space<vmem>> -> memref<96x128xf32, #tpu.memory_space<vmem>>
    %dma_wait3A_903 = arith.constant 0 : i32
    %dma_wait3A_904 = tpu.memref_slice %arg6[%add3A_646, %dma_wait3A_903] : memref<24576x128xf32, #tpu.memory_space<hbm>> -> memref<96x128xf32, #tpu.memory_space<hbm>>
    %dma_wait3A_905 = tpu.memref_slice %arg13[%dma_wait3A_898] : memref<2x!tpu.dma_semaphore, #tpu.memory_space<semaphore_mem>> -> memref<1x!tpu.dma_semaphore, #tpu.memory_space<semaphore_mem>>
    %dma_wait3A_906 = tpu.memref_squeeze %dma_wait3A_905 : memref<1x!tpu.dma_semaphore, #tpu.memory_space<semaphore_mem>> -> memref<!tpu.dma_semaphore, #tpu.memory_space<semaphore_mem>>
    %dma_wait3A_907 = arith.constant 0 : i32
    %dma_wait3A_908 = tpu.memref_slice %arg6[%add3A_646, %dma_wait3A_907] : memref<24576x128xf32, #tpu.memory_space<hbm>> -> memref<96x128xf32, #tpu.memory_space<hbm>>
    %dma_wait3A_909 = arith.constant 0 : i32
    %dma_wait3A_910 = arith.constant 0 : i32
    %dma_wait3A_911 = tpu.memref_slice %arg9[%dma_wait3A_897, %dma_wait3A_909, %dma_wait3A_910] : memref<2x96x128xf32, #tpu.memory_space<vmem>> -> memref<1x96x128xf32, #tpu.memory_space<vmem>>
    %dma_wait3A_912 = tpu.memref_squeeze %dma_wait3A_911 : memref<1x96x128xf32, #tpu.memory_space<vmem>> -> memref<96x128xf32, #tpu.memory_space<vmem>>
    tpu.wait_dma2 semaphore(%dma_wait3A_906 : memref<!tpu.dma_semaphore, #tpu.memory_space<semaphore_mem>>) src(%dma_wait3A_912 : memref<96x128xf32, #tpu.memory_space<vmem>>) dst(%dma_wait3A_908 : memref<96x128xf32, #tpu.memory_space<hbm>>)
    %dma_wait3A_913 = arith.constant 1 : i32
    %dma_wait3A_914 = arith.constant 1 : i32
    %dma_wait3A_915 = arith.constant 0 : i32
    %dma_wait3A_916 = arith.constant 0 : i32
    %dma_wait3A_917 = tpu.memref_slice %arg8[%dma_wait3A_913, %dma_wait3A_915, %dma_wait3A_916] : memref<2x96x256xi32, #tpu.memory_space<vmem>> -> memref<1x96x256xi32, #tpu.memory_space<vmem>>
    %dma_wait3A_918 = tpu.memref_squeeze %dma_wait3A_917 : memref<1x96x256xi32, #tpu.memory_space<vmem>> -> memref<96x256xi32, #tpu.memory_space<vmem>>
    %dma_wait3A_919 = arith.constant 0 : i32
    %dma_wait3A_920 = tpu.memref_slice %arg5[%add3A_764, %dma_wait3A_919] : memref<24576x256xi32, #tpu.memory_space<hbm>> -> memref<96x256xi32, #tpu.memory_space<hbm>>
    %dma_wait3A_921 = tpu.memref_slice %arg12[%dma_wait3A_914] : memref<2x!tpu.dma_semaphore, #tpu.memory_space<semaphore_mem>> -> memref<1x!tpu.dma_semaphore, #tpu.memory_space<semaphore_mem>>
    %dma_wait3A_922 = tpu.memref_squeeze %dma_wait3A_921 : memref<1x!tpu.dma_semaphore, #tpu.memory_space<semaphore_mem>> -> memref<!tpu.dma_semaphore, #tpu.memory_space<semaphore_mem>>
    %dma_wait3A_923 = arith.constant 0 : i32
    %dma_wait3A_924 = tpu.memref_slice %arg5[%add3A_764, %dma_wait3A_923] : memref<24576x256xi32, #tpu.memory_space<hbm>> -> memref<96x256xi32, #tpu.memory_space<hbm>>
    %dma_wait3A_925 = arith.constant 0 : i32
    %dma_wait3A_926 = arith.constant 0 : i32
    %dma_wait3A_927 = tpu.memref_slice %arg8[%dma_wait3A_913, %dma_wait3A_925, %dma_wait3A_926] : memref<2x96x256xi32, #tpu.memory_space<vmem>> -> memref<1x96x256xi32, #tpu.memory_space<vmem>>
    %dma_wait3A_928 = tpu.memref_squeeze %dma_wait3A_927 : memref<1x96x256xi32, #tpu.memory_space<vmem>> -> memref<96x256xi32, #tpu.memory_space<vmem>>
    tpu.wait_dma2 semaphore(%dma_wait3A_922 : memref<!tpu.dma_semaphore, #tpu.memory_space<semaphore_mem>>) src(%dma_wait3A_928 : memref<96x256xi32, #tpu.memory_space<vmem>>) dst(%dma_wait3A_924 : memref<96x256xi32, #tpu.memory_space<hbm>>)
    %dma_wait3A_929 = arith.constant 1 : i32
    %dma_wait3A_930 = arith.constant 1 : i32
    %dma_wait3A_931 = arith.constant 0 : i32
    %dma_wait3A_932 = arith.constant 0 : i32
    %dma_wait3A_933 = tpu.memref_slice %arg9[%dma_wait3A_929, %dma_wait3A_931, %dma_wait3A_932] : memref<2x96x128xf32, #tpu.memory_space<vmem>> -> memref<1x96x128xf32, #tpu.memory_space<vmem>>
    %dma_wait3A_934 = tpu.memref_squeeze %dma_wait3A_933 : memref<1x96x128xf32, #tpu.memory_space<vmem>> -> memref<96x128xf32, #tpu.memory_space<vmem>>
    %dma_wait3A_935 = arith.constant 0 : i32
    %dma_wait3A_936 = tpu.memref_slice %arg6[%add3A_764, %dma_wait3A_935] : memref<24576x128xf32, #tpu.memory_space<hbm>> -> memref<96x128xf32, #tpu.memory_space<hbm>>
    %dma_wait3A_937 = tpu.memref_slice %arg13[%dma_wait3A_930] : memref<2x!tpu.dma_semaphore, #tpu.memory_space<semaphore_mem>> -> memref<1x!tpu.dma_semaphore, #tpu.memory_space<semaphore_mem>>
    %dma_wait3A_938 = tpu.memref_squeeze %dma_wait3A_937 : memref<1x!tpu.dma_semaphore, #tpu.memory_space<semaphore_mem>> -> memref<!tpu.dma_semaphore, #tpu.memory_space<semaphore_mem>>
    %dma_wait3A_939 = arith.constant 0 : i32
    %dma_wait3A_940 = tpu.memref_slice %arg6[%add3A_764, %dma_wait3A_939] : memref<24576x128xf32, #tpu.memory_space<hbm>> -> memref<96x128xf32, #tpu.memory_space<hbm>>
    %dma_wait3A_941 = arith.constant 0 : i32
    %dma_wait3A_942 = arith.constant 0 : i32
    %dma_wait3A_943 = tpu.memref_slice %arg9[%dma_wait3A_929, %dma_wait3A_941, %dma_wait3A_942] : memref<2x96x128xf32, #tpu.memory_space<vmem>> -> memref<1x96x128xf32, #tpu.memory_space<vmem>>
    %dma_wait3A_944 = tpu.memref_squeeze %dma_wait3A_943 : memref<1x96x128xf32, #tpu.memory_space<vmem>> -> memref<96x128xf32, #tpu.memory_space<vmem>>
    tpu.wait_dma2 semaphore(%dma_wait3A_938 : memref<!tpu.dma_semaphore, #tpu.memory_space<semaphore_mem>>) src(%dma_wait3A_944 : memref<96x128xf32, #tpu.memory_space<vmem>>) dst(%dma_wait3A_940 : memref<96x128xf32, #tpu.memory_space<hbm>>)
    return
  }
}

module attributes {stable_mosaic.version = 14 : i64} {
  func.func @_k12_body(%arg0: i32, %arg1: i32, %arg2: memref<512x512xf32, #tpu.memory_space<vmem>>, %arg3: memref<512x512xf32, #tpu.memory_space<vmem>>, %arg4: memref<1x512xf32, #tpu.memory_space<vmem>>, %arg5: memref<512x512xf32, #tpu.memory_space<vmem>>, %arg6: memref<1x512xf32, #tpu.memory_space<vmem>>, %arg7: memref<512x512xf32, #tpu.memory_space<vmem>>, %arg8: memref<1x512xf32, #tpu.memory_space<vmem>>, %arg9: memref<512x1024xf32, #tpu.memory_space<vmem>>, %arg10: memref<1x1024xf32, #tpu.memory_space<vmem>>, %arg11: memref<512x512xf32, #tpu.memory_space<vmem>>, %arg12: memref<1x512xf32, #tpu.memory_space<vmem>>, %arg13: memref<512x512xf32, #tpu.memory_space<vmem>>, %arg14: memref<512x512xf32, #tpu.memory_space<vmem>>, %arg15: memref<512x512xf32, #tpu.memory_space<vmem>>, %arg16: memref<512x256xi32, #tpu.memory_space<vmem>>, %arg17: memref<4096x512xf32, #tpu.memory_space<vmem>>) attributes {dimension_semantics = [#tpu.dimension_semantics<arbitrary>, #tpu.dimension_semantics<arbitrary>], iteration_bounds = array<i64: 2, 8>, scalar_prefetch = 0 : i64, scratch_operands = 1 : i64, tpu.core_type = #tpu.core_type<tc>, window_params = [{transform_indices = @transform_0, window_bounds = array<i64: 512, 512>}, {pipeline_mode = #tpu.pipeline_mode<synchronous>, transform_indices = @transform_1, window_bounds = array<i64: 512, 512>}, {pipeline_mode = #tpu.pipeline_mode<synchronous>, transform_indices = @transform_2, window_bounds = array<i64: 1, 512>}, {pipeline_mode = #tpu.pipeline_mode<synchronous>, transform_indices = @transform_3, window_bounds = array<i64: 512, 512>}, {pipeline_mode = #tpu.pipeline_mode<synchronous>, transform_indices = @transform_4, window_bounds = array<i64: 1, 512>}, {pipeline_mode = #tpu.pipeline_mode<synchronous>, transform_indices = @transform_5, window_bounds = array<i64: 512, 512>}, {pipeline_mode = #tpu.pipeline_mode<synchronous>, transform_indices = @transform_6, window_bounds = array<i64: 1, 512>}, {pipeline_mode = #tpu.pipeline_mode<synchronous>, transform_indices = @transform_7, window_bounds = array<i64: 512, 1024>}, {pipeline_mode = #tpu.pipeline_mode<synchronous>, transform_indices = @transform_8, window_bounds = array<i64: 1, 1024>}, {transform_indices = @transform_9, window_bounds = array<i64: 512, 512>}, {pipeline_mode = #tpu.pipeline_mode<synchronous>, transform_indices = @transform_10, window_bounds = array<i64: 1, 512>}, {transform_indices = @transform_11, window_bounds = array<i64: 512, 512>}, {transform_indices = @transform_12, window_bounds = array<i64: 512, 512>}, {transform_indices = @transform_13, window_bounds = array<i64: 512, 512>}, {transform_indices = @transform_14, window_bounds = array<i64: 512, 256>}]} {
    %eq3A = arith.constant 0 : i32
    %eq3A_0 = arith.cmpi eq, %arg0, %eq3A : i32
    %convert_element_type3A = arith.extui %eq3A_0 : i1 to i32
    %cond3A = arith.constant 0 : i32
    %cond3A_1 = arith.cmpi ne, %convert_element_type3A, %cond3A : i32
    scf.if %cond3A_1 {
      %get3A = arith.constant 0 : index
      %get3A_7 = arith.constant 0 : index
      %get3A_8 = vector.load %arg2[%get3A, %get3A_7] : memref<512x512xf32, #tpu.memory_space<vmem>>, vector<512x512xf32>
      %get3A_9 = arith.constant 0 : index
      %get3A_10 = arith.constant 0 : index
      %get3A_11 = vector.load %arg3[%get3A_9, %get3A_10] : memref<512x512xf32, #tpu.memory_space<vmem>>, vector<512x512xf32>
      %dot_general3A = arith.constant dense<0.000000e+00> : vector<512x512xf32>
      %dot_general3A_12 = tpu.matmul %get3A_8, %get3A_11, %dot_general3A {dimension_numbers = #tpu.dot_dimension_numbers<[1], [0], [0], [1], [0, 0, 1, 1], [], []>, transpose_lhs_hint = false} : vector<512x512xf32>, vector<512x512xf32>, vector<512x512xf32> -> vector<512x512xf32>
      %get3A_13 = arith.constant 0 : index
      %get3A_14 = arith.constant 0 : index
      %get3A_15 = vector.load %arg4[%get3A_13, %get3A_14] : memref<1x512xf32, #tpu.memory_space<vmem>>, vector<1x512xf32>
      %add3A = vector.broadcast %get3A_15 : vector<1x512xf32> to vector<512x512xf32>
      %add3A_16 = arith.addf %dot_general3A_12, %add3A : vector<512x512xf32>
      %ge3A = arith.constant 0.000000e+00 : f32
      %ge3A_17 = vector.broadcast %ge3A : f32 to vector<512x512xf32>
      %ge3A_18 = arith.cmpf oge, %add3A_16, %ge3A_17 : vector<512x512xf32>
      %mul3A = arith.constant 0.00999999977 : f32
      %mul3A_19 = vector.broadcast %mul3A : f32 to vector<512x512xf32>
      %mul3A_20 = arith.mulf %mul3A_19, %add3A_16 : vector<512x512xf32>
      %select_n3A = arith.select %ge3A_18, %add3A_16, %mul3A_20 : vector<512x512xi1>, vector<512x512xf32>
      %swap3A = arith.constant 0 : index
      %swap3A_21 = arith.constant 0 : index
      %swap3A_22 = vector.load %arg11[%swap3A, %swap3A_21] : memref<512x512xf32, #tpu.memory_space<vmem>>, vector<512x512xf32>
      tpu.vector_store %arg11[%swap3A, %swap3A_21], %select_n3A {strides = array<i32>} : memref<512x512xf32, #tpu.memory_space<vmem>>, vector<512x512xf32>,
      %mul3A_23 = arith.constant 512 : i32
      %mul3A_24 = arith.muli %arg1, %mul3A_23 : i32
      %swap3A_25 = arith.index_cast %mul3A_24 : i32 to index
      %swap3A_26 = arith.constant 0 : index
      %swap3A_27 = vector.load %arg17[%swap3A_25, %swap3A_26] : memref<4096x512xf32, #tpu.memory_space<vmem>>, vector<512x512xf32>
      tpu.vector_store %arg17[%swap3A_25, %swap3A_26], %select_n3A {strides = array<i32>} : memref<4096x512xf32, #tpu.memory_space<vmem>>, vector<512x512xf32>,
      %eq3A_28 = arith.constant 0 : i32
      %eq3A_29 = arith.cmpi eq, %arg1, %eq3A_28 : i32
      %convert_element_type3A_30 = arith.extui %eq3A_29 : i1 to i32
      %cond3A_31 = arith.constant 0 : i32
      %cond3A_32 = arith.cmpi ne, %convert_element_type3A_30, %cond3A_31 : i32
      scf.if %cond3A_32 {
        %broadcast_in_dim3A_41 = arith.constant 0.000000e+00 : f32
        %broadcast_in_dim3A_42 = vector.broadcast %broadcast_in_dim3A_41 : f32 to vector<1x512xf32>
        %swap3A_43 = arith.constant 0 : index
        %swap3A_44 = arith.constant 0 : index
        %swap3A_45 = vector.load %arg12[%swap3A_43, %swap3A_44] : memref<1x512xf32, #tpu.memory_space<vmem>>, vector<1x512xf32>
        tpu.vector_store %arg12[%swap3A_43, %swap3A_44], %broadcast_in_dim3A_42 {strides = array<i32>} : memref<1x512xf32, #tpu.memory_space<vmem>>, vector<1x512xf32>,
      } else {
      }
      %get3A_33 = arith.constant 0 : index
      %get3A_34 = arith.constant 0 : index
      %get3A_35 = vector.load %arg12[%get3A_33, %get3A_34] : memref<1x512xf32, #tpu.memory_space<vmem>>, vector<1x512xf32>
      %reduce_sum3A = arith.constant dense<0.000000e+00> : vector<512xf32>
      %reduce_sum3A_36 = vector.multi_reduction <add>, %select_n3A, %reduce_sum3A [0] : vector<512x512xf32> to vector<512xf32>
      %broadcast_in_dim3A = vector.shape_cast %reduce_sum3A_36 : vector<512xf32> to vector<1x512xf32>
      %add3A_37 = arith.addf %get3A_35, %broadcast_in_dim3A : vector<1x512xf32>
      %swap3A_38 = arith.constant 0 : index
      %swap3A_39 = arith.constant 0 : index
      %swap3A_40 = vector.load %arg12[%swap3A_38, %swap3A_39] : memref<1x512xf32, #tpu.memory_space<vmem>>, vector<1x512xf32>
      tpu.vector_store %arg12[%swap3A_38, %swap3A_39], %add3A_37 {strides = array<i32>} : memref<1x512xf32, #tpu.memory_space<vmem>>, vector<1x512xf32>,
    } else {
    }
    %eq3A_2 = arith.constant 1 : i32
    %eq3A_3 = arith.cmpi eq, %arg0, %eq3A_2 : i32
    %convert_element_type3A_4 = arith.extui %eq3A_3 : i1 to i32
    %cond3A_5 = arith.constant 0 : i32
    %cond3A_6 = arith.cmpi ne, %convert_element_type3A_4, %cond3A_5 : i32
    scf.if %cond3A_6 {
      %mul3A = arith.constant 512 : i32
      %mul3A_7 = arith.muli %arg1, %mul3A : i32
      %get3A = arith.index_cast %mul3A_7 : i32 to index
      %get3A_8 = arith.constant 0 : index
      %get3A_9 = vector.load %arg17[%get3A, %get3A_8] : memref<4096x512xf32, #tpu.memory_space<vmem>>, vector<512x512xf32>
      %swap3A = arith.constant 0 : index
      %swap3A_10 = arith.constant 0 : index
      %swap3A_11 = vector.load %arg11[%swap3A, %swap3A_10] : memref<512x512xf32, #tpu.memory_space<vmem>>, vector<512x512xf32>
      tpu.vector_store %arg11[%swap3A, %swap3A_10], %get3A_9 {strides = array<i32>} : memref<512x512xf32, #tpu.memory_space<vmem>>, vector<512x512xf32>,
      %get3A_12 = arith.constant 0 : index
      %get3A_13 = arith.constant 0 : index
      %get3A_14 = vector.load %arg12[%get3A_12, %get3A_13] : memref<1x512xf32, #tpu.memory_space<vmem>>, vector<1x512xf32>
      %mul3A_15 = arith.constant 2.44140625E-4 : f32
      %mul3A_16 = vector.broadcast %mul3A_15 : f32 to vector<1x512xf32>
      %mul3A_17 = arith.mulf %get3A_14, %mul3A_16 : vector<1x512xf32>
      %add3A = vector.broadcast %mul3A_17 : vector<1x512xf32> to vector<512x512xf32>
      %add3A_18 = arith.addf %get3A_9, %add3A : vector<512x512xf32>
      %mul3A_19 = arith.constant 5.000000e-01 : f32
      %mul3A_20 = vector.broadcast %mul3A_19 : f32 to vector<512x512xf32>
      %mul3A_21 = arith.mulf %add3A_18, %mul3A_20 : vector<512x512xf32>
      %get3A_22 = arith.constant 0 : index
      %get3A_23 = arith.constant 0 : index
      %get3A_24 = vector.load %arg5[%get3A_22, %get3A_23] : memref<512x512xf32, #tpu.memory_space<vmem>>, vector<512x512xf32>
      %dot_general3A = arith.constant dense<0.000000e+00> : vector<512x512xf32>
      %dot_general3A_25 = tpu.matmul %mul3A_21, %get3A_24, %dot_general3A {dimension_numbers = #tpu.dot_dimension_numbers<[1], [0], [0], [1], [0, 0, 1, 1], [], []>, transpose_lhs_hint = false} : vector<512x512xf32>, vector<512x512xf32>, vector<512x512xf32> -> vector<512x512xf32>
      %get3A_26 = arith.constant 0 : index
      %get3A_27 = arith.constant 0 : index
      %get3A_28 = vector.load %arg6[%get3A_26, %get3A_27] : memref<1x512xf32, #tpu.memory_space<vmem>>, vector<1x512xf32>
      %add3A_29 = vector.broadcast %get3A_28 : vector<1x512xf32> to vector<512x512xf32>
      %add3A_30 = arith.addf %dot_general3A_25, %add3A_29 : vector<512x512xf32>
      %get3A_31 = arith.constant 0 : index
      %get3A_32 = arith.constant 0 : index
      %get3A_33 = vector.load %arg7[%get3A_31, %get3A_32] : memref<512x512xf32, #tpu.memory_space<vmem>>, vector<512x512xf32>
      %dot_general3A_34 = arith.constant dense<0.000000e+00> : vector<512x512xf32>
      %dot_general3A_35 = tpu.matmul %mul3A_21, %get3A_33, %dot_general3A_34 {dimension_numbers = #tpu.dot_dimension_numbers<[1], [0], [0], [1], [0, 0, 1, 1], [], []>, transpose_lhs_hint = false} : vector<512x512xf32>, vector<512x512xf32>, vector<512x512xf32> -> vector<512x512xf32>
      %get3A_36 = arith.constant 0 : index
      %get3A_37 = arith.constant 0 : index
      %get3A_38 = vector.load %arg8[%get3A_36, %get3A_37] : memref<1x512xf32, #tpu.memory_space<vmem>>, vector<1x512xf32>
      %add3A_39 = vector.broadcast %get3A_38 : vector<1x512xf32> to vector<512x512xf32>
      %add3A_40 = arith.addf %dot_general3A_35, %add3A_39 : vector<512x512xf32>
      %swap3A_41 = arith.constant 0 : index
      %swap3A_42 = arith.constant 0 : index
      %swap3A_43 = vector.load %arg13[%swap3A_41, %swap3A_42] : memref<512x512xf32, #tpu.memory_space<vmem>>, vector<512x512xf32>
      tpu.vector_store %arg13[%swap3A_41, %swap3A_42], %add3A_30 {strides = array<i32>} : memref<512x512xf32, #tpu.memory_space<vmem>>, vector<512x512xf32>,
      %swap3A_44 = arith.constant 0 : index
      %swap3A_45 = arith.constant 0 : index
      %swap3A_46 = vector.load %arg14[%swap3A_44, %swap3A_45] : memref<512x512xf32, #tpu.memory_space<vmem>>, vector<512x512xf32>
      tpu.vector_store %arg14[%swap3A_44, %swap3A_45], %add3A_40 {strides = array<i32>} : memref<512x512xf32, #tpu.memory_space<vmem>>, vector<512x512xf32>,
      %get3A_47 = arith.constant 0 : index
      %get3A_48 = arith.constant 0 : index
      %get3A_49 = vector.load %arg9[%get3A_47, %get3A_48] : memref<512x1024xf32, #tpu.memory_space<vmem>>, vector<512x1024xf32>
      %dot_general3A_50 = arith.constant dense<0.000000e+00> : vector<512x1024xf32>
      %dot_general3A_51 = tpu.matmul %add3A_40, %get3A_49, %dot_general3A_50 {dimension_numbers = #tpu.dot_dimension_numbers<[1], [0], [0], [1], [0, 0, 1, 1], [], []>, transpose_lhs_hint = false} : vector<512x512xf32>, vector<512x1024xf32>, vector<512x1024xf32> -> vector<512x1024xf32>
      %get3A_52 = arith.constant 0 : index
      %get3A_53 = arith.constant 0 : index
      %get3A_54 = vector.load %arg10[%get3A_52, %get3A_53] : memref<1x1024xf32, #tpu.memory_space<vmem>>, vector<1x1024xf32>
      %add3A_55 = vector.broadcast %get3A_54 : vector<1x1024xf32> to vector<512x1024xf32>
      %add3A_56 = arith.addf %dot_general3A_51, %add3A_55 : vector<512x1024xf32>
      %slice3A = vector.extract_strided_slice %add3A_56 {offsets = [0, 0], sizes = [512, 512], strides = [1, 1]} : vector<512x1024xf32> to vector<512x512xf32>
      %swap3A_57 = arith.constant 0 : index
      %swap3A_58 = arith.constant 0 : index
      %swap3A_59 = vector.load %arg15[%swap3A_57, %swap3A_58] : memref<512x512xf32, #tpu.memory_space<vmem>>, vector<512x512xf32>
      tpu.vector_store %arg15[%swap3A_57, %swap3A_58], %slice3A {strides = array<i32>} : memref<512x512xf32, #tpu.memory_space<vmem>>, vector<512x512xf32>,
      %slice3A_60 = vector.extract_strided_slice %add3A_56 {offsets = [0, 512], sizes = [512, 256], strides = [1, 1]} : vector<512x1024xf32> to vector<512x256xf32>
      %convert_element_type3A_61 = arith.truncf %slice3A_60 : vector<512x256xf32> to vector<512x256xbf16>
      %convert_element_type3A_62 = arith.extf %convert_element_type3A_61 : vector<512x256xbf16> to vector<512x256xf32>
      %bitcast_convert_type3A = tpu.bitcast %convert_element_type3A_62 : vector<512x256xf32> -> vector<512x256xi32>
      %slice3A_63 = vector.extract_strided_slice %add3A_56 {offsets = [0, 768], sizes = [512, 256], strides = [1, 1]} : vector<512x1024xf32> to vector<512x256xf32>
      %convert_element_type3A_64 = arith.truncf %slice3A_63 : vector<512x256xf32> to vector<512x256xbf16>
      %convert_element_type3A_65 = arith.extf %convert_element_type3A_64 : vector<512x256xbf16> to vector<512x256xf32>
      %bitcast_convert_type3A_66 = tpu.bitcast %convert_element_type3A_65 : vector<512x256xf32> -> vector<512x256xi32>
      %and3A = arith.constant -65536 : i32
      %and3A_67 = vector.broadcast %and3A : i32 to vector<512x256xi32>
      %and3A_68 = arith.andi %bitcast_convert_type3A, %and3A_67 : vector<512x256xi32>
      %shift_right_logical3A = arith.constant 16 : i32
      %shift_right_logical3A_69 = vector.broadcast %shift_right_logical3A : i32 to vector<512x256xi32>
      %shift_right_logical3A_70 = arith.shrui %bitcast_convert_type3A_66, %shift_right_logical3A_69 : vector<512x256xi32>
      %or3A = arith.ori %and3A_68, %shift_right_logical3A_70 : vector<512x256xi32>
      %swap3A_71 = arith.constant 0 : index
      %swap3A_72 = arith.constant 0 : index
      %swap3A_73 = vector.load %arg16[%swap3A_71, %swap3A_72] : memref<512x256xi32, #tpu.memory_space<vmem>>, vector<512x256xi32>
      tpu.vector_store %arg16[%swap3A_71, %swap3A_72], %or3A {strides = array<i32>} : memref<512x256xi32, #tpu.memory_space<vmem>>, vector<512x256xi32>,
    } else {
    }
    return
  }
  func.func @transform_0(%arg0: i32, %arg1: i32) -> (i32, i32) {
    %c0_i32 = arith.constant 0 : i32
    %c0_i32_0 = arith.constant 0 : i32
    return %arg1, %c0_i32 : i32, i32
  }
  func.func @transform_1(%arg0: i32, %arg1: i32) -> (i32, i32) {
    %c0_i32 = arith.constant 0 : i32
    %c0_i32_0 = arith.constant 0 : i32
    %c0_i32_1 = arith.constant 0 : i32
    return %c0_i32, %c0_i32_0 : i32, i32
  }
  func.func @transform_2(%arg0: i32, %arg1: i32) -> (i32, i32) {
    %c0_i32 = arith.constant 0 : i32
    %c0_i32_0 = arith.constant 0 : i32
    %c0_i32_1 = arith.constant 0 : i32
    return %c0_i32, %c0_i32_0 : i32, i32
  }
  func.func @transform_3(%arg0: i32, %arg1: i32) -> (i32, i32) {
    %c0_i32 = arith.constant 0 : i32
    %c0_i32_0 = arith.constant 0 : i32
    %c0_i32_1 = arith.constant 0 : i32
    return %c0_i32, %c0_i32_0 : i32, i32
  }
  func.func @transform_4(%arg0: i32, %arg1: i32) -> (i32, i32) {
    %c0_i32 = arith.constant 0 : i32
    %c0_i32_0 = arith.constant 0 : i32
    %c0_i32_1 = arith.constant 0 : i32
    return %c0_i32, %c0_i32_0 : i32, i32
  }
  func.func @transform_5(%arg0: i32, %arg1: i32) -> (i32, i32) {
    %c0_i32 = arith.constant 0 : i32
    %c0_i32_0 = arith.constant 0 : i32
    %c0_i32_1 = arith.constant 0 : i32
    return %c0_i32, %c0_i32_0 : i32, i32
  }
  func.func @transform_6(%arg0: i32, %arg1: i32) -> (i32, i32) {
    %c0_i32 = arith.constant 0 : i32
    %c0_i32_0 = arith.constant 0 : i32
    %c0_i32_1 = arith.constant 0 : i32
    return %c0_i32, %c0_i32_0 : i32, i32
  }
  func.func @transform_7(%arg0: i32, %arg1: i32) -> (i32, i32) {
    %c0_i32 = arith.constant 0 : i32
    %c0_i32_0 = arith.constant 0 : i32
    %c0_i32_1 = arith.constant 0 : i32
    return %c0_i32, %c0_i32_0 : i32, i32
  }
  func.func @transform_8(%arg0: i32, %arg1: i32) -> (i32, i32) {
    %c0_i32 = arith.constant 0 : i32
    %c0_i32_0 = arith.constant 0 : i32
    %c0_i32_1 = arith.constant 0 : i32
    return %c0_i32, %c0_i32_0 : i32, i32
  }
  func.func @transform_9(%arg0: i32, %arg1: i32) -> (i32, i32) {
    %c0_i32 = arith.constant 0 : i32
    %c0_i32_0 = arith.constant 0 : i32
    return %arg1, %c0_i32 : i32, i32
  }
  func.func @transform_10(%arg0: i32, %arg1: i32) -> (i32, i32) {
    %c0_i32 = arith.constant 0 : i32
    %c0_i32_0 = arith.constant 0 : i32
    %c0_i32_1 = arith.constant 0 : i32
    return %c0_i32, %c0_i32_0 : i32, i32
  }
  func.func @transform_11(%arg0: i32, %arg1: i32) -> (i32, i32) {
    %c0_i32 = arith.constant 0 : i32
    %c0_i32_0 = arith.constant 0 : i32
    return %arg1, %c0_i32 : i32, i32
  }
  func.func @transform_12(%arg0: i32, %arg1: i32) -> (i32, i32) {
    %c0_i32 = arith.constant 0 : i32
    %c0_i32_0 = arith.constant 0 : i32
    return %arg1, %c0_i32 : i32, i32
  }
  func.func @transform_13(%arg0: i32, %arg1: i32) -> (i32, i32) {
    %c0_i32 = arith.constant 0 : i32
    %c0_i32_0 = arith.constant 0 : i32
    return %arg1, %c0_i32 : i32, i32
  }
  func.func @transform_14(%arg0: i32, %arg1: i32) -> (i32, i32) {
    %c0_i32 = arith.constant 0 : i32
    %c0_i32_0 = arith.constant 0 : i32
    return %arg1, %c0_i32 : i32, i32
  }
}

module attributes {stable_mosaic.version = 14 : i64} {
  func.func @_k3_body(%arg0: i32, %arg1: memref<512x512xf32, #tpu.memory_space<vmem>>, %arg2: memref<4096x512xf32, #tpu.memory_space<vmem>>, %arg3: memref<512x6xi32, #tpu.memory_space<vmem>>, %arg4: memref<1x1x4096xi32, #tpu.memory_space<vmem>>) attributes {dimension_semantics = [#tpu.dimension_semantics<arbitrary>], iteration_bounds = array<i64: 8>, scalar_prefetch = 0 : i64, scratch_operands = 0 : i64, tpu.core_type = #tpu.core_type<tc>, window_params = [{transform_indices = @transform_0, window_bounds = array<i64: 512, 512>}, {pipeline_mode = #tpu.pipeline_mode<synchronous>, transform_indices = @transform_1, window_bounds = array<i64: 4096, 512>}, {transform_indices = @transform_2, window_bounds = array<i64: 512, 6>}, {transform_indices = @transform_3, window_bounds = array<i64: 1, 1, 4096>}]} {
    %get3A = arith.constant 0 : index
    %get3A_0 = arith.constant 0 : index
    %get3A_1 = vector.load %arg1[%get3A, %get3A_0] : memref<512x512xf32, #tpu.memory_space<vmem>>, vector<512x512xf32>
    %mul3A = arith.constant 1.250000e-01 : f32
    %mul3A_2 = vector.broadcast %mul3A : f32 to vector<512x512xf32>
    %mul3A_3 = arith.mulf %get3A_1, %mul3A_2 : vector<512x512xf32>
    %get3A_4 = arith.constant 0 : index
    %get3A_5 = arith.constant 0 : index
    %get3A_6 = vector.load %arg2[%get3A_4, %get3A_5] : memref<4096x512xf32, #tpu.memory_space<vmem>>, vector<4096x512xf32>
    %dot_general3A = arith.constant dense<0.000000e+00> : vector<512x4096xf32>
    %dot_general3A_7 = tpu.matmul %mul3A_3, %get3A_6, %dot_general3A {dimension_numbers = #tpu.dot_dimension_numbers<[1], [1], [0], [0], [0, 0, 1, 0], [], []>, transpose_lhs_hint = false} : vector<512x512xf32>, vector<4096x512xf32>, vector<512x4096xf32> -> vector<512x4096xf32>
    %iota3A = tpu.iota {dimensions = array<i32: 1>} : vector<512x4096xi32>
    %reduce_max3A = arith.constant dense<0xFF800000> : vector<512xf32>
    %reduce_max3A_8 = vector.multi_reduction <maximumf>, %dot_general3A_7, %reduce_max3A [1] : vector<512x4096xf32> to vector<512xf32>
    %broadcast_in_dim3A = vector.shape_cast %reduce_max3A_8 : vector<512xf32> to vector<512x1xf32>
    %eq3A = vector.broadcast %broadcast_in_dim3A : vector<512x1xf32> to vector<512x4096xf32>
    %eq3A_9 = arith.cmpf oeq, %dot_general3A_7, %eq3A : vector<512x4096xf32>
    %jit3A = arith.constant 4096 : i32
    %broadcast_in_dim3A_10 = vector.broadcast %jit3A : i32 to vector<512x4096xi32>
    %select_n3A = arith.select %eq3A_9, %iota3A, %broadcast_in_dim3A_10 : vector<512x4096xi1>, vector<512x4096xi32>
    %reduce_min3A = arith.constant dense<2147483647> : vector<512xi32>
    %reduce_min3A_11 = vector.multi_reduction <minsi>, %select_n3A, %reduce_min3A [1] : vector<512x4096xi32> to vector<512xi32>
    %broadcast_in_dim3A_12 = vector.shape_cast %reduce_min3A_11 : vector<512xi32> to vector<512x1xi32>
    %eq3A_13 = vector.broadcast %broadcast_in_dim3A_12 : vector<512x1xi32> to vector<512x4096xi32>
    %eq3A_14 = arith.cmpi eq, %iota3A, %eq3A_13 : vector<512x4096xi32>
    %jit3A_15 = arith.constant 0xFF800000 : f32
    %broadcast_in_dim3A_16 = vector.broadcast %jit3A_15 : f32 to vector<512x4096xf32>
    %select_n3A_17 = arith.select %eq3A_14, %broadcast_in_dim3A_16, %dot_general3A_7 : vector<512x4096xi1>, vector<512x4096xf32>
    %reduce_max3A_18 = arith.constant dense<0xFF800000> : vector<512xf32>
    %reduce_max3A_19 = vector.multi_reduction <maximumf>, %select_n3A_17, %reduce_max3A_18 [1] : vector<512x4096xf32> to vector<512xf32>
    %broadcast_in_dim3A_20 = vector.shape_cast %reduce_max3A_19 : vector<512xf32> to vector<512x1xf32>
    %eq3A_21 = vector.broadcast %broadcast_in_dim3A_20 : vector<512x1xf32> to vector<512x4096xf32>
    %eq3A_22 = arith.cmpf oeq, %select_n3A_17, %eq3A_21 : vector<512x4096xf32>
    %jit3A_23 = arith.constant 4096 : i32
    %broadcast_in_dim3A_24 = vector.broadcast %jit3A_23 : i32 to vector<512x4096xi32>
    %select_n3A_25 = arith.select %eq3A_22, %iota3A, %broadcast_in_dim3A_24 : vector<512x4096xi1>, vector<512x4096xi32>
    %reduce_min3A_26 = arith.constant dense<2147483647> : vector<512xi32>
    %reduce_min3A_27 = vector.multi_reduction <minsi>, %select_n3A_25, %reduce_min3A_26 [1] : vector<512x4096xi32> to vector<512xi32>
    %broadcast_in_dim3A_28 = vector.shape_cast %reduce_min3A_27 : vector<512xi32> to vector<512x1xi32>
    %eq3A_29 = vector.broadcast %broadcast_in_dim3A_28 : vector<512x1xi32> to vector<512x4096xi32>
    %eq3A_30 = arith.cmpi eq, %iota3A, %eq3A_29 : vector<512x4096xi32>
    %jit3A_31 = arith.constant 0xFF800000 : f32
    %broadcast_in_dim3A_32 = vector.broadcast %jit3A_31 : f32 to vector<512x4096xf32>
    %select_n3A_33 = arith.select %eq3A_30, %broadcast_in_dim3A_32, %select_n3A_17 : vector<512x4096xi1>, vector<512x4096xf32>
    %reduce_max3A_34 = arith.constant dense<0xFF800000> : vector<512xf32>
    %reduce_max3A_35 = vector.multi_reduction <maximumf>, %select_n3A_33, %reduce_max3A_34 [1] : vector<512x4096xf32> to vector<512xf32>
    %broadcast_in_dim3A_36 = vector.shape_cast %reduce_max3A_35 : vector<512xf32> to vector<512x1xf32>
    %eq3A_37 = vector.broadcast %broadcast_in_dim3A_36 : vector<512x1xf32> to vector<512x4096xf32>
    %eq3A_38 = arith.cmpf oeq, %select_n3A_33, %eq3A_37 : vector<512x4096xf32>
    %jit3A_39 = arith.constant 4096 : i32
    %broadcast_in_dim3A_40 = vector.broadcast %jit3A_39 : i32 to vector<512x4096xi32>
    %select_n3A_41 = arith.select %eq3A_38, %iota3A, %broadcast_in_dim3A_40 : vector<512x4096xi1>, vector<512x4096xi32>
    %reduce_min3A_42 = arith.constant dense<2147483647> : vector<512xi32>
    %reduce_min3A_43 = vector.multi_reduction <minsi>, %select_n3A_41, %reduce_min3A_42 [1] : vector<512x4096xi32> to vector<512xi32>
    %broadcast_in_dim3A_44 = vector.shape_cast %reduce_min3A_43 : vector<512xi32> to vector<512x1xi32>
    %eq3A_45 = vector.broadcast %broadcast_in_dim3A_44 : vector<512x1xi32> to vector<512x4096xi32>
    %eq3A_46 = arith.cmpi eq, %iota3A, %eq3A_45 : vector<512x4096xi32>
    %jit3A_47 = arith.constant 0xFF800000 : f32
    %broadcast_in_dim3A_48 = vector.broadcast %jit3A_47 : f32 to vector<512x4096xf32>
    %select_n3A_49 = arith.select %eq3A_46, %broadcast_in_dim3A_48, %select_n3A_33 : vector<512x4096xi1>, vector<512x4096xf32>
    %reduce_max3A_50 = arith.constant dense<0xFF800000> : vector<512xf32>
    %reduce_max3A_51 = vector.multi_reduction <maximumf>, %select_n3A_49, %reduce_max3A_50 [1] : vector<512x4096xf32> to vector<512xf32>
    %broadcast_in_dim3A_52 = vector.shape_cast %reduce_max3A_51 : vector<512xf32> to vector<512x1xf32>
    %eq3A_53 = vector.broadcast %broadcast_in_dim3A_52 : vector<512x1xf32> to vector<512x4096xf32>
    %eq3A_54 = arith.cmpf oeq, %select_n3A_49, %eq3A_53 : vector<512x4096xf32>
    %jit3A_55 = arith.constant 4096 : i32
    %broadcast_in_dim3A_56 = vector.broadcast %jit3A_55 : i32 to vector<512x4096xi32>
    %select_n3A_57 = arith.select %eq3A_54, %iota3A, %broadcast_in_dim3A_56 : vector<512x4096xi1>, vector<512x4096xi32>
    %reduce_min3A_58 = arith.constant dense<2147483647> : vector<512xi32>
    %reduce_min3A_59 = vector.multi_reduction <minsi>, %select_n3A_57, %reduce_min3A_58 [1] : vector<512x4096xi32> to vector<512xi32>
    %broadcast_in_dim3A_60 = vector.shape_cast %reduce_min3A_59 : vector<512xi32> to vector<512x1xi32>
    %eq3A_61 = vector.broadcast %broadcast_in_dim3A_60 : vector<512x1xi32> to vector<512x4096xi32>
    %eq3A_62 = arith.cmpi eq, %iota3A, %eq3A_61 : vector<512x4096xi32>
    %jit3A_63 = arith.constant 0xFF800000 : f32
    %broadcast_in_dim3A_64 = vector.broadcast %jit3A_63 : f32 to vector<512x4096xf32>
    %select_n3A_65 = arith.select %eq3A_62, %broadcast_in_dim3A_64, %select_n3A_49 : vector<512x4096xi1>, vector<512x4096xf32>
    %reduce_max3A_66 = arith.constant dense<0xFF800000> : vector<512xf32>
    %reduce_max3A_67 = vector.multi_reduction <maximumf>, %select_n3A_65, %reduce_max3A_66 [1] : vector<512x4096xf32> to vector<512xf32>
    %broadcast_in_dim3A_68 = vector.shape_cast %reduce_max3A_67 : vector<512xf32> to vector<512x1xf32>
    %eq3A_69 = vector.broadcast %broadcast_in_dim3A_68 : vector<512x1xf32> to vector<512x4096xf32>
    %eq3A_70 = arith.cmpf oeq, %select_n3A_65, %eq3A_69 : vector<512x4096xf32>
    %jit3A_71 = arith.constant 4096 : i32
    %broadcast_in_dim3A_72 = vector.broadcast %jit3A_71 : i32 to vector<512x4096xi32>
    %select_n3A_73 = arith.select %eq3A_70, %iota3A, %broadcast_in_dim3A_72 : vector<512x4096xi1>, vector<512x4096xi32>
    %reduce_min3A_74 = arith.constant dense<2147483647> : vector<512xi32>
    %reduce_min3A_75 = vector.multi_reduction <minsi>, %select_n3A_73, %reduce_min3A_74 [1] : vector<512x4096xi32> to vector<512xi32>
    %broadcast_in_dim3A_76 = vector.shape_cast %reduce_min3A_75 : vector<512xi32> to vector<512x1xi32>
    %eq3A_77 = vector.broadcast %broadcast_in_dim3A_76 : vector<512x1xi32> to vector<512x4096xi32>
    %eq3A_78 = arith.cmpi eq, %iota3A, %eq3A_77 : vector<512x4096xi32>
    %jit3A_79 = arith.constant 0xFF800000 : f32
    %broadcast_in_dim3A_80 = vector.broadcast %jit3A_79 : f32 to vector<512x4096xf32>
    %select_n3A_81 = arith.select %eq3A_78, %broadcast_in_dim3A_80, %select_n3A_65 : vector<512x4096xi1>, vector<512x4096xf32>
    %reduce_max3A_82 = arith.constant dense<0xFF800000> : vector<512xf32>
    %reduce_max3A_83 = vector.multi_reduction <maximumf>, %select_n3A_81, %reduce_max3A_82 [1] : vector<512x4096xf32> to vector<512xf32>
    %broadcast_in_dim3A_84 = vector.shape_cast %reduce_max3A_83 : vector<512xf32> to vector<512x1xf32>
    %eq3A_85 = vector.broadcast %broadcast_in_dim3A_84 : vector<512x1xf32> to vector<512x4096xf32>
    %eq3A_86 = arith.cmpf oeq, %select_n3A_81, %eq3A_85 : vector<512x4096xf32>
    %jit3A_87 = arith.constant 4096 : i32
    %broadcast_in_dim3A_88 = vector.broadcast %jit3A_87 : i32 to vector<512x4096xi32>
    %select_n3A_89 = arith.select %eq3A_86, %iota3A, %broadcast_in_dim3A_88 : vector<512x4096xi1>, vector<512x4096xi32>
    %reduce_min3A_90 = arith.constant dense<2147483647> : vector<512xi32>
    %reduce_min3A_91 = vector.multi_reduction <minsi>, %select_n3A_89, %reduce_min3A_90 [1] : vector<512x4096xi32> to vector<512xi32>
    %broadcast_in_dim3A_92 = vector.shape_cast %reduce_min3A_91 : vector<512xi32> to vector<512x1xi32>
    %eq3A_93 = vector.broadcast %broadcast_in_dim3A_92 : vector<512x1xi32> to vector<512x4096xi32>
    %eq3A_94 = arith.cmpi eq, %iota3A, %eq3A_93 : vector<512x4096xi32>
    %jit3A_95 = arith.constant 0xFF800000 : f32
    %broadcast_in_dim3A_96 = vector.broadcast %jit3A_95 : f32 to vector<512x4096xf32>
    %select_n3A_97 = arith.select %eq3A_94, %broadcast_in_dim3A_96, %select_n3A_81 : vector<512x4096xi1>, vector<512x4096xf32>
    %concatenate3A = tpu.concatenate %broadcast_in_dim3A_12, %broadcast_in_dim3A_28, %broadcast_in_dim3A_44, %broadcast_in_dim3A_60, %broadcast_in_dim3A_76, %broadcast_in_dim3A_92 in 1 : vector<512x1xi32>, vector<512x1xi32>, vector<512x1xi32>, vector<512x1xi32>, vector<512x1xi32>, vector<512x1xi32> -> vector<512x6xi32>
    %swap3A = arith.constant 0 : index
    %swap3A_98 = arith.constant 0 : index
    %swap3A_99 = vector.load %arg3[%swap3A, %swap3A_98] : memref<512x6xi32, #tpu.memory_space<vmem>>, vector<512x6xi32>
    tpu.vector_store %arg3[%swap3A, %swap3A_98], %concatenate3A {strides = array<i32>} : memref<512x6xi32, #tpu.memory_space<vmem>>, vector<512x6xi32>,
    %eq3A_100 = arith.constant 0xFF800000 : f32
    %eq3A_101 = vector.broadcast %eq3A_100 : f32 to vector<512x4096xf32>
    %eq3A_102 = arith.cmpf oeq, %select_n3A_97, %eq3A_101 : vector<512x4096xf32>
    %convert_element_type3A = arith.extui %eq3A_102 : vector<512x4096xi1> to vector<512x4096xi32>
    %reduce_sum3A = arith.constant dense<0> : vector<4096xi32>
    %reduce_sum3A_103 = vector.multi_reduction <add>, %convert_element_type3A, %reduce_sum3A [0] : vector<512x4096xi32> to vector<4096xi32>
    %broadcast_in_dim3A_104 = vector.shape_cast %reduce_sum3A_103 : vector<4096xi32> to vector<1x4096xi32>
    %reshape3A = vector.shape_cast %broadcast_in_dim3A_104 : vector<1x4096xi32> to vector<1x1x4096xi32>
    %swap3A_105 = arith.constant 0 : index
    %swap3A_106 = arith.constant 0 : index
    %swap3A_107 = arith.constant 0 : index
    %swap3A_108 = vector.load %arg4[%swap3A_105, %swap3A_106, %swap3A_107] : memref<1x1x4096xi32, #tpu.memory_space<vmem>>, vector<1x1x4096xi32>
    tpu.vector_store %arg4[%swap3A_105, %swap3A_106, %swap3A_107], %reshape3A {strides = array<i32>} : memref<1x1x4096xi32, #tpu.memory_space<vmem>>, vector<1x1x4096xi32>,
    return
  }
  func.func @transform_0(%arg0: i32) -> (i32, i32) {
    %c0_i32 = arith.constant 0 : i32
    %c0_i32_0 = arith.constant 0 : i32
    return %arg0, %c0_i32 : i32, i32
  }
  func.func @transform_1(%arg0: i32) -> (i32, i32) {
    %c0_i32 = arith.constant 0 : i32
    %c0_i32_0 = arith.constant 0 : i32
    %c0_i32_1 = arith.constant 0 : i32
    return %c0_i32, %c0_i32_0 : i32, i32
  }
  func.func @transform_2(%arg0: i32) -> (i32, i32) {
    %c0_i32 = arith.constant 0 : i32
    %c0_i32_0 = arith.constant 0 : i32
    return %arg0, %c0_i32 : i32, i32
  }
  func.func @transform_3(%arg0: i32) -> (i32, i32, i32) {
    %c0_i32 = arith.constant 0 : i32
    %c0_i32_0 = arith.constant 0 : i32
    %c0_i32_1 = arith.constant 0 : i32
    return %arg0, %c0_i32, %c0_i32_0 : i32, i32, i32
  }
}

module attributes {stable_mosaic.version = 14 : i64} {
  func.func @_k4_body(%arg0: i32, %arg1: memref<8x4096xi32, #tpu.memory_space<vmem>>, %arg2: memref<1x512xf32, #tpu.memory_space<vmem>>, %arg3: memref<4096x512xf32, #tpu.memory_space<vmem>>, %arg4: memref<4096x512xf32, #tpu.memory_space<vmem>>, %arg5: memref<512x512xf32, #tpu.memory_space<vmem>>, %arg6: memref<1x512xf32, #tpu.memory_space<vmem>>, %arg7: memref<4096x512xf32, #tpu.memory_space<vmem>>, %arg8: memref<4096x128xf32, #tpu.memory_space<vmem>>, %arg9: memref<1x512xf32, #tpu.memory_space<vmem>>) attributes {dimension_semantics = [#tpu.dimension_semantics<arbitrary>], iteration_bounds = array<i64: 1>, scalar_prefetch = 0 : i64, scratch_operands = 0 : i64, tpu.core_type = #tpu.core_type<tc>, window_params = [{pipeline_mode = #tpu.pipeline_mode<synchronous>, transform_indices = @transform_0, window_bounds = array<i64: 8, 4096>}, {pipeline_mode = #tpu.pipeline_mode<synchronous>, transform_indices = @transform_1, window_bounds = array<i64: 1, 512>}, {pipeline_mode = #tpu.pipeline_mode<synchronous>, transform_indices = @transform_2, window_bounds = array<i64: 4096, 512>}, {pipeline_mode = #tpu.pipeline_mode<synchronous>, transform_indices = @transform_3, window_bounds = array<i64: 4096, 512>}, {pipeline_mode = #tpu.pipeline_mode<synchronous>, transform_indices = @transform_4, window_bounds = array<i64: 512, 512>}, {pipeline_mode = #tpu.pipeline_mode<synchronous>, transform_indices = @transform_5, window_bounds = array<i64: 1, 512>}, {pipeline_mode = #tpu.pipeline_mode<synchronous>, transform_indices = @transform_6, window_bounds = array<i64: 4096, 512>}, {pipeline_mode = #tpu.pipeline_mode<synchronous>, transform_indices = @transform_7, window_bounds = array<i64: 4096, 128>}, {pipeline_mode = #tpu.pipeline_mode<synchronous>, transform_indices = @transform_8, window_bounds = array<i64: 1, 512>}]} {
    %get3A = arith.constant 0 : index
    %get3A_0 = arith.constant 0 : index
    %get3A_1 = vector.load %arg1[%get3A, %get3A_0] : memref<8x4096xi32, #tpu.memory_space<vmem>>, vector<8x4096xi32>
    %reduce_sum3A = arith.constant dense<0> : vector<4096xi32>
    %reduce_sum3A_2 = vector.multi_reduction <add>, %get3A_1, %reduce_sum3A [0] : vector<8x4096xi32> to vector<4096xi32>
    %broadcast_in_dim3A = vector.shape_cast %reduce_sum3A_2 : vector<4096xi32> to vector<1x4096xi32>
    %reduce_max3A = vector.shape_cast %broadcast_in_dim3A : vector<1x4096xi32> to vector<1x1x4096xi32>
    %reduce_max3A_3 = arith.constant dense<-2147483648> : vector<1xi32>
    %reduce_max3A_4 = vector.multi_reduction <maxsi>, %reduce_max3A, %reduce_max3A_3 [1, 2] : vector<1x1x4096xi32> to vector<1xi32>
    %reduce_max3A_5 = vector.shape_cast %reduce_max3A_4 : vector<1xi32> to vector<1x1x1xi32>
    %reduce_max3A_6 = vector.extract %reduce_max3A_5[0, 0, 0] : i32 from vector<1x1x1xi32>
    %iota3A = tpu.iota {dimensions = array<i32: 1>} : vector<1x4096xi32>
    %eq3A = vector.broadcast %reduce_max3A_6 : i32 to vector<1x4096xi32>
    %eq3A_7 = arith.cmpi eq, %broadcast_in_dim3A, %eq3A : vector<1x4096xi32>
    %jit3A = arith.constant 4096 : i32
    %broadcast_in_dim3A_8 = vector.broadcast %jit3A : i32 to vector<1x4096xi32>
    %select_n3A = arith.select %eq3A_7, %iota3A, %broadcast_in_dim3A_8 : vector<1x4096xi1>, vector<1x4096xi32>
    %reduce_min3A = vector.shape_cast %select_n3A : vector<1x4096xi32> to vector<1x1x4096xi32>
    %reduce_min3A_9 = arith.constant dense<2147483647> : vector<1xi32>
    %reduce_min3A_10 = vector.multi_reduction <minsi>, %reduce_min3A, %reduce_min3A_9 [1, 2] : vector<1x1x4096xi32> to vector<1xi32>
    %reduce_min3A_11 = vector.shape_cast %reduce_min3A_10 : vector<1xi32> to vector<1x1x1xi32>
    %reduce_min3A_12 = vector.extract %reduce_min3A_11[0, 0, 0] : i32 from vector<1x1x1xi32>
    %eq3A_13 = vector.broadcast %reduce_min3A_12 : i32 to vector<1x4096xi32>
    %eq3A_14 = arith.cmpi eq, %iota3A, %eq3A_13 : vector<1x4096xi32>
    %convert_element_type3A = arith.extui %eq3A_14 : vector<1x4096xi1> to vector<1x4096xi32>
    %convert_element_type3A_15 = arith.sitofp %convert_element_type3A : vector<1x4096xi32> to vector<1x4096xf32>
    %get3A_16 = arith.constant 0 : index
    %get3A_17 = arith.constant 0 : index
    %get3A_18 = vector.load %arg3[%get3A_16, %get3A_17] : memref<4096x512xf32, #tpu.memory_space<vmem>>, vector<4096x512xf32>
    %dot_general3A = arith.constant dense<0.000000e+00> : vector<1x512xf32>
    %dot_general3A_19 = tpu.matmul %convert_element_type3A_15, %get3A_18, %dot_general3A {dimension_numbers = #tpu.dot_dimension_numbers<[1], [0], [0], [1], [0, 0, 1, 1], [], []>, transpose_lhs_hint = false} : vector<1x4096xf32>, vector<4096x512xf32>, vector<1x512xf32> -> vector<1x512xf32>
    %get3A_20 = arith.constant 0 : index
    %get3A_21 = arith.constant 0 : index
    %get3A_22 = vector.load %arg4[%get3A_20, %get3A_21] : memref<4096x512xf32, #tpu.memory_space<vmem>>, vector<4096x512xf32>
    %dot_general3A_23 = arith.constant dense<0.000000e+00> : vector<1x512xf32>
    %dot_general3A_24 = tpu.matmul %convert_element_type3A_15, %get3A_22, %dot_general3A_23 {dimension_numbers = #tpu.dot_dimension_numbers<[1], [0], [0], [1], [0, 0, 1, 1], [], []>, transpose_lhs_hint = false} : vector<1x4096xf32>, vector<4096x512xf32>, vector<1x512xf32> -> vector<1x512xf32>
    %swap3A = arith.constant 0 : index
    %swap3A_25 = arith.constant 0 : index
    %swap3A_26 = vector.load %arg9[%swap3A, %swap3A_25] : memref<1x512xf32, #tpu.memory_space<vmem>>, vector<1x512xf32>
    tpu.vector_store %arg9[%swap3A, %swap3A_25], %dot_general3A_24 {strides = array<i32>} : memref<1x512xf32, #tpu.memory_space<vmem>>, vector<1x512xf32>,
    %get3A_27 = arith.constant 0 : index
    %get3A_28 = arith.constant 0 : index
    %get3A_29 = vector.load %arg2[%get3A_27, %get3A_28] : memref<1x512xf32, #tpu.memory_space<vmem>>, vector<1x512xf32>
    %mul3A = arith.constant 2.44140625E-4 : f32
    %mul3A_30 = vector.broadcast %mul3A : f32 to vector<1x512xf32>
    %mul3A_31 = arith.mulf %get3A_29, %mul3A_30 : vector<1x512xf32>
    %add3A = arith.addf %dot_general3A_19, %mul3A_31 : vector<1x512xf32>
    %mul3A_32 = arith.constant 5.000000e-01 : f32
    %mul3A_33 = vector.broadcast %mul3A_32 : f32 to vector<1x512xf32>
    %mul3A_34 = arith.mulf %add3A, %mul3A_33 : vector<1x512xf32>
    %get3A_35 = arith.constant 0 : index
    %get3A_36 = arith.constant 0 : index
    %get3A_37 = vector.load %arg5[%get3A_35, %get3A_36] : memref<512x512xf32, #tpu.memory_space<vmem>>, vector<512x512xf32>
    %dot_general3A_38 = arith.constant dense<0.000000e+00> : vector<1x512xf32>
    %dot_general3A_39 = tpu.matmul %mul3A_34, %get3A_37, %dot_general3A_38 {dimension_numbers = #tpu.dot_dimension_numbers<[1], [0], [0], [1], [0, 0, 1, 1], [], []>, transpose_lhs_hint = false} : vector<1x512xf32>, vector<512x512xf32>, vector<1x512xf32> -> vector<1x512xf32>
    %get3A_40 = arith.constant 0 : index
    %get3A_41 = arith.constant 0 : index
    %get3A_42 = vector.load %arg6[%get3A_40, %get3A_41] : memref<1x512xf32, #tpu.memory_space<vmem>>, vector<1x512xf32>
    %add3A_43 = arith.addf %dot_general3A_39, %get3A_42 : vector<1x512xf32>
    %mul3A_44 = arith.constant 1.250000e-01 : f32
    %mul3A_45 = vector.broadcast %mul3A_44 : f32 to vector<1x512xf32>
    %mul3A_46 = arith.mulf %add3A_43, %mul3A_45 : vector<1x512xf32>
    %get3A_47 = arith.constant 0 : index
    %get3A_48 = arith.constant 0 : index
    %get3A_49 = vector.load %arg7[%get3A_47, %get3A_48] : memref<4096x512xf32, #tpu.memory_space<vmem>>, vector<4096x512xf32>
    %mul3A_50 = vector.broadcast %mul3A_46 : vector<1x512xf32> to vector<4096x512xf32>
    %mul3A_51 = arith.mulf %get3A_49, %mul3A_50 : vector<4096x512xf32>
    %slice3A = vector.extract_strided_slice %mul3A_51 {offsets = [0, 0], sizes = [4096, 64], strides = [1, 1]} : vector<4096x512xf32> to vector<4096x64xf32>
    %reduce_sum3A_52 = arith.constant dense<0.000000e+00> : vector<4096xf32>
    %reduce_sum3A_53 = vector.multi_reduction <add>, %slice3A, %reduce_sum3A_52 [1] : vector<4096x64xf32> to vector<4096xf32>
    %broadcast_in_dim3A_54 = vector.shape_cast %reduce_sum3A_53 : vector<4096xf32> to vector<4096x1xf32>
    %slice3A_55 = vector.extract_strided_slice %mul3A_51 {offsets = [0, 64], sizes = [4096, 64], strides = [1, 1]} : vector<4096x512xf32> to vector<4096x64xf32>
    %reduce_sum3A_56 = arith.constant dense<0.000000e+00> : vector<4096xf32>
    %reduce_sum3A_57 = vector.multi_reduction <add>, %slice3A_55, %reduce_sum3A_56 [1] : vector<4096x64xf32> to vector<4096xf32>
    %broadcast_in_dim3A_58 = vector.shape_cast %reduce_sum3A_57 : vector<4096xf32> to vector<4096x1xf32>
    %slice3A_59 = vector.extract_strided_slice %mul3A_51 {offsets = [0, 128], sizes = [4096, 64], strides = [1, 1]} : vector<4096x512xf32> to vector<4096x64xf32>
    %reduce_sum3A_60 = arith.constant dense<0.000000e+00> : vector<4096xf32>
    %reduce_sum3A_61 = vector.multi_reduction <add>, %slice3A_59, %reduce_sum3A_60 [1] : vector<4096x64xf32> to vector<4096xf32>
    %broadcast_in_dim3A_62 = vector.shape_cast %reduce_sum3A_61 : vector<4096xf32> to vector<4096x1xf32>
    %slice3A_63 = vector.extract_strided_slice %mul3A_51 {offsets = [0, 192], sizes = [4096, 64], strides = [1, 1]} : vector<4096x512xf32> to vector<4096x64xf32>
    %reduce_sum3A_64 = arith.constant dense<0.000000e+00> : vector<4096xf32>
    %reduce_sum3A_65 = vector.multi_reduction <add>, %slice3A_63, %reduce_sum3A_64 [1] : vector<4096x64xf32> to vector<4096xf32>
    %broadcast_in_dim3A_66 = vector.shape_cast %reduce_sum3A_65 : vector<4096xf32> to vector<4096x1xf32>
    %slice3A_67 = vector.extract_strided_slice %mul3A_51 {offsets = [0, 256], sizes = [4096, 64], strides = [1, 1]} : vector<4096x512xf32> to vector<4096x64xf32>
    %reduce_sum3A_68 = arith.constant dense<0.000000e+00> : vector<4096xf32>
    %reduce_sum3A_69 = vector.multi_reduction <add>, %slice3A_67, %reduce_sum3A_68 [1] : vector<4096x64xf32> to vector<4096xf32>
    %broadcast_in_dim3A_70 = vector.shape_cast %reduce_sum3A_69 : vector<4096xf32> to vector<4096x1xf32>
    %slice3A_71 = vector.extract_strided_slice %mul3A_51 {offsets = [0, 320], sizes = [4096, 64], strides = [1, 1]} : vector<4096x512xf32> to vector<4096x64xf32>
    %reduce_sum3A_72 = arith.constant dense<0.000000e+00> : vector<4096xf32>
    %reduce_sum3A_73 = vector.multi_reduction <add>, %slice3A_71, %reduce_sum3A_72 [1] : vector<4096x64xf32> to vector<4096xf32>
    %broadcast_in_dim3A_74 = vector.shape_cast %reduce_sum3A_73 : vector<4096xf32> to vector<4096x1xf32>
    %slice3A_75 = vector.extract_strided_slice %mul3A_51 {offsets = [0, 384], sizes = [4096, 64], strides = [1, 1]} : vector<4096x512xf32> to vector<4096x64xf32>
    %reduce_sum3A_76 = arith.constant dense<0.000000e+00> : vector<4096xf32>
    %reduce_sum3A_77 = vector.multi_reduction <add>, %slice3A_75, %reduce_sum3A_76 [1] : vector<4096x64xf32> to vector<4096xf32>
    %broadcast_in_dim3A_78 = vector.shape_cast %reduce_sum3A_77 : vector<4096xf32> to vector<4096x1xf32>
    %slice3A_79 = vector.extract_strided_slice %mul3A_51 {offsets = [0, 448], sizes = [4096, 64], strides = [1, 1]} : vector<4096x512xf32> to vector<4096x64xf32>
    %reduce_sum3A_80 = arith.constant dense<0.000000e+00> : vector<4096xf32>
    %reduce_sum3A_81 = vector.multi_reduction <add>, %slice3A_79, %reduce_sum3A_80 [1] : vector<4096x64xf32> to vector<4096xf32>
    %broadcast_in_dim3A_82 = vector.shape_cast %reduce_sum3A_81 : vector<4096xf32> to vector<4096x1xf32>
    %broadcast_in_dim3A_83 = arith.constant 0.000000e+00 : f32
    %broadcast_in_dim3A_84 = vector.broadcast %broadcast_in_dim3A_83 : f32 to vector<4096x120xf32>
    %concatenate3A = tpu.concatenate %broadcast_in_dim3A_54, %broadcast_in_dim3A_58, %broadcast_in_dim3A_62, %broadcast_in_dim3A_66, %broadcast_in_dim3A_70, %broadcast_in_dim3A_74, %broadcast_in_dim3A_78, %broadcast_in_dim3A_82, %broadcast_in_dim3A_84 in 1 : vector<4096x1xf32>, vector<4096x1xf32>, vector<4096x1xf32>, vector<4096x1xf32>, vector<4096x1xf32>, vector<4096x1xf32>, vector<4096x1xf32>, vector<4096x1xf32>, vector<4096x120xf32> -> vector<4096x128xf32>
    %swap3A_85 = arith.constant 0 : index
    %swap3A_86 = arith.constant 0 : index
    %swap3A_87 = vector.load %arg8[%swap3A_85, %swap3A_86] : memref<4096x128xf32, #tpu.memory_space<vmem>>, vector<4096x128xf32>
    tpu.vector_store %arg8[%swap3A_85, %swap3A_86], %concatenate3A {strides = array<i32>} : memref<4096x128xf32, #tpu.memory_space<vmem>>, vector<4096x128xf32>,
    return
  }
  func.func @transform_0(%arg0: i32) -> (i32, i32) {
    %c0_i32 = arith.constant 0 : i32
    %c0_i32_0 = arith.constant 0 : i32
    %c0_i32_1 = arith.constant 0 : i32
    return %c0_i32, %c0_i32_0 : i32, i32
  }
  func.func @transform_1(%arg0: i32) -> (i32, i32) {
    %c0_i32 = arith.constant 0 : i32
    %c0_i32_0 = arith.constant 0 : i32
    %c0_i32_1 = arith.constant 0 : i32
    return %c0_i32, %c0_i32_0 : i32, i32
  }
  func.func @transform_2(%arg0: i32) -> (i32, i32) {
    %c0_i32 = arith.constant 0 : i32
    %c0_i32_0 = arith.constant 0 : i32
    %c0_i32_1 = arith.constant 0 : i32
    return %c0_i32, %c0_i32_0 : i32, i32
  }
  func.func @transform_3(%arg0: i32) -> (i32, i32) {
    %c0_i32 = arith.constant 0 : i32
    %c0_i32_0 = arith.constant 0 : i32
    %c0_i32_1 = arith.constant 0 : i32
    return %c0_i32, %c0_i32_0 : i32, i32
  }
  func.func @transform_4(%arg0: i32) -> (i32, i32) {
    %c0_i32 = arith.constant 0 : i32
    %c0_i32_0 = arith.constant 0 : i32
    %c0_i32_1 = arith.constant 0 : i32
    return %c0_i32, %c0_i32_0 : i32, i32
  }
  func.func @transform_5(%arg0: i32) -> (i32, i32) {
    %c0_i32 = arith.constant 0 : i32
    %c0_i32_0 = arith.constant 0 : i32
    %c0_i32_1 = arith.constant 0 : i32
    return %c0_i32, %c0_i32_0 : i32, i32
  }
  func.func @transform_6(%arg0: i32) -> (i32, i32) {
    %c0_i32 = arith.constant 0 : i32
    %c0_i32_0 = arith.constant 0 : i32
    %c0_i32_1 = arith.constant 0 : i32
    return %c0_i32, %c0_i32_0 : i32, i32
  }
  func.func @transform_7(%arg0: i32) -> (i32, i32) {
    %c0_i32 = arith.constant 0 : i32
    %c0_i32_0 = arith.constant 0 : i32
    %c0_i32_1 = arith.constant 0 : i32
    return %c0_i32, %c0_i32_0 : i32, i32
  }
  func.func @transform_8(%arg0: i32) -> (i32, i32) {
    %c0_i32 = arith.constant 0 : i32
    %c0_i32_0 = arith.constant 0 : i32
    %c0_i32_1 = arith.constant 0 : i32
    return %c0_i32, %c0_i32_0 : i32, i32
  }
}

module attributes {stable_mosaic.version = 14 : i64} {
  func.func @_k6_body(%arg0: i32, %arg1: memref<256x6x256xi32, #tpu.memory_space<vmem>>, %arg2: memref<256x6x128xf32, #tpu.memory_space<vmem>>, %arg3: memref<256x512xf32, #tpu.memory_space<vmem>>, %arg4: memref<256x512xf32, #tpu.memory_space<vmem>>, %arg5: memref<512x512xf32, #tpu.memory_space<vmem>>, %arg6: memref<1x512xf32, #tpu.memory_space<vmem>>, %arg7: memref<1x512xf32, #tpu.memory_space<vmem>>, %arg8: memref<1x512xf32, #tpu.memory_space<vmem>>, %arg9: memref<256x512xf32, #tpu.memory_space<vmem>>) attributes {dimension_semantics = [#tpu.dimension_semantics<arbitrary>], iteration_bounds = array<i64: 16>, scalar_prefetch = 0 : i64, scratch_operands = 0 : i64, tpu.core_type = #tpu.core_type<tc>, window_params = [{transform_indices = @transform_0, window_bounds = array<i64: 256, 6, 256>}, {transform_indices = @transform_1, window_bounds = array<i64: 256, 6, 128>}, {transform_indices = @transform_2, window_bounds = array<i64: 256, 512>}, {transform_indices = @transform_3, window_bounds = array<i64: 256, 512>}, {pipeline_mode = #tpu.pipeline_mode<synchronous>, transform_indices = @transform_4, window_bounds = array<i64: 512, 512>}, {pipeline_mode = #tpu.pipeline_mode<synchronous>, transform_indices = @transform_5, window_bounds = array<i64: 1, 512>}, {pipeline_mode = #tpu.pipeline_mode<synchronous>, transform_indices = @transform_6, window_bounds = array<i64: 1, 512>}, {pipeline_mode = #tpu.pipeline_mode<synchronous>, transform_indices = @transform_7, window_bounds = array<i64: 1, 512>}, {transform_indices = @transform_8, window_bounds = array<i64: 256, 512>}]} {
    %get3A = arith.constant 0 : index
    %get3A_0 = arith.constant 0 : index
    %get3A_1 = arith.constant 0 : index
    %get3A_2 = vector.load %arg1[%get3A, %get3A_0, %get3A_1] : memref<256x6x256xi32, #tpu.memory_space<vmem>>, vector<256x6x256xi32>
    %and3A = arith.constant -65536 : i32
    %and3A_3 = vector.broadcast %and3A : i32 to vector<256x6x256xi32>
    %and3A_4 = arith.andi %get3A_2, %and3A_3 : vector<256x6x256xi32>
    %bitcast_convert_type3A = tpu.bitcast %and3A_4 : vector<256x6x256xi32> -> vector<256x6x256xf32>
    %shift_left3A = arith.constant 16 : i32
    %shift_left3A_5 = vector.broadcast %shift_left3A : i32 to vector<256x6x256xi32>
    %shift_left3A_6 = arith.shli %get3A_2, %shift_left3A_5 : vector<256x6x256xi32>
    %bitcast_convert_type3A_7 = tpu.bitcast %shift_left3A_6 : vector<256x6x256xi32> -> vector<256x6x256xf32>
    %get3A_8 = arith.constant 0 : index
    %get3A_9 = arith.constant 0 : index
    %get3A_10 = arith.constant 0 : index
    %get3A_11 = vector.load %arg2[%get3A_8, %get3A_9, %get3A_10] : memref<256x6x128xf32, #tpu.memory_space<vmem>>, vector<256x6x128xf32>
    %slice3A = vector.extract_strided_slice %get3A_11 {offsets = [0, 0, 0], sizes = [256, 6, 8], strides = [1, 1, 1]} : vector<256x6x128xf32> to vector<256x6x8xf32>
    %reduce_max3A = arith.constant dense<0xFF800000> : vector<256x8xf32>
    %reduce_max3A_12 = vector.multi_reduction <maximumf>, %slice3A, %reduce_max3A [1] : vector<256x6x8xf32> to vector<256x8xf32>
    %broadcast_in_dim3A = vector.shape_cast %reduce_max3A_12 : vector<256x8xf32> to vector<256x1x8xf32>
    %sub3A = vector.broadcast %broadcast_in_dim3A : vector<256x1x8xf32> to vector<256x6x8xf32>
    %sub3A_13 = arith.subf %slice3A, %sub3A : vector<256x6x8xf32>
    %exp3A = math.exp %sub3A_13 : vector<256x6x8xf32>
    %reduce_sum3A = arith.constant dense<0.000000e+00> : vector<256x8xf32>
    %reduce_sum3A_14 = vector.multi_reduction <add>, %exp3A, %reduce_sum3A [1] : vector<256x6x8xf32> to vector<256x8xf32>
    %broadcast_in_dim3A_15 = vector.shape_cast %reduce_sum3A_14 : vector<256x8xf32> to vector<256x1x8xf32>
    %div3A = vector.broadcast %broadcast_in_dim3A_15 : vector<256x1x8xf32> to vector<256x6x8xf32>
    %div3A_16 = arith.divf %exp3A, %div3A : vector<256x6x8xf32>
    %slice3A_17 = vector.extract_strided_slice %div3A_16 {offsets = [0, 0, 0], sizes = [256, 6, 1], strides = [1, 1, 1]} : vector<256x6x8xf32> to vector<256x6x1xf32>
    %slice3A_18 = vector.extract_strided_slice %bitcast_convert_type3A {offsets = [0, 0, 0], sizes = [256, 6, 64], strides = [1, 1, 1]} : vector<256x6x256xf32> to vector<256x6x64xf32>
    %mul3A = vector.broadcast %slice3A_17 : vector<256x6x1xf32> to vector<256x6x64xf32>
    %mul3A_19 = arith.mulf %mul3A, %slice3A_18 : vector<256x6x64xf32>
    %reduce_sum3A_20 = arith.constant dense<0.000000e+00> : vector<256x64xf32>
    %reduce_sum3A_21 = vector.multi_reduction <add>, %mul3A_19, %reduce_sum3A_20 [1] : vector<256x6x64xf32> to vector<256x64xf32>
    %slice3A_22 = vector.extract_strided_slice %div3A_16 {offsets = [0, 0, 1], sizes = [256, 6, 1], strides = [1, 1, 1]} : vector<256x6x8xf32> to vector<256x6x1xf32>
    %slice3A_23 = vector.extract_strided_slice %bitcast_convert_type3A {offsets = [0, 0, 64], sizes = [256, 6, 64], strides = [1, 1, 1]} : vector<256x6x256xf32> to vector<256x6x64xf32>
    %mul3A_24 = vector.broadcast %slice3A_22 : vector<256x6x1xf32> to vector<256x6x64xf32>
    %mul3A_25 = arith.mulf %mul3A_24, %slice3A_23 : vector<256x6x64xf32>
    %reduce_sum3A_26 = arith.constant dense<0.000000e+00> : vector<256x64xf32>
    %reduce_sum3A_27 = vector.multi_reduction <add>, %mul3A_25, %reduce_sum3A_26 [1] : vector<256x6x64xf32> to vector<256x64xf32>
    %slice3A_28 = vector.extract_strided_slice %div3A_16 {offsets = [0, 0, 2], sizes = [256, 6, 1], strides = [1, 1, 1]} : vector<256x6x8xf32> to vector<256x6x1xf32>
    %slice3A_29 = vector.extract_strided_slice %bitcast_convert_type3A {offsets = [0, 0, 128], sizes = [256, 6, 64], strides = [1, 1, 1]} : vector<256x6x256xf32> to vector<256x6x64xf32>
    %mul3A_30 = vector.broadcast %slice3A_28 : vector<256x6x1xf32> to vector<256x6x64xf32>
    %mul3A_31 = arith.mulf %mul3A_30, %slice3A_29 : vector<256x6x64xf32>
    %reduce_sum3A_32 = arith.constant dense<0.000000e+00> : vector<256x64xf32>
    %reduce_sum3A_33 = vector.multi_reduction <add>, %mul3A_31, %reduce_sum3A_32 [1] : vector<256x6x64xf32> to vector<256x64xf32>
    %slice3A_34 = vector.extract_strided_slice %div3A_16 {offsets = [0, 0, 3], sizes = [256, 6, 1], strides = [1, 1, 1]} : vector<256x6x8xf32> to vector<256x6x1xf32>
    %slice3A_35 = vector.extract_strided_slice %bitcast_convert_type3A {offsets = [0, 0, 192], sizes = [256, 6, 64], strides = [1, 1, 1]} : vector<256x6x256xf32> to vector<256x6x64xf32>
    %mul3A_36 = vector.broadcast %slice3A_34 : vector<256x6x1xf32> to vector<256x6x64xf32>
    %mul3A_37 = arith.mulf %mul3A_36, %slice3A_35 : vector<256x6x64xf32>
    %reduce_sum3A_38 = arith.constant dense<0.000000e+00> : vector<256x64xf32>
    %reduce_sum3A_39 = vector.multi_reduction <add>, %mul3A_37, %reduce_sum3A_38 [1] : vector<256x6x64xf32> to vector<256x64xf32>
    %slice3A_40 = vector.extract_strided_slice %div3A_16 {offsets = [0, 0, 4], sizes = [256, 6, 1], strides = [1, 1, 1]} : vector<256x6x8xf32> to vector<256x6x1xf32>
    %slice3A_41 = vector.extract_strided_slice %bitcast_convert_type3A_7 {offsets = [0, 0, 0], sizes = [256, 6, 64], strides = [1, 1, 1]} : vector<256x6x256xf32> to vector<256x6x64xf32>
    %mul3A_42 = vector.broadcast %slice3A_40 : vector<256x6x1xf32> to vector<256x6x64xf32>
    %mul3A_43 = arith.mulf %mul3A_42, %slice3A_41 : vector<256x6x64xf32>
    %reduce_sum3A_44 = arith.constant dense<0.000000e+00> : vector<256x64xf32>
    %reduce_sum3A_45 = vector.multi_reduction <add>, %mul3A_43, %reduce_sum3A_44 [1] : vector<256x6x64xf32> to vector<256x64xf32>
    %slice3A_46 = vector.extract_strided_slice %div3A_16 {offsets = [0, 0, 5], sizes = [256, 6, 1], strides = [1, 1, 1]} : vector<256x6x8xf32> to vector<256x6x1xf32>
    %slice3A_47 = vector.extract_strided_slice %bitcast_convert_type3A_7 {offsets = [0, 0, 64], sizes = [256, 6, 64], strides = [1, 1, 1]} : vector<256x6x256xf32> to vector<256x6x64xf32>
    %mul3A_48 = vector.broadcast %slice3A_46 : vector<256x6x1xf32> to vector<256x6x64xf32>
    %mul3A_49 = arith.mulf %mul3A_48, %slice3A_47 : vector<256x6x64xf32>
    %reduce_sum3A_50 = arith.constant dense<0.000000e+00> : vector<256x64xf32>
    %reduce_sum3A_51 = vector.multi_reduction <add>, %mul3A_49, %reduce_sum3A_50 [1] : vector<256x6x64xf32> to vector<256x64xf32>
    %slice3A_52 = vector.extract_strided_slice %div3A_16 {offsets = [0, 0, 6], sizes = [256, 6, 1], strides = [1, 1, 1]} : vector<256x6x8xf32> to vector<256x6x1xf32>
    %slice3A_53 = vector.extract_strided_slice %bitcast_convert_type3A_7 {offsets = [0, 0, 128], sizes = [256, 6, 64], strides = [1, 1, 1]} : vector<256x6x256xf32> to vector<256x6x64xf32>
    %mul3A_54 = vector.broadcast %slice3A_52 : vector<256x6x1xf32> to vector<256x6x64xf32>
    %mul3A_55 = arith.mulf %mul3A_54, %slice3A_53 : vector<256x6x64xf32>
    %reduce_sum3A_56 = arith.constant dense<0.000000e+00> : vector<256x64xf32>
    %reduce_sum3A_57 = vector.multi_reduction <add>, %mul3A_55, %reduce_sum3A_56 [1] : vector<256x6x64xf32> to vector<256x64xf32>
    %slice3A_58 = vector.extract_strided_slice %div3A_16 {offsets = [0, 0, 7], sizes = [256, 6, 1], strides = [1, 1, 1]} : vector<256x6x8xf32> to vector<256x6x1xf32>
    %slice3A_59 = vector.extract_strided_slice %bitcast_convert_type3A_7 {offsets = [0, 0, 192], sizes = [256, 6, 64], strides = [1, 1, 1]} : vector<256x6x256xf32> to vector<256x6x64xf32>
    %mul3A_60 = vector.broadcast %slice3A_58 : vector<256x6x1xf32> to vector<256x6x64xf32>
    %mul3A_61 = arith.mulf %mul3A_60, %slice3A_59 : vector<256x6x64xf32>
    %reduce_sum3A_62 = arith.constant dense<0.000000e+00> : vector<256x64xf32>
    %reduce_sum3A_63 = vector.multi_reduction <add>, %mul3A_61, %reduce_sum3A_62 [1] : vector<256x6x64xf32> to vector<256x64xf32>
    %concatenate3A = tpu.concatenate %reduce_sum3A_21, %reduce_sum3A_27, %reduce_sum3A_33, %reduce_sum3A_39, %reduce_sum3A_45, %reduce_sum3A_51, %reduce_sum3A_57, %reduce_sum3A_63 in 1 : vector<256x64xf32>, vector<256x64xf32>, vector<256x64xf32>, vector<256x64xf32>, vector<256x64xf32>, vector<256x64xf32>, vector<256x64xf32>, vector<256x64xf32> -> vector<256x512xf32>
    %get3A_64 = arith.constant 0 : index
    %get3A_65 = arith.constant 0 : index
    %get3A_66 = vector.load %arg7[%get3A_64, %get3A_65] : memref<1x512xf32, #tpu.memory_space<vmem>>, vector<1x512xf32>
    %get3A_67 = arith.constant 0 : index
    %get3A_68 = arith.constant 0 : index
    %get3A_69 = vector.load %arg8[%get3A_67, %get3A_68] : memref<1x512xf32, #tpu.memory_space<vmem>>, vector<1x512xf32>
    %reduce_sum3A_70 = arith.constant dense<0.000000e+00> : vector<256xf32>
    %reduce_sum3A_71 = vector.multi_reduction <add>, %concatenate3A, %reduce_sum3A_70 [1] : vector<256x512xf32> to vector<256xf32>
    %broadcast_in_dim3A_72 = vector.shape_cast %reduce_sum3A_71 : vector<256xf32> to vector<256x1xf32>
    %div3A_73 = arith.constant 5.120000e+02 : f32
    %div3A_74 = vector.broadcast %div3A_73 : f32 to vector<256x1xf32>
    %div3A_75 = arith.divf %broadcast_in_dim3A_72, %div3A_74 : vector<256x1xf32>
    %sub3A_76 = vector.broadcast %div3A_75 : vector<256x1xf32> to vector<256x512xf32>
    %sub3A_77 = arith.subf %concatenate3A, %sub3A_76 : vector<256x512xf32>
    %integer_pow3A = arith.mulf %sub3A_77, %sub3A_77 : vector<256x512xf32>
    %reduce_sum3A_78 = arith.constant dense<0.000000e+00> : vector<256xf32>
    %reduce_sum3A_79 = vector.multi_reduction <add>, %integer_pow3A, %reduce_sum3A_78 [1] : vector<256x512xf32> to vector<256xf32>
    %broadcast_in_dim3A_80 = vector.shape_cast %reduce_sum3A_79 : vector<256xf32> to vector<256x1xf32>
    %div3A_81 = arith.constant 5.120000e+02 : f32
    %div3A_82 = vector.broadcast %div3A_81 : f32 to vector<256x1xf32>
    %div3A_83 = arith.divf %broadcast_in_dim3A_80, %div3A_82 : vector<256x1xf32>
    %sub3A_84 = vector.broadcast %div3A_75 : vector<256x1xf32> to vector<256x512xf32>
    %sub3A_85 = arith.subf %concatenate3A, %sub3A_84 : vector<256x512xf32>
    %add3A = arith.constant 9.99999974E-6 : f32
    %add3A_86 = vector.broadcast %add3A : f32 to vector<256x1xf32>
    %add3A_87 = arith.addf %div3A_83, %add3A_86 : vector<256x1xf32>
    %sqrt3A = math.sqrt %add3A_87 : vector<256x1xf32>
    %div3A_88 = vector.broadcast %sqrt3A : vector<256x1xf32> to vector<256x512xf32>
    %div3A_89 = arith.divf %sub3A_85, %div3A_88 : vector<256x512xf32>
    %mul3A_90 = vector.broadcast %get3A_66 : vector<1x512xf32> to vector<256x512xf32>
    %mul3A_91 = arith.mulf %div3A_89, %mul3A_90 : vector<256x512xf32>
    %add3A_92 = vector.broadcast %get3A_69 : vector<1x512xf32> to vector<256x512xf32>
    %add3A_93 = arith.addf %mul3A_91, %add3A_92 : vector<256x512xf32>
    %get3A_94 = arith.constant 0 : index
    %get3A_95 = arith.constant 0 : index
    %get3A_96 = vector.load %arg3[%get3A_94, %get3A_95] : memref<256x512xf32, #tpu.memory_space<vmem>>, vector<256x512xf32>
    %add3A_97 = arith.addf %get3A_96, %add3A_93 : vector<256x512xf32>
    %reduce_sum3A_98 = arith.constant dense<0.000000e+00> : vector<256xf32>
    %reduce_sum3A_99 = vector.multi_reduction <add>, %add3A_97, %reduce_sum3A_98 [1] : vector<256x512xf32> to vector<256xf32>
    %broadcast_in_dim3A_100 = vector.shape_cast %reduce_sum3A_99 : vector<256xf32> to vector<256x1xf32>
    %div3A_101 = arith.constant 5.120000e+02 : f32
    %div3A_102 = vector.broadcast %div3A_101 : f32 to vector<256x1xf32>
    %div3A_103 = arith.divf %broadcast_in_dim3A_100, %div3A_102 : vector<256x1xf32>
    %sub3A_104 = vector.broadcast %div3A_103 : vector<256x1xf32> to vector<256x512xf32>
    %sub3A_105 = arith.subf %add3A_97, %sub3A_104 : vector<256x512xf32>
    %integer_pow3A_106 = arith.mulf %sub3A_105, %sub3A_105 : vector<256x512xf32>
    %reduce_sum3A_107 = arith.constant dense<0.000000e+00> : vector<256xf32>
    %reduce_sum3A_108 = vector.multi_reduction <add>, %integer_pow3A_106, %reduce_sum3A_107 [1] : vector<256x512xf32> to vector<256xf32>
    %broadcast_in_dim3A_109 = vector.shape_cast %reduce_sum3A_108 : vector<256xf32> to vector<256x1xf32>
    %div3A_110 = arith.constant 5.120000e+02 : f32
    %div3A_111 = vector.broadcast %div3A_110 : f32 to vector<256x1xf32>
    %div3A_112 = arith.divf %broadcast_in_dim3A_109, %div3A_111 : vector<256x1xf32>
    %sub3A_113 = vector.broadcast %div3A_103 : vector<256x1xf32> to vector<256x512xf32>
    %sub3A_114 = arith.subf %add3A_97, %sub3A_113 : vector<256x512xf32>
    %add3A_115 = arith.constant 9.99999974E-6 : f32
    %add3A_116 = vector.broadcast %add3A_115 : f32 to vector<256x1xf32>
    %add3A_117 = arith.addf %div3A_112, %add3A_116 : vector<256x1xf32>
    %sqrt3A_118 = math.sqrt %add3A_117 : vector<256x1xf32>
    %div3A_119 = vector.broadcast %sqrt3A_118 : vector<256x1xf32> to vector<256x512xf32>
    %div3A_120 = arith.divf %sub3A_114, %div3A_119 : vector<256x512xf32>
    %mul3A_121 = vector.broadcast %get3A_66 : vector<1x512xf32> to vector<256x512xf32>
    %mul3A_122 = arith.mulf %div3A_120, %mul3A_121 : vector<256x512xf32>
    %add3A_123 = vector.broadcast %get3A_69 : vector<1x512xf32> to vector<256x512xf32>
    %add3A_124 = arith.addf %mul3A_122, %add3A_123 : vector<256x512xf32>
    %get3A_125 = arith.constant 0 : index
    %get3A_126 = arith.constant 0 : index
    %get3A_127 = vector.load %arg5[%get3A_125, %get3A_126] : memref<512x512xf32, #tpu.memory_space<vmem>>, vector<512x512xf32>
    %dot_general3A = arith.constant dense<0.000000e+00> : vector<256x512xf32>
    %dot_general3A_128 = tpu.matmul %add3A_124, %get3A_127, %dot_general3A {dimension_numbers = #tpu.dot_dimension_numbers<[1], [0], [0], [1], [0, 0, 1, 1], [], []>, transpose_lhs_hint = false} : vector<256x512xf32>, vector<512x512xf32>, vector<256x512xf32> -> vector<256x512xf32>
    %get3A_129 = arith.constant 0 : index
    %get3A_130 = arith.constant 0 : index
    %get3A_131 = vector.load %arg6[%get3A_129, %get3A_130] : memref<1x512xf32, #tpu.memory_space<vmem>>, vector<1x512xf32>
    %add3A_132 = vector.broadcast %get3A_131 : vector<1x512xf32> to vector<256x512xf32>
    %add3A_133 = arith.addf %dot_general3A_128, %add3A_132 : vector<256x512xf32>
    %ge3A = arith.constant 0.000000e+00 : f32
    %ge3A_134 = vector.broadcast %ge3A : f32 to vector<256x512xf32>
    %ge3A_135 = arith.cmpf oge, %add3A_133, %ge3A_134 : vector<256x512xf32>
    %mul3A_136 = arith.constant 0.00999999977 : f32
    %mul3A_137 = vector.broadcast %mul3A_136 : f32 to vector<256x512xf32>
    %mul3A_138 = arith.mulf %mul3A_137, %add3A_133 : vector<256x512xf32>
    %select_n3A = arith.select %ge3A_135, %add3A_133, %mul3A_138 : vector<256x512xi1>, vector<256x512xf32>
    %get3A_139 = arith.constant 0 : index
    %get3A_140 = arith.constant 0 : index
    %get3A_141 = vector.load %arg4[%get3A_139, %get3A_140] : memref<256x512xf32, #tpu.memory_space<vmem>>, vector<256x512xf32>
    %add3A_142 = arith.addf %select_n3A, %get3A_141 : vector<256x512xf32>
    %swap3A = arith.constant 0 : index
    %swap3A_143 = arith.constant 0 : index
    %swap3A_144 = vector.load %arg9[%swap3A, %swap3A_143] : memref<256x512xf32, #tpu.memory_space<vmem>>, vector<256x512xf32>
    tpu.vector_store %arg9[%swap3A, %swap3A_143], %add3A_142 {strides = array<i32>} : memref<256x512xf32, #tpu.memory_space<vmem>>, vector<256x512xf32>,
    return
  }
  func.func @transform_0(%arg0: i32) -> (i32, i32, i32) {
    %c0_i32 = arith.constant 0 : i32
    %c0_i32_0 = arith.constant 0 : i32
    %c0_i32_1 = arith.constant 0 : i32
    return %arg0, %c0_i32, %c0_i32_0 : i32, i32, i32
  }
  func.func @transform_1(%arg0: i32) -> (i32, i32, i32) {
    %c0_i32 = arith.constant 0 : i32
    %c0_i32_0 = arith.constant 0 : i32
    %c0_i32_1 = arith.constant 0 : i32
    return %arg0, %c0_i32, %c0_i32_0 : i32, i32, i32
  }
  func.func @transform_2(%arg0: i32) -> (i32, i32) {
    %c0_i32 = arith.constant 0 : i32
    %c0_i32_0 = arith.constant 0 : i32
    return %arg0, %c0_i32 : i32, i32
  }
  func.func @transform_3(%arg0: i32) -> (i32, i32) {
    %c0_i32 = arith.constant 0 : i32
    %c0_i32_0 = arith.constant 0 : i32
    return %arg0, %c0_i32 : i32, i32
  }
  func.func @transform_4(%arg0: i32) -> (i32, i32) {
    %c0_i32 = arith.constant 0 : i32
    %c0_i32_0 = arith.constant 0 : i32
    %c0_i32_1 = arith.constant 0 : i32
    return %c0_i32, %c0_i32_0 : i32, i32
  }
  func.func @transform_5(%arg0: i32) -> (i32, i32) {
    %c0_i32 = arith.constant 0 : i32
    %c0_i32_0 = arith.constant 0 : i32
    %c0_i32_1 = arith.constant 0 : i32
    return %c0_i32, %c0_i32_0 : i32, i32
  }
  func.func @transform_6(%arg0: i32) -> (i32, i32) {
    %c0_i32 = arith.constant 0 : i32
    %c0_i32_0 = arith.constant 0 : i32
    %c0_i32_1 = arith.constant 0 : i32
    return %c0_i32, %c0_i32_0 : i32, i32
  }
  func.func @transform_7(%arg0: i32) -> (i32, i32) {
    %c0_i32 = arith.constant 0 : i32
    %c0_i32_0 = arith.constant 0 : i32
    %c0_i32_1 = arith.constant 0 : i32
    return %c0_i32, %c0_i32_0 : i32, i32
  }
  func.func @transform_8(%arg0: i32) -> (i32, i32) {
    %c0_i32 = arith.constant 0 : i32
    %c0_i32_0 = arith.constant 0 : i32
    return %arg0, %c0_i32 : i32, i32
  }
}

</mosaic_0001>

<sc_bundles>
// kernel: kernel.7.cloned.1.call-start
scs
__scs_entry_jumppad:
0x0: {  	(pc) =	sbr.rel $0x88, $3  }
0x1: {  	(tag) =	ssettag $0x0;
	lr =	simm.s32 $0x1  }
0x2: {  	[smem:$0x3F92] =	sst lr;
	_ =	strace $0xD0000000  }
0x3: {  	_ = 	snop  }
0x4: {  	_ = 	snop  }
0x5: {  	_ = 	snop  }
0x6: {  	_ = 	snop  }
0x7: {  	_ = 	snop  }
__scs_overlays_trampoline_lowered:
0x8: {  	[smem:$0x3FA1] =	sst s0  }
0x9: {  	[smem:$0x3FA2] =	sst s1  }
0xa: {  	[smem:$0x3FA3] =	sst s2  }
0xb: {  	[smem:$0x3FA4] =	sst s3  }
0xc: {  	[smem:$0x3FA5] =	sst s4  }
0xd: {  	[smem:$0x3FA6] =	sst s5  }
0xe: {  	[smem:$0x3FA7] =	sst s6  }
0xf: {  	[smem:$0x3FA8] =	sst s7  }
0x10: {  	[smem:$0x3FA9] =	sst s8  }
0x11: {  	[smem:$0x3FAA] =	sst s9;
	s0 =	simm.s32 @!p0 $0x0  }
0x12: {  	s1 =	sld [smem:$0x3F90];
	s0 =	simm.s32 @p0 $0x1  }
0x13: {  	[smem:$0x3FAB] =	sst s0;
	s0 =	simm.s32 @!p1 $0x0  }
0x14: {  	s2 =	sld [smem:$0x3F8F];
	s0 =	simm.s32 @p1 $0x1  }
0x15: {  	[smem:$0x3FAC] =	sst s0;
	s0 =	simm.s32 @!p2 $0x0  }
0x16: {  	s3 =	sld [smem:$0x3FDB];
	s0 =	simm.s32 @p2 $0x1  }
0x17: {  	s4 =	simm.s32 $0x1BF5;
	[smem:$0x3FAE] =	sst s0  }
0x18: {  	s0 =	sld [smem:$0x3F91];
	_ =	swait.ge [sflag:s4], $0x0  }
0x19: {  	s7 =	sld [smem:$0x3F92]  }
0x1a: {  	s8 =	sadd.s32 $0xFFFFE003, lr  }
0x1b: {  	s9 =	sadd.s32 $0xFFFFFEF7, lr;
	s5 =	simm.s32 $0xFFFFFFFF;
	p2 =	slt.u32 s8, $0xFFFFF086  }
0x1c: {  	p1 =	slt.u32 s9, $0xF7A;
	s5 =	simm.s32 @!p2 $0x0  }
0x1d: {  	s5 =	simm.s32 @p1 $0x1;
	p0 =	seq.s32 s7, s2  }
0x1e: {  	s7 =	smul.u32 @!p0 $0xF7A, s2;
	p2 =	seq.s32 @!p0 s5, $0x0  }
0x1f: {  	s9 =	smul.u32 $0xF7A, s1;
	s8 =	simm.s32 @!p0 $0x1BF5;
	p2 =	por !p2, p0  }
0x20: {  	[sflag:s8] =	ssyncset.s32 @!p0 $0xFFFFF086;
	s6 =	sadd.s32 @!p0 s3, s7;
	s7 =	simm.s32 @!p0 $0x108  }
0x21: {  	s3 =	sadd.s32 s3, s9;
	s6 =	sadd.s32 @!p0 $0x88, s6;
	s7 =	simm.s32 @p2 $0x1082  }
0x22: {  	[simem:s7], [sflag:s8] =	dma.local @!p0 [hbm:s6], $0xF7A  }
0x23: {  	s9 =	sor.u32 $0xD0000000, s2;
	s6 =	simm.s32 $0x108;
	_ =	swait.ge @!p0 [sflag:s8], $0x0  }
0x24: {  	s3 =	sadd.s32 $0x88, s3;
	s6 =	simm.s32 @!p1 $0x1082;
	[sflag:s4] =	ssyncset.s32 $0xFFFFF086  }
0x25: {  	[simem:s6], [sflag:s4] =	dma.local [hbm:s3], $0xF7A  }
0x26: {  	[smem:$0x3F92] =	sst s1;
	(tag) =	ssettag s2;
	_ =	strace s9  }
0x27: {  	s1 =	sld [smem:$0x3FA2]  }
0x28: {  	s2 =	sld [smem:$0x3FA3]  }
0x29: {  	s4 =	sld [smem:$0x3FA5]  }
0x2a: {  	p0 =	seq.s32 s5, $0x0;
	s5 =	sld [smem:$0x3FA6]  }
0x2b: {  	s6 =	sld [smem:$0x3FA7]  }
0x2c: {  	s7 =	sld [smem:$0x3FA8]  }
0x2d: {  	s3 =	simm.s32 $0x108;
	s8 =	sld [smem:$0x3FA9]  }
0x2e: {  	s3 =	simm.s32 @!p0 $0x1082;
	s9 =	sld [smem:$0x3FAA]  }
0x2f: {  	lr =	sadd.s32 s0, s3;
	s0 =	sld [smem:$0x3FA1]  }
0x30: {  	s3 =	sld [smem:$0x3FA4]  }
0x31: {  	[smem:$0x3FAD] =	sst s10  }
0x32: {  	s10 =	sld [smem:$0x3FAB];
	_ =	sdelay $0x3  }
0x33: {  	p0 =	seq.s32 s10, $0x1;
	s10 =	sld [smem:$0x3FAD];
	_ =	sdelay $0x3  }
0x34: {  	[smem:$0x3FAD] =	sst s10  }
0x35: {  	s10 =	sld [smem:$0x3FAC];
	_ =	sdelay $0x3  }
0x36: {  	p1 =	seq.s32 s10, $0x1;
	s10 =	sld [smem:$0x3FAD];
	_ =	sdelay $0x3  }
0x37: {  	[smem:$0x3FAD] =	sst s10  }
0x38: {  	s10 =	sld [smem:$0x3FAE]  }
0x39: {  	_ = 	snop;
	(pc) =	sbr.ind lr, $3  }
0x3a: {  	_ = 	snop  }
0x3b: {  	_ = 	snop  }
0x3c: {  	p2 =	seq.s32 s10, $0x1;
	s10 =	sld [smem:$0x3FAD]  }
0x3d: {  	_ =	shalt  }
0x3e: {  	_ =	shalt  }
0x3f: {  	_ =	shalt  }
0x40: {  	_ =	shalt  }
0x41: {  	_ =	shalt  }
0x42: {  	_ =	shalt  }
0x43: {  	_ =	shalt  }
0x44: {  	_ =	shalt  }
0x45: {  	_ =	shalt  }
0x46: {  	_ =	shalt  }
0x47: {  	_ =	shalt  }
0x48: {  	_ =	shalt  }
0x49: {  	_ =	shalt  }
0x4a: {  	_ =	shalt  }
0x4b: {  	_ =	shalt  }
0x4c: {  	_ =	shalt  }
0x4d: {  	_ =	shalt  }
0x4e: {  	_ =	shalt  }
0x4f: {  	_ =	shalt  }
0x50: {  	_ =	shalt  }
0x51: {  	_ =	shalt  }
0x52: {  	_ =	shalt  }
0x53: {  	_ =	shalt  }
0x54: {  	_ =	shalt  }
0x55: {  	_ =	shalt  }
0x56: {  	_ =	shalt  }
0x57: {  	_ =	shalt  }
0x58: {  	_ =	shalt  }
0x59: {  	_ =	shalt  }
0x5a: {  	_ =	shalt  }
0x5b: {  	_ =	shalt  }
0x5c: {  	_ =	shalt  }
0x5d: {  	_ =	shalt  }
0x5e: {  	_ =	shalt  }
0x5f: {  	_ =	shalt  }
0x60: {  	_ =	shalt  }
0x61: {  	_ =	shalt  }
0x62: {  	_ =	shalt  }
0x63: {  	_ =	shalt  }
0x64: {  	_ =	shalt  }
0x65: {  	_ =	shalt  }
0x66: {  	_ =	shalt  }
0x67: {  	_ =	shalt  }
0x68: {  	_ =	shalt  }
0x69: {  	_ =	shalt  }
0x6a: {  	_ =	shalt  }
0x6b: {  	_ =	shalt  }
0x6c: {  	_ =	shalt  }
0x6d: {  	_ =	shalt  }
0x6e: {  	_ =	shalt  }
0x6f: {  	_ =	shalt  }
0x70: {  	_ =	shalt  }
0x71: {  	_ =	shalt  }
0x72: {  	_ =	shalt  }
0x73: {  	_ =	shalt  }
0x74: {  	_ =	shalt  }
0x75: {  	_ =	shalt  }
0x76: {  	_ =	shalt  }
0x77: {  	_ =	shalt  }
0x78: {  	_ =	shalt  }
0x79: {  	_ =	shalt  }
0x7a: {  	_ =	shalt  }
0x7b: {  	_ =	shalt  }
0x7c: {  	_ =	shalt  }
0x7d: {  	_ =	shalt  }
0x7e: {  	_ =	shalt  }
0x7f: {  	_ =	shalt  }
0x80: {  	_ =	shalt  }
0x81: {  	_ =	shalt  }
0x82: {  	_ =	shalt  }
0x83: {  	_ =	shalt  }
0x84: {  	_ =	shalt  }
0x85: {  	_ =	shalt  }
0x86: {  	_ =	shalt  }
0x87: {  	_ =	shalt  }
.Lfunc_end0:
.L_simem_size_0:
called_computation_lowered:
.L_overlay_start_0:
0x88: {  	s2 =	sld [smem:$0x3FD9]  }
0x89: {  	s3 =	sld [smem:$0x3FFE];
	_ =	sdelay $0x1  }
0x8a: {  	s1 =	srdreg.scid  }
0x8b: {  	s0 =	sand.u32 $0x1, s1  }
0x8c: {  	s16 =	sshll.u32 s0, $0xA;
	s2 =	sadd.s32 s3, s2  }
0x8d: {  	s2 =	sadd.s32 s2, s16  }
0x8e: {  	[smem:$0x3FB9] =	sst s2  }
0x8f: {  	_ = 	snop  }
0x90: {  	(tm) =	ssettm $0x1  }
0x91: {  	s17 =	sld [smem:$0x3FFB];
	_ =	sdelay $0x3  }
0x92: {  	_ =	strace s17  }
0x93: {  	s2 =	sld [smem:$0x3FFC];
	_ =	sdelay $0x3  }
0x94: {  	_ =	strace s2  }
0x95: {  	s2 =	sld [smem:$0x3FFD];
	_ =	sdelay $0x3  }
0x96: {  	_ =	strace s2  }
0x97: {  	_ =	strace $0x8FFFFFFF  }
0x98: {  	s18 =	sld [smem:$0x3FDB];
	_ =	sdelay $0x1  }
0x99: {  	s19 =	simm.s32 $_scs_section_size  }
0x9a: {  	s4 =	simm.s32 $_size__tile_overlayer_lowered;
	s5 =	simm.s32 $_tile_overlayer_lowered  }
0x9b: {  	s22 =	simm.s32 $0x1BFF;
	s21 =	sshll.u32 s5, $0x1;
	s2 =	sadd.s32 s19, s18  }
0x9c: {  	s6 =	simm.s32 $0x0;
	s20 =	sshll.u32 s4, $0x1;
	s4 =	sadd.s32 s21, s2  }
0x9d: {  	[timem:s6], [sflag:s22] =	dma.local [hbm:s4], s20  }
0x9e: {  	_ =	swait.ge [sflag:s22], s20  }
0x9f: {  	s3 =	ssub.s32 $0x0, s20;
	[sflag:s22] =	ssyncset.done $0x0  }
0xa0: {  	[sflag:s22] =	ssyncadd.s32 s3;
	_ =	sdelay $0x1  }
0xa1: {  	s23 =	simm.s32 $0x1B8B  }
0xa2: {  	_ =	swait.ge [sflag:s23], $0x1  }
0xa3: {  	[sflag:s23] =	ssyncset.done $0x0  }
0xa4: {  	s25 =	simm.s32 $0x1B8E;
	s24 =	sld [smem:$0x3FFE];
	[sflag:s23] =	ssyncadd.s32 $0xFFFFFFFF  }
0xa5: {  	s26 =	simm.s32 $execute0_lowered;
	[smem:$0x3FD2] =	sst s25  }
0xa6: {  	s4 =	sshll.u32 s26, $0x1;
	_ =	strace $0x80000046;
	[dreg:$0x1] =	wrdreg $0xFFFFFFFF  }
0xa7: {  	s28 =	simm.s32 $_size_execute0_lowered;
	s2 =	sadd.s32 s2, s4;
	[dreg:$0x0] =	wrdreg $0x0  }
0xa8: {  	s4 =	sshll.u32 s28, $0x1;
	[dreg:$0x2] =	wrdreg s2  }
0xa9: {  	[dreg:$0x3] =	wrdreg s4  }
0xaa: {  	[dreg:$0x4] =	wrdreg $0xC0  }
0xab: {  	_ =	task [dreg:s6], $0x5FFFF  }
0xac: {  	[dreg:$0x1] =	wrdreg $0xFFFFFFFF  }
0xad: {  	[dreg:$0x0] =	wrdreg $0x60  }
0xae: {  	[dreg:$0x2] =	wrdreg s24  }
0xaf: {  	[dreg:$0x3] =	wrdreg $0x9  }
0xb0: {  	_ =	task.clear_ibuf [dreg:s6], $0x4FFFF;
	_ =	strace $0x90000046  }
0xb1: {  	s29 =	simm.s32 $0x9;
	_ =	strace $0x80000048  }
0xb2: {  	_ =	swait.ge [sflag:s29], $0x1  }
0xb3: {  	[sflag:s29] =	ssyncadd.s32 $0xFFFFFFFF  }
0xb4: {  	_ =	strace $0x90000048  }
0xb5: {  	_ =	sfence  }
0xb6: {  	s30 =	sld [smem:$0x0];
	_ =	sdelay $0x2  }
0xb7: {  	s31 =	sshll.u32 s1, $0xD;
	s1 =	sshrl.u32 s1, $0x2  }
0xb8: {  	s3 =	sand.u32 $0x4000, s31;
	s1 =	sadd.s32 s1, s30  }
0xb9: {  	s0 =	sor.u32 s3, s0;
	s1 =	sshll.u32 s1, $0x11  }
0xba: {  	s0 =	sor.u32 s1, s0  }
0xbb: {  	s0 =	sadd.s32 $0x8F2B, s0  }
0xbc: {  	[sflag:s0] =	ssyncadd.remote.s32 $0x1  }
0xbd: {  	_ =	sfence.sel $0xFFFF  }
0xbe: {  	[dreg:$0x0] =	wrdreg $0xFFFFFFFF;
	(pc) =	sbr.abs _section_cstart, $3  }
0xbf: {  	[dreg:$0x1] =	wrdreg $0xFFFFFFFF  }
0xc0: {  	_ =	task.clear_ibuf [dreg:s6], $0x2FFFF;
	_ =	strace $0x9FFFFFFF  }
0xc1: {  	(tm) =	ssettm $0x7FFFFFFF  }
tec
execute0_lowered:
.L_overlay_start_1:
0x0: {  	(tag) =	ssettag $0x1  }
0x1: {  	s0 =	srdreg.scid;
	s2 =	stileid.u32  }
0x2: {  	s1 =	sand.u32 $0x1, s0;
	s2 =	sshll.u32 s2, $0x1  }
0x3: {  	s30 =	simm.s32 $0x300;
	s0 =	rddreg [dreg:$0x0];
	s4 =	sor.u32 s1, s2  }
0x4: {  	s2 =	simm.s32 $0x0;
	s3 =	sadd.s32 $0x84600, s0;
	s5 =	smul.u32 $0x300, s4  }
0x5: {  	s8 =	sadd.s32 $0xA4600, s0;
	s10 =	sadd.s32 $0x15200, s0;
	s9 =	smul.u32 $0x6000, s4  }
0x6: {  	s1 =	ssub.s32 $0x2, s1;
	[smem:$0x7FF] =	sst s2;
	s4 =	smul.u32 $0x3000, s4  }
0x7: {  	_ =	strace $0x80000047;
	s6 =	sshrl.u32 s5, $0x3;
	s19 =	sadd.s32 s8, s9  }
0x8: {  	s4 =	sadd.s32 s10, s4;
	s28 =	sadd.s32 $0x120, s5;
	s9 =	sadd.s32 $0x180, s5  }
0x9: {  	s13 =	sadd.s32 $0x1E0, s5;
	s17 =	sadd.s32 $0x240, s5;
	s5 =	sadd.s32 $0x2A0, s5  }
0xa: {  	s7 =	sadd.s32 s6, s0;
	s20 =	sor.u32 $0xC, s6;
	[dreg:$0x3] =	wrdreg s19  }
0xb: {  	[dreg:$0x4] =	wrdreg s4;
	s6 =	sor.u32 $0x18, s6;
	s31 =	sshll.u32 s28, $0x5  }
0xc: {  	s12 =	sshll.u32 s9, $0x5;
	s15 =	sshll.u32 s13, $0x5;
	s19 =	sshrl.u32 s1, $0x1  }
0xd: {  	s7 =	sadd.s32 $0x4600, s7;
	s21 =	sshll.u32 s20, $0x8;
	s23 =	sshll.u32 s20, $0x7  }
0xe: {  	s25 =	sshll.u32 s6, $0x8;
	s6 =	sshll.u32 s6, $0x7;
	s16 =	sadd.s32 s8, s15  }
0xf: {  	s20 =	sshll.u32 s17, $0x5;
	[dreg:$0x2] =	wrdreg s7;
	s22 =	sand.u32 $0x1FFFEC00, s21  }
0x10: {  	s26 =	sand.u32 $0x1FFFF800, s25;
	[dreg:$0xd] =	wrdreg s16;
	s25 =	simm.s32 $0x120  }
0x11: {  	s7 =	sand.u32 $0x1FFFF600, s23;
	s4 =	sadd.s32 s8, s22;
	[dreg:$0x14] =	wrdreg s25  }
0x12: {  	s6 =	sand.u32 $0x1FFFFC00, s6;
	s24 =	sadd.s32 s10, s7;
	[dreg:$0x5] =	wrdreg s4  }
0x13: {  	s1 =	ssub.s32 s1, s19;
	s29 =	sadd.s32 s10, s6;
	[dreg:$0x6] =	wrdreg s24  }
0x14: {  	s19 =	simm.s32 $0x60;
	s6 =	sadd.s32 s8, s31;
	[dreg:$0x8] =	wrdreg s29  }
0x15: {  	s7 =	sshll.u32 s28, $0x4;
	s28 =	simm.s32 $0x1E0;
	[dreg:$0x9] =	wrdreg s6  }
0x16: {  	s15 =	simm.s32 $0x8;
	s31 =	simm.s32 $0x2A0;
	[dreg:$0x16] =	wrdreg s28  }
0x17: {  	s22 =	sshll.u32 s5, $0x5;
	s4 =	sadd.s32 s8, s26;
	[dreg:$0x18] =	wrdreg s31  }
0x18: {  	s5 =	sshll.u32 s5, $0x4;
	s11 =	sadd.s32 s10, s7;
	[dreg:$0x7] =	wrdreg s4  }
0x19: {  	s7 =	sshll.u32 s9, $0x4;
	s23 =	sadd.s32 s8, s22;
	[dreg:$0xa] =	wrdreg s11  }
0x1a: {  	s6 =	sshll.u32 s13, $0x4;
	s5 =	sadd.s32 s10, s5;
	[dreg:$0x11] =	wrdreg s23  }
0x1b: {  	s24 =	simm.s32 $0xC0;
	s26 =	simm.s32 $0x180;
	[dreg:$0x12] =	wrdreg s5  }
0x1c: {  	s29 =	simm.s32 $0x240;
	s9 =	simm.s32 $0x3;
	[dreg:$0x13] =	wrdreg s24  }
0x1d: {  	s13 =	simm.s32 $0x4;
	s4 =	sadd.s32 s8, s12;
	[dreg:$0x15] =	wrdreg s26  }
0x1e: {  	s14 =	sadd.s32 s10, s7;
	s18 =	sadd.s32 s10, s6;
	[dreg:$0x17] =	wrdreg s29  }
0x1f: {  	s7 =	sshll.u32 s17, $0x4;
	s5 =	smax.u32 s1, $0x1;
	[dreg:$0xb] =	wrdreg s4  }
0x20: {  	s6 =	simm.s32 $0xF300;
	s11 =	simm.s32 $0x7;
	[dreg:$0xc] =	wrdreg s14  }
0x21: {  	s12 =	simm.s32 $0x2;
	[dreg:$0xe] =	wrdreg s18;
	s4 =	sadd.s32 s8, s20  }
0x22: {  	v2 =	vlaneseq.u32;
	s21 =	sadd.s32 s10, s7;
	s20 =	simm.s32 $0xC300;
	s8 =	simm.s32 $0x1  }
0x23: {  	vm0 =	vmmov $0xffff;
	v1 =	vshrl.u32 v2, $0x3;
	s10 =	simm.s32 $0x5;
	s14 =	simm.s32 $0x6;
	[dreg:$0xf] =	wrdreg s4  }
0x24: {  	v0 =	vand.u32 $0x7, v2;
	v2 =	vor.u32 $0x8, v2;
	v1 =	vmul.u32 $0x8, v1;
	[dreg:$0x10] =	wrdreg s21;
	s4 =	sadd.s32 $0x5200, s0;
	s21 =	simm.s32 $0x6300  }
.LBB2_1:
0x25: {  	s16 =	rddreg [dreg:$0x2];
	s25 =	simm.s32 $0x9  }
0x26: {  	[tilespmem:s2], [sflag:$0x9] =	stream.linear.gather [hbm4b:s16+s2], $0x300, $0x38;
	[tilespmem:$0x12300] =	vst v63  }
0x27: {  	_ =	swait.ge [sflag:s25], $0x300  }
0x28: {  	[sflag:s25] =	ssyncset.done $0x0  }
0x29: {  	[sflag:s25] =	ssyncadd.s32 $0xFFFFFD00  }
0x2a: {  	v3 =	vld [tilespmem:$0x0];
	_ =	sdelay $0x4  }
0x2b: {  	v4 =	vshll.u32 v3, $0x1  }
0x2c: {  	v3 =	vand.u32 $0x7, v3;
	v4 =	vand.u32 $0xFFFFFFF0, v4  }
0x2d: {  	v3 =	vor.u32 v3, v4  }
0x2e: {  	v4 =	vperm.xlane v3, v0;
	_ =	sdelay $0x1  }
0x2f: {  	v3 =	vperm.xlane v3, v2;
	v4 =	vadd.s32 v1, v4;
	_ =	sdelay $0x1  }
0x30: {  	v3 =	vadd.s32 v1, v3;
	_ =	sdelay $0x2  }
0x31: {  	[tilespmem:s30], [sflag:$0x1] =	stream.indirect_vreg.gather [hbm4b:s3+s2], $0x80, v4, vm0, $0xb8;
	[tilespmem:$0x12300] =	vst v63  }
0x32: {  	s0 =	simm.s32 $0xB00  }
0x33: {  	[tilespmem:s0], [sflag:$0x1] =	stream.indirect_vreg.gather [hbm4b:s3+s2], $0x80, v3, vm0, $0xb8;
	[tilespmem:$0x12300] =	vst v63  }
0x34: {  	v3 =	vld [tilespmem:$0x10];
	_ =	sdelay $0x4  }
0x35: {  	v17 =	vshll.u32 v3, $0x1  }
0x36: {  	v3 =	vand.u32 $0x7, v3;
	v4 =	vand.u32 $0xFFFFFFF0, v17  }
0x37: {  	v3 =	vor.u32 v3, v4  }
0x38: {  	v4 =	vperm.xlane v3, v0;
	_ =	sdelay $0x1  }
0x39: {  	v3 =	vperm.xlane v3, v2;
	v4 =	vadd.s32 v1, v4;
	_ =	sdelay $0x1  }
0x3a: {  	v3 =	vadd.s32 v1, v3;
	_ =	sdelay $0x1  }
0x3b: {  	s26 =	simm.s32 $0x1300  }
0x3c: {  	[tilespmem:s26], [sflag:$0x1] =	stream.indirect_vreg.gather [hbm4b:s3+s2], $0x80, v4, vm0, $0xb8;
	[tilespmem:$0x12300] =	vst v63  }
0x3d: {  	s28 =	simm.s32 $0x1B00  }
0x3e: {  	[tilespmem:s28], [sflag:$0x1] =	stream.indirect_vreg.gather [hbm4b:s3+s2], $0x80, v3, vm0, $0xb8;
	[tilespmem:$0x12300] =	vst v63  }
0x3f: {  	v3 =	vld [tilespmem:$0x20];
	_ =	sdelay $0x4  }
0x40: {  	v18 =	vshll.u32 v3, $0x1  }
0x41: {  	v3 =	vand.u32 $0x7, v3;
	v4 =	vand.u32 $0xFFFFFFF0, v18  }
0x42: {  	v3 =	vor.u32 v3, v4  }
0x43: {  	v4 =	vperm.xlane v3, v0;
	_ =	sdelay $0x1  }
0x44: {  	v3 =	vperm.xlane v3, v2;
	v4 =	vadd.s32 v1, v4;
	_ =	sdelay $0x1  }
0x45: {  	v3 =	vadd.s32 v1, v3;
	_ =	sdelay $0x1  }
0x46: {  	s29 =	simm.s32 $0x2300  }
0x47: {  	[tilespmem:s29], [sflag:$0x1] =	stream.indirect_vreg.gather [hbm4b:s3+s2], $0x80, v4, vm0, $0xb8;
	[tilespmem:$0x12300] =	vst v63  }
0x48: {  	s31 =	simm.s32 $0x2B00  }
0x49: {  	[tilespmem:s31], [sflag:$0x1] =	stream.indirect_vreg.gather [hbm4b:s3+s2], $0x80, v3, vm0, $0xb8;
	[tilespmem:$0x12300] =	vst v63  }
0x4a: {  	v3 =	vld [tilespmem:$0x30];
	_ =	sdelay $0x4  }
0x4b: {  	v19 =	vshll.u32 v3, $0x1  }
0x4c: {  	v3 =	vand.u32 $0x7, v3;
	v4 =	vand.u32 $0xFFFFFFF0, v19  }
0x4d: {  	v3 =	vor.u32 v3, v4  }
0x4e: {  	v4 =	vperm.xlane v3, v0;
	_ =	sdelay $0x1  }
0x4f: {  	v3 =	vperm.xlane v3, v2;
	v4 =	vadd.s32 v1, v4;
	_ =	sdelay $0x1  }
0x50: {  	v3 =	vadd.s32 v1, v3;
	_ =	sdelay $0x1  }
0x51: {  	s16 =	simm.s32 $0x3300  }
0x52: {  	[tilespmem:s16], [sflag:$0x1] =	stream.indirect_vreg.gather [hbm4b:s3+s2], $0x80, v4, vm0, $0xb8;
	[tilespmem:$0x12300] =	vst v63  }
0x53: {  	s17 =	simm.s32 $0x3B00  }
0x54: {  	[tilespmem:s17], [sflag:$0x1] =	stream.indirect_vreg.gather [hbm4b:s3+s2], $0x80, v3, vm0, $0xb8;
	[tilespmem:$0x12300] =	vst v63  }
0x55: {  	v3 =	vld [tilespmem:$0x40];
	_ =	sdelay $0x4  }
0x56: {  	v20 =	vshll.u32 v3, $0x1  }
0x57: {  	v3 =	vand.u32 $0x7, v3;
	v4 =	vand.u32 $0xFFFFFFF0, v20  }
0x58: {  	v3 =	vor.u32 v3, v4  }
0x59: {  	v4 =	vperm.xlane v3, v0;
	_ =	sdelay $0x1  }
0x5a: {  	v3 =	vperm.xlane v3, v2;
	v4 =	vadd.s32 v1, v4;
	_ =	sdelay $0x1  }
0x5b: {  	v3 =	vadd.s32 v1, v3;
	_ =	sdelay $0x1  }
0x5c: {  	s18 =	simm.s32 $0x4300  }
0x5d: {  	[tilespmem:s18], [sflag:$0x1] =	stream.indirect_vreg.gather [hbm4b:s3+s2], $0x80, v4, vm0, $0xb8;
	[tilespmem:$0x12300] =	vst v63  }
0x5e: {  	s22 =	simm.s32 $0x4B00  }
0x5f: {  	[tilespmem:s22], [sflag:$0x1] =	stream.indirect_vreg.gather [hbm4b:s3+s2], $0x80, v3, vm0, $0xb8;
	[tilespmem:$0x12300] =	vst v63  }
0x60: {  	v3 =	vld [tilespmem:$0x50];
	_ =	sdelay $0x4  }
0x61: {  	v21 =	vshll.u32 v3, $0x1  }
0x62: {  	v3 =	vand.u32 $0x7, v3;
	v4 =	vand.u32 $0xFFFFFFF0, v21  }
0x63: {  	v3 =	vor.u32 v3, v4  }
0x64: {  	v4 =	vperm.xlane v3, v0;
	_ =	sdelay $0x1  }
0x65: {  	v3 =	vperm.xlane v3, v2;
	v4 =	vadd.s32 v1, v4;
	_ =	sdelay $0x1  }
0x66: {  	v3 =	vadd.s32 v1, v3;
	_ =	sdelay $0x1  }
0x67: {  	s23 =	simm.s32 $0x5300  }
0x68: {  	[tilespmem:s23], [sflag:$0x1] =	stream.indirect_vreg.gather [hbm4b:s3+s2], $0x80, v4, vm0, $0xb8;
	[tilespmem:$0x12300] =	vst v63  }
0x69: {  	s24 =	simm.s32 $0x5B00  }
0x6a: {  	[tilespmem:s24], [sflag:$0x1] =	stream.indirect_vreg.gather [hbm4b:s3+s2], $0x80, v3, vm0, $0xb8;
	[tilespmem:$0x12300] =	vst v63  }
0x6b: {  	_ = 	snop  }
0x6c: {  	[tilespmem:s20], [sflag:$0x3] =	stream.indirect.gather [hbm4b:s4+s19], $0x80, s2, s19, $0xb8;
	[tilespmem:$0x12300] =	vst v63  }
0x6d: {  	v3 =	vld [tilespmem:$0x60];
	_ =	sdelay $0x4  }
0x6e: {  	v22 =	vshll.u32 v3, $0x1  }
0x6f: {  	v3 =	vand.u32 $0x7, v3;
	v4 =	vand.u32 $0xFFFFFFF0, v22  }
0x70: {  	v3 =	vor.u32 v3, v4  }
0x71: {  	v4 =	vperm.xlane v3, v0;
	_ =	sdelay $0x1  }
0x72: {  	v3 =	vperm.xlane v3, v2;
	v4 =	vadd.s32 v1, v4;
	_ =	sdelay $0x1  }
0x73: {  	v3 =	vadd.s32 v1, v3;
	_ =	sdelay $0x2  }
0x74: {  	[tilespmem:s21], [sflag:$0x2] =	stream.indirect_vreg.gather [hbm4b:s3+s2], $0x80, v4, vm0, $0xb8;
	[tilespmem:$0x12300] =	vst v63  }
0x75: {  	s25 =	simm.s32 $0x6B00  }
0x76: {  	[tilespmem:s25], [sflag:$0x2] =	stream.indirect_vreg.gather [hbm4b:s3+s2], $0x80, v3, vm0, $0xb8;
	[tilespmem:$0x12300] =	vst v63  }
0x77: {  	v3 =	vld [tilespmem:$0x70];
	_ =	sdelay $0x4  }
0x78: {  	v23 =	vshll.u32 v3, $0x1  }
0x79: {  	v3 =	vand.u32 $0x7, v3;
	v4 =	vand.u32 $0xFFFFFFF0, v23  }
0x7a: {  	v3 =	vor.u32 v3, v4  }
0x7b: {  	v4 =	vperm.xlane v3, v0;
	_ =	sdelay $0x1  }
0x7c: {  	v3 =	vperm.xlane v3, v2;
	v4 =	vadd.s32 v1, v4;
	_ =	sdelay $0x1  }
0x7d: {  	v3 =	vadd.s32 v1, v3;
	_ =	sdelay $0x1  }
0x7e: {  	s31 =	simm.s32 $0x7300  }
0x7f: {  	[tilespmem:s31], [sflag:$0x2] =	stream.indirect_vreg.gather [hbm4b:s3+s2], $0x80, v4, vm0, $0xb8;
	[tilespmem:$0x12300] =	vst v63  }
0x80: {  	s0 =	simm.s32 $0x7B00  }
0x81: {  	[tilespmem:s0], [sflag:$0x2] =	stream.indirect_vreg.gather [hbm4b:s3+s2], $0x80, v3, vm0, $0xb8;
	[tilespmem:$0x12300] =	vst v63  }
0x82: {  	v3 =	vld [tilespmem:$0x80];
	_ =	sdelay $0x4  }
0x83: {  	v24 =	vshll.u32 v3, $0x1  }
0x84: {  	v3 =	vand.u32 $0x7, v3;
	v4 =	vand.u32 $0xFFFFFFF0, v24  }
0x85: {  	v3 =	vor.u32 v3, v4  }
0x86: {  	v4 =	vperm.xlane v3, v0;
	_ =	sdelay $0x1  }
0x87: {  	v3 =	vperm.xlane v3, v2;
	v4 =	vadd.s32 v1, v4;
	_ =	sdelay $0x1  }
0x88: {  	v3 =	vadd.s32 v1, v3;
	_ =	sdelay $0x1  }
0x89: {  	s17 =	simm.s32 $0x8300  }
0x8a: {  	[tilespmem:s17], [sflag:$0x2] =	stream.indirect_vreg.gather [hbm4b:s3+s2], $0x80, v4, vm0, $0xb8;
	[tilespmem:$0x12300] =	vst v63  }
0x8b: {  	s18 =	simm.s32 $0x8B00  }
0x8c: {  	[tilespmem:s18], [sflag:$0x2] =	stream.indirect_vreg.gather [hbm4b:s3+s2], $0x80, v3, vm0, $0xb8;
	[tilespmem:$0x12300] =	vst v63  }
0x8d: {  	v3 =	vld [tilespmem:$0x90];
	_ =	sdelay $0x4  }
0x8e: {  	v25 =	vshll.u32 v3, $0x1  }
0x8f: {  	v3 =	vand.u32 $0x7, v3;
	v4 =	vand.u32 $0xFFFFFFF0, v25  }
0x90: {  	v3 =	vor.u32 v3, v4  }
0x91: {  	v4 =	vperm.xlane v3, v0;
	_ =	sdelay $0x1  }
0x92: {  	v3 =	vperm.xlane v3, v2;
	v4 =	vadd.s32 v1, v4;
	_ =	sdelay $0x1  }
0x93: {  	v3 =	vadd.s32 v1, v3;
	_ =	sdelay $0x1  }
0x94: {  	s22 =	simm.s32 $0x9300  }
0x95: {  	[tilespmem:s22], [sflag:$0x2] =	stream.indirect_vreg.gather [hbm4b:s3+s2], $0x80, v4, vm0, $0xb8;
	[tilespmem:$0x12300] =	vst v63  }
0x96: {  	s0 =	simm.s32 $0x9B00  }
0x97: {  	[tilespmem:s0], [sflag:$0x2] =	stream.indirect_vreg.gather [hbm4b:s3+s2], $0x80, v3, vm0, $0xb8;
	[tilespmem:$0x12300] =	vst v63  }
0x98: {  	v3 =	vld [tilespmem:$0xA0];
	_ =	sdelay $0x4  }
0x99: {  	v26 =	vshll.u32 v3, $0x1  }
0x9a: {  	v3 =	vand.u32 $0x7, v3;
	v4 =	vand.u32 $0xFFFFFFF0, v26  }
0x9b: {  	v3 =	vor.u32 v3, v4  }
0x9c: {  	v4 =	vperm.xlane v3, v0;
	_ =	sdelay $0x1  }
0x9d: {  	v3 =	vperm.xlane v3, v2;
	v4 =	vadd.s32 v1, v4;
	_ =	sdelay $0x1  }
0x9e: {  	v3 =	vadd.s32 v1, v3;
	_ =	sdelay $0x1  }
0x9f: {  	s17 =	simm.s32 $0xA300  }
0xa0: {  	[tilespmem:s17], [sflag:$0x2] =	stream.indirect_vreg.gather [hbm4b:s3+s2], $0x80, v4, vm0, $0xb8;
	[tilespmem:$0x12300] =	vst v63  }
0xa1: {  	s22 =	simm.s32 $0xAB00  }
0xa2: {  	[tilespmem:s22], [sflag:$0x2] =	stream.indirect_vreg.gather [hbm4b:s3+s2], $0x80, v3, vm0, $0xb8;
	[tilespmem:$0x12300] =	vst v63  }
0xa3: {  	v3 =	vld [tilespmem:$0xB0];
	_ =	sdelay $0x4  }
0xa4: {  	v27 =	vshll.u32 v3, $0x1  }
0xa5: {  	v3 =	vand.u32 $0x7, v3;
	v4 =	vand.u32 $0xFFFFFFF0, v27  }
0xa6: {  	v3 =	vor.u32 v3, v4  }
0xa7: {  	v4 =	vperm.xlane v3, v0;
	_ =	sdelay $0x1  }
0xa8: {  	v3 =	vperm.xlane v3, v2;
	v4 =	vadd.s32 v1, v4;
	_ =	sdelay $0x1  }
0xa9: {  	v3 =	vadd.s32 v1, v3;
	_ =	sdelay $0x1  }
0xaa: {  	s0 =	simm.s32 $0xB300  }
0xab: {  	[tilespmem:s0], [sflag:$0x2] =	stream.indirect_vreg.gather [hbm4b:s3+s2], $0x80, v4, vm0, $0xb8;
	[tilespmem:$0x12300] =	vst v63  }
0xac: {  	s17 =	simm.s32 $0xBB00  }
0xad: {  	[tilespmem:s17], [sflag:$0x2] =	stream.indirect_vreg.gather [hbm4b:s3+s2], $0x80, v3, vm0, $0xb8;
	[tilespmem:$0x12300] =	vst v63  }
0xae: {  	_ = 	snop  }
0xaf: {  	[tilespmem:s6], [sflag:$0x4] =	stream.indirect.gather [hbm4b:s4+s19], $0x80, s19, s19, $0xb8;
	[tilespmem:$0x12300] =	vst v63  }
0xb0: {  	_ =	swait.ge [sflag:s8], $0x6000  }
0xb1: {  	[sflag:s8] =	ssyncset.done $0x0  }
0xb2: {  	[sflag:s8] =	ssyncadd.s32 $0xFFFFA000  }
0xb3: {  	_ =	swait.ge [sflag:s9], $0x3000  }
0xb4: {  	[sflag:s9] =	ssyncset.done $0x0  }
0xb5: {  	s0 =	rddreg [dreg:$0x3];
	[sflag:s9] =	ssyncadd.s32 $0xFFFFD000  }
0xb6: {  	[hbm4b:s0+s2] =	stream.linear.scatter [tilespmem:s30], [sflag:$0x5], $0x6000, $0x38;
	[tilespmem:$0x12300] =	vst v63  }
0xb7: {  	s17 =	rddreg [dreg:$0x4]  }
0xb8: {  	[hbm4b:s17+s2] =	stream.linear.scatter [tilespmem:s20], [sflag:$0x7], $0x3000, $0x38;
	[tilespmem:$0x12300] =	vst v63  }
0xb9: {  	_ =	swait.ge [sflag:s10], $0x6000  }
0xba: {  	[sflag:s10] =	ssyncset.done $0x0  }
0xbb: {  	[sflag:s10] =	ssyncadd.s32 $0xFFFFA000  }
0xbc: {  	_ =	swait.ge [sflag:s11], $0x3000  }
0xbd: {  	[sflag:s11] =	ssyncset.done $0x0  }
0xbe: {  	[sflag:s11] =	ssyncadd.s32 $0xFFFFD000  }
0xbf: {  	v3 =	vld [tilespmem:$0xC0];
	_ =	sdelay $0x4  }
0xc0: {  	v28 =	vshll.u32 v3, $0x1  }
0xc1: {  	v3 =	vand.u32 $0x7, v3;
	v4 =	vand.u32 $0xFFFFFFF0, v28  }
0xc2: {  	v3 =	vor.u32 v3, v4  }
0xc3: {  	v4 =	vperm.xlane v3, v0;
	_ =	sdelay $0x1  }
0xc4: {  	v3 =	vperm.xlane v3, v2;
	v4 =	vadd.s32 v1, v4;
	_ =	sdelay $0x1  }
0xc5: {  	v3 =	vadd.s32 v1, v3;
	_ =	sdelay $0x2  }
0xc6: {  	[tilespmem:s30], [sflag:$0x1] =	stream.indirect_vreg.gather [hbm4b:s3+s2], $0x80, v4, vm0, $0xb8;
	[tilespmem:$0x12300] =	vst v63  }
0xc7: {  	s1 =	simm.s32 $0xB00  }
0xc8: {  	[tilespmem:s1], [sflag:$0x1] =	stream.indirect_vreg.gather [hbm4b:s3+s2], $0x80, v3, vm0, $0xb8;
	[tilespmem:$0x12300] =	vst v63  }
0xc9: {  	v3 =	vld [tilespmem:$0xD0];
	_ =	sdelay $0x4  }
0xca: {  	v29 =	vshll.u32 v3, $0x1  }
0xcb: {  	v3 =	vand.u32 $0x7, v3;
	v4 =	vand.u32 $0xFFFFFFF0, v29  }
0xcc: {  	v3 =	vor.u32 v3, v4  }
0xcd: {  	v4 =	vperm.xlane v3, v0;
	_ =	sdelay $0x1  }
0xce: {  	v3 =	vperm.xlane v3, v2;
	v4 =	vadd.s32 v1, v4;
	_ =	sdelay $0x1  }
0xcf: {  	v3 =	vadd.s32 v1, v3;
	_ =	sdelay $0x1  }
0xd0: {  	s1 =	simm.s32 $0x1300  }
0xd1: {  	[tilespmem:s1], [sflag:$0x1] =	stream.indirect_vreg.gather [hbm4b:s3+s2], $0x80, v4, vm0, $0xb8;
	[tilespmem:$0x12300] =	vst v63  }
0xd2: {  	s7 =	simm.s32 $0x1B00  }
0xd3: {  	[tilespmem:s7], [sflag:$0x1] =	stream.indirect_vreg.gather [hbm4b:s3+s2], $0x80, v3, vm0, $0xb8;
	[tilespmem:$0x12300] =	vst v63  }
0xd4: {  	v3 =	vld [tilespmem:$0xE0];
	_ =	sdelay $0x4  }
0xd5: {  	v30 =	vshll.u32 v3, $0x1  }
0xd6: {  	v3 =	vand.u32 $0x7, v3;
	v4 =	vand.u32 $0xFFFFFFF0, v30  }
0xd7: {  	v3 =	vor.u32 v3, v4  }
0xd8: {  	v4 =	vperm.xlane v3, v0;
	_ =	sdelay $0x1  }
0xd9: {  	v3 =	vperm.xlane v3, v2;
	v4 =	vadd.s32 v1, v4;
	_ =	sdelay $0x1  }
0xda: {  	v3 =	vadd.s32 v1, v3;
	_ =	sdelay $0x1  }
0xdb: {  	s7 =	simm.s32 $0x2300  }
0xdc: {  	[tilespmem:s7], [sflag:$0x1] =	stream.indirect_vreg.gather [hbm4b:s3+s2], $0x80, v4, vm0, $0xb8;
	[tilespmem:$0x12300] =	vst v63  }
0xdd: {  	s26 =	simm.s32 $0x2B00  }
0xde: {  	[tilespmem:s26], [sflag:$0x1] =	stream.indirect_vreg.gather [hbm4b:s3+s2], $0x80, v3, vm0, $0xb8;
	[tilespmem:$0x12300] =	vst v63  }
0xdf: {  	v3 =	vld [tilespmem:$0xF0];
	_ =	sdelay $0x4  }
0xe0: {  	v31 =	vshll.u32 v3, $0x1  }
0xe1: {  	v3 =	vand.u32 $0x7, v3;
	v4 =	vand.u32 $0xFFFFFFF0, v31  }
0xe2: {  	v3 =	vor.u32 v3, v4  }
0xe3: {  	v4 =	vperm.xlane v3, v0;
	_ =	sdelay $0x1  }
0xe4: {  	v3 =	vperm.xlane v3, v2;
	v4 =	vadd.s32 v1, v4;
	_ =	sdelay $0x1  }
0xe5: {  	v3 =	vadd.s32 v1, v3;
	_ =	sdelay $0x1  }
0xe6: {  	s26 =	simm.s32 $0x3300  }
0xe7: {  	[tilespmem:s26], [sflag:$0x1] =	stream.indirect_vreg.gather [hbm4b:s3+s2], $0x80, v4, vm0, $0xb8;
	[tilespmem:$0x12300] =	vst v63  }
0xe8: {  	s28 =	simm.s32 $0x3B00  }
0xe9: {  	[tilespmem:s28], [sflag:$0x1] =	stream.indirect_vreg.gather [hbm4b:s3+s2], $0x80, v3, vm0, $0xb8;
	[tilespmem:$0x12300] =	vst v63  }
0xea: {  	v3 =	vld [tilespmem:$0x100];
	_ =	sdelay $0x4  }
0xeb: {  	v32 =	vshll.u32 v3, $0x1  }
0xec: {  	v3 =	vand.u32 $0x7, v3;
	v4 =	vand.u32 $0xFFFFFFF0, v32  }
0xed: {  	v3 =	vor.u32 v3, v4  }
0xee: {  	v4 =	vperm.xlane v3, v0;
	_ =	sdelay $0x1  }
0xef: {  	v3 =	vperm.xlane v3, v2;
	v4 =	vadd.s32 v1, v4;
	_ =	sdelay $0x1  }
0xf0: {  	v3 =	vadd.s32 v1, v3;
	_ =	sdelay $0x1  }
0xf1: {  	s28 =	simm.s32 $0x4300  }
0xf2: {  	[tilespmem:s28], [sflag:$0x1] =	stream.indirect_vreg.gather [hbm4b:s3+s2], $0x80, v4, vm0, $0xb8;
	[tilespmem:$0x12300] =	vst v63  }
0xf3: {  	s29 =	simm.s32 $0x4B00  }
0xf4: {  	[tilespmem:s29], [sflag:$0x1] =	stream.indirect_vreg.gather [hbm4b:s3+s2], $0x80, v3, vm0, $0xb8;
	[tilespmem:$0x12300] =	vst v63  }
0xf5: {  	v3 =	vld [tilespmem:$0x110];
	_ =	sdelay $0x4  }
0xf6: {  	v33 =	vshll.u32 v3, $0x1  }
0xf7: {  	v3 =	vand.u32 $0x7, v3;
	v4 =	vand.u32 $0xFFFFFFF0, v33  }
0xf8: {  	v3 =	vor.u32 v3, v4  }
0xf9: {  	v4 =	vperm.xlane v3, v0;
	_ =	sdelay $0x1  }
0xfa: {  	v3 =	vperm.xlane v3, v2;
	v4 =	vadd.s32 v1, v4;
	_ =	sdelay $0x1  }
0xfb: {  	v3 =	vadd.s32 v1, v3;
	_ =	sdelay $0x1  }
0xfc: {  	s29 =	simm.s32 $0x5300  }
0xfd: {  	[tilespmem:s29], [sflag:$0x1] =	stream.indirect_vreg.gather [hbm4b:s3+s2], $0x80, v4, vm0, $0xb8;
	[tilespmem:$0x12300] =	vst v63  }
0xfe: {  	s0 =	simm.s32 $0x5B00  }
0xff: {  	[tilespmem:s0], [sflag:$0x1] =	stream.indirect_vreg.gather [hbm4b:s3+s2], $0x80, v3, vm0, $0xb8;
	[tilespmem:$0x12300] =	vst v63  }
0x100: {  	s17 =	rddreg [dreg:$0x13]  }
0x101: {  	[tilespmem:s20], [sflag:$0x3] =	stream.indirect.gather [hbm4b:s4+s19], $0x80, s17, s19, $0xb8;
	[tilespmem:$0x12300] =	vst v63  }
0x102: {  	_ =	swait.ge [sflag:s12], $0x6000  }
0x103: {  	[sflag:s12] =	ssyncset.done $0x0  }
0x104: {  	[sflag:s12] =	ssyncadd.s32 $0xFFFFA000  }
0x105: {  	_ =	swait.ge [sflag:s13], $0x3000  }
0x106: {  	[sflag:s13] =	ssyncset.done $0x0  }
0x107: {  	s16 =	rddreg [dreg:$0x5];
	[sflag:s13] =	ssyncadd.s32 $0xFFFFD000  }
0x108: {  	[hbm4b:s16+s2] =	stream.linear.scatter [tilespmem:s21], [sflag:$0x6], $0x6000, $0x38;
	[tilespmem:$0x12300] =	vst v63  }
0x109: {  	s17 =	rddreg [dreg:$0x6]  }
0x10a: {  	[hbm4b:s17+s2] =	stream.linear.scatter [tilespmem:s6], [sflag:$0x8], $0x3000, $0x38;
	[tilespmem:$0x12300] =	vst v63  }
0x10b: {  	_ =	swait.ge [sflag:s14], $0x6000  }
0x10c: {  	[sflag:s14] =	ssyncset.done $0x0  }
0x10d: {  	[sflag:s14] =	ssyncadd.s32 $0xFFFFA000  }
0x10e: {  	_ =	swait.ge [sflag:s15], $0x3000  }
0x10f: {  	[sflag:s15] =	ssyncset.done $0x0  }
0x110: {  	[sflag:s15] =	ssyncadd.s32 $0xFFFFD000  }
0x111: {  	v3 =	vld [tilespmem:$0x120];
	_ =	sdelay $0x4  }
0x112: {  	v34 =	vshll.u32 v3, $0x1  }
0x113: {  	v3 =	vand.u32 $0x7, v3;
	v4 =	vand.u32 $0xFFFFFFF0, v34  }
0x114: {  	v3 =	vor.u32 v3, v4  }
0x115: {  	v4 =	vperm.xlane v3, v0;
	_ =	sdelay $0x1  }
0x116: {  	v3 =	vperm.xlane v3, v2;
	v4 =	vadd.s32 v1, v4;
	_ =	sdelay $0x1  }
0x117: {  	v3 =	vadd.s32 v1, v3;
	_ =	sdelay $0x2  }
0x118: {  	[tilespmem:s21], [sflag:$0x2] =	stream.indirect_vreg.gather [hbm4b:s3+s2], $0x80, v4, vm0, $0xb8;
	[tilespmem:$0x12300] =	vst v63  }
0x119: {  	s23 =	simm.s32 $0x6B00  }
0x11a: {  	[tilespmem:s23], [sflag:$0x2] =	stream.indirect_vreg.gather [hbm4b:s3+s2], $0x80, v3, vm0, $0xb8;
	[tilespmem:$0x12300] =	vst v63  }
0x11b: {  	v3 =	vld [tilespmem:$0x130];
	_ =	sdelay $0x4  }
0x11c: {  	v35 =	vshll.u32 v3, $0x1  }
0x11d: {  	v3 =	vand.u32 $0x7, v3;
	v4 =	vand.u32 $0xFFFFFFF0, v35  }
0x11e: {  	v3 =	vor.u32 v3, v4  }
0x11f: {  	v4 =	vperm.xlane v3, v0;
	_ =	sdelay $0x1  }
0x120: {  	v3 =	vperm.xlane v3, v2;
	v4 =	vadd.s32 v1, v4;
	_ =	sdelay $0x1  }
0x121: {  	v3 =	vadd.s32 v1, v3;
	_ =	sdelay $0x1  }
0x122: {  	s23 =	simm.s32 $0x7300  }
0x123: {  	[tilespmem:s23], [sflag:$0x2] =	stream.indirect_vreg.gather [hbm4b:s3+s2], $0x80, v4, vm0, $0xb8;
	[tilespmem:$0x12300] =	vst v63  }
0x124: {  	s24 =	simm.s32 $0x7B00  }
0x125: {  	[tilespmem:s24], [sflag:$0x2] =	stream.indirect_vreg.gather [hbm4b:s3+s2], $0x80, v3, vm0, $0xb8;
	[tilespmem:$0x12300] =	vst v63  }
0x126: {  	v3 =	vld [tilespmem:$0x140];
	_ =	sdelay $0x4  }
0x127: {  	v36 =	vshll.u32 v3, $0x1  }
0x128: {  	v3 =	vand.u32 $0x7, v3;
	v4 =	vand.u32 $0xFFFFFFF0, v36  }
0x129: {  	v3 =	vor.u32 v3, v4  }
0x12a: {  	v4 =	vperm.xlane v3, v0;
	_ =	sdelay $0x1  }
0x12b: {  	v3 =	vperm.xlane v3, v2;
	v4 =	vadd.s32 v1, v4;
	_ =	sdelay $0x1  }
0x12c: {  	v3 =	vadd.s32 v1, v3;
	_ =	sdelay $0x1  }
0x12d: {  	s31 =	simm.s32 $0x8300  }
0x12e: {  	[tilespmem:s31], [sflag:$0x2] =	stream.indirect_vreg.gather [hbm4b:s3+s2], $0x80, v4, vm0, $0xb8;
	[tilespmem:$0x12300] =	vst v63  }
0x12f: {  	s25 =	simm.s32 $0x8B00  }
0x130: {  	[tilespmem:s25], [sflag:$0x2] =	stream.indirect_vreg.gather [hbm4b:s3+s2], $0x80, v3, vm0, $0xb8;
	[tilespmem:$0x12300] =	vst v63  }
0x131: {  	v3 =	vld [tilespmem:$0x150];
	_ =	sdelay $0x4  }
0x132: {  	v37 =	vshll.u32 v3, $0x1  }
0x133: {  	v3 =	vand.u32 $0x7, v3;
	v4 =	vand.u32 $0xFFFFFFF0, v37  }
0x134: {  	v3 =	vor.u32 v3, v4  }
0x135: {  	v4 =	vperm.xlane v3, v0;
	_ =	sdelay $0x1  }
0x136: {  	v3 =	vperm.xlane v3, v2;
	v4 =	vadd.s32 v1, v4;
	_ =	sdelay $0x1  }
0x137: {  	v3 =	vadd.s32 v1, v3;
	_ =	sdelay $0x1  }
0x138: {  	s31 =	simm.s32 $0x9300  }
0x139: {  	[tilespmem:s31], [sflag:$0x2] =	stream.indirect_vreg.gather [hbm4b:s3+s2], $0x80, v4, vm0, $0xb8;
	[tilespmem:$0x12300] =	vst v63  }
0x13a: {  	s18 =	simm.s32 $0x9B00  }
0x13b: {  	[tilespmem:s18], [sflag:$0x2] =	stream.indirect_vreg.gather [hbm4b:s3+s2], $0x80, v3, vm0, $0xb8;
	[tilespmem:$0x12300] =	vst v63  }
0x13c: {  	v3 =	vld [tilespmem:$0x160];
	_ =	sdelay $0x4  }
0x13d: {  	v38 =	vshll.u32 v3, $0x1  }
0x13e: {  	v3 =	vand.u32 $0x7, v3;
	v4 =	vand.u32 $0xFFFFFFF0, v38  }
0x13f: {  	v3 =	vor.u32 v3, v4  }
0x140: {  	v4 =	vperm.xlane v3, v0;
	_ =	sdelay $0x1  }
0x141: {  	v3 =	vperm.xlane v3, v2;
	v4 =	vadd.s32 v1, v4;
	_ =	sdelay $0x1  }
0x142: {  	v3 =	vadd.s32 v1, v3;
	_ =	sdelay $0x1  }
0x143: {  	s17 =	simm.s32 $0xA300  }
0x144: {  	[tilespmem:s17], [sflag:$0x2] =	stream.indirect_vreg.gather [hbm4b:s3+s2], $0x80, v4, vm0, $0xb8;
	[tilespmem:$0x12300] =	vst v63  }
0x145: {  	s22 =	simm.s32 $0xAB00  }
0x146: {  	[tilespmem:s22], [sflag:$0x2] =	stream.indirect_vreg.gather [hbm4b:s3+s2], $0x80, v3, vm0, $0xb8;
	[tilespmem:$0x12300] =	vst v63  }
0x147: {  	v3 =	vld [tilespmem:$0x170];
	_ =	sdelay $0x4  }
0x148: {  	v39 =	vshll.u32 v3, $0x1  }
0x149: {  	v3 =	vand.u32 $0x7, v3;
	v4 =	vand.u32 $0xFFFFFFF0, v39  }
0x14a: {  	v3 =	vor.u32 v3, v4  }
0x14b: {  	v4 =	vperm.xlane v3, v0;
	_ =	sdelay $0x1  }
0x14c: {  	v3 =	vperm.xlane v3, v2;
	v4 =	vadd.s32 v1, v4;
	_ =	sdelay $0x1  }
0x14d: {  	v3 =	vadd.s32 v1, v3;
	_ =	sdelay $0x1  }
0x14e: {  	s18 =	simm.s32 $0xB300  }
0x14f: {  	[tilespmem:s18], [sflag:$0x2] =	stream.indirect_vreg.gather [hbm4b:s3+s2], $0x80, v4, vm0, $0xb8;
	[tilespmem:$0x12300] =	vst v63  }
0x150: {  	s22 =	simm.s32 $0xBB00  }
0x151: {  	[tilespmem:s22], [sflag:$0x2] =	stream.indirect_vreg.gather [hbm4b:s3+s2], $0x80, v3, vm0, $0xb8;
	[tilespmem:$0x12300] =	vst v63  }
0x152: {  	s16 =	rddreg [dreg:$0x14]  }
0x153: {  	[tilespmem:s6], [sflag:$0x4] =	stream.indirect.gather [hbm4b:s4+s19], $0x80, s16, s19, $0xb8;
	[tilespmem:$0x12300] =	vst v63  }
0x154: {  	_ =	swait.ge [sflag:s8], $0x6000  }
0x155: {  	[sflag:s8] =	ssyncset.done $0x0  }
0x156: {  	[sflag:s8] =	ssyncadd.s32 $0xFFFFA000  }
0x157: {  	_ =	swait.ge [sflag:s9], $0x3000  }
0x158: {  	[sflag:s9] =	ssyncset.done $0x0  }
0x159: {  	s17 =	rddreg [dreg:$0x7];
	[sflag:s9] =	ssyncadd.s32 $0xFFFFD000  }
0x15a: {  	[hbm4b:s17+s2] =	stream.linear.scatter [tilespmem:s30], [sflag:$0x5], $0x6000, $0x38;
	[tilespmem:$0x12300] =	vst v63  }
0x15b: {  	s22 =	rddreg [dreg:$0x8]  }
0x15c: {  	[hbm4b:s22+s2] =	stream.linear.scatter [tilespmem:s20], [sflag:$0x7], $0x3000, $0x38;
	[tilespmem:$0x12300] =	vst v63  }
0x15d: {  	_ =	swait.ge [sflag:s10], $0x6000  }
0x15e: {  	[sflag:s10] =	ssyncset.done $0x0  }
0x15f: {  	[sflag:s10] =	ssyncadd.s32 $0xFFFFA000  }
0x160: {  	_ =	swait.ge [sflag:s11], $0x3000  }
0x161: {  	[sflag:s11] =	ssyncset.done $0x0  }
0x162: {  	[sflag:s11] =	ssyncadd.s32 $0xFFFFD000  }
0x163: {  	v3 =	vld [tilespmem:$0x180];
	_ =	sdelay $0x4  }
0x164: {  	v40 =	vshll.u32 v3, $0x1  }
0x165: {  	v3 =	vand.u32 $0x7, v3;
	v4 =	vand.u32 $0xFFFFFFF0, v40  }
0x166: {  	v3 =	vor.u32 v3, v4  }
0x167: {  	v4 =	vperm.xlane v3, v0;
	_ =	sdelay $0x1  }
0x168: {  	v3 =	vperm.xlane v3, v2;
	v4 =	vadd.s32 v1, v4;
	_ =	sdelay $0x1  }
0x169: {  	v3 =	vadd.s32 v1, v3;
	_ =	sdelay $0x2  }
0x16a: {  	[tilespmem:s30], [sflag:$0x1] =	stream.indirect_vreg.gather [hbm4b:s3+s2], $0x80, v4, vm0, $0xb8;
	[tilespmem:$0x12300] =	vst v63  }
0x16b: {  	s17 =	simm.s32 $0xB00  }
0x16c: {  	[tilespmem:s17], [sflag:$0x1] =	stream.indirect_vreg.gather [hbm4b:s3+s2], $0x80, v3, vm0, $0xb8;
	[tilespmem:$0x12300] =	vst v63  }
0x16d: {  	v3 =	vld [tilespmem:$0x190];
	_ =	sdelay $0x4  }
0x16e: {  	v41 =	vshll.u32 v3, $0x1  }
0x16f: {  	v3 =	vand.u32 $0x7, v3;
	v4 =	vand.u32 $0xFFFFFFF0, v41  }
0x170: {  	v3 =	vor.u32 v3, v4  }
0x171: {  	v4 =	vperm.xlane v3, v0;
	_ =	sdelay $0x1  }
0x172: {  	v3 =	vperm.xlane v3, v2;
	v4 =	vadd.s32 v1, v4;
	_ =	sdelay $0x1  }
0x173: {  	v3 =	vadd.s32 v1, v3;
	_ =	sdelay $0x2  }
0x174: {  	[tilespmem:s1], [sflag:$0x1] =	stream.indirect_vreg.gather [hbm4b:s3+s2], $0x80, v4, vm0, $0xb8;
	[tilespmem:$0x12300] =	vst v63  }
0x175: {  	s22 =	simm.s32 $0x1B00  }
0x176: {  	[tilespmem:s22], [sflag:$0x1] =	stream.indirect_vreg.gather [hbm4b:s3+s2], $0x80, v3, vm0, $0xb8;
	[tilespmem:$0x12300] =	vst v63  }
0x177: {  	v3 =	vld [tilespmem:$0x1A0];
	_ =	sdelay $0x4  }
0x178: {  	v42 =	vshll.u32 v3, $0x1  }
0x179: {  	v3 =	vand.u32 $0x7, v3;
	v4 =	vand.u32 $0xFFFFFFF0, v42  }
0x17a: {  	v3 =	vor.u32 v3, v4  }
0x17b: {  	v4 =	vperm.xlane v3, v0;
	_ =	sdelay $0x1  }
0x17c: {  	v3 =	vperm.xlane v3, v2;
	v4 =	vadd.s32 v1, v4;
	_ =	sdelay $0x1  }
0x17d: {  	v3 =	vadd.s32 v1, v3;
	_ =	sdelay $0x2  }
0x17e: {  	[tilespmem:s7], [sflag:$0x1] =	stream.indirect_vreg.gather [hbm4b:s3+s2], $0x80, v4, vm0, $0xb8;
	[tilespmem:$0x12300] =	vst v63  }
0x17f: {  	s17 =	simm.s32 $0x2B00  }
0x180: {  	[tilespmem:s17], [sflag:$0x1] =	stream.indirect_vreg.gather [hbm4b:s3+s2], $0x80, v3, vm0, $0xb8;
	[tilespmem:$0x12300] =	vst v63  }
0x181: {  	v3 =	vld [tilespmem:$0x1B0];
	_ =	sdelay $0x4  }
0x182: {  	v43 =	vshll.u32 v3, $0x1  }
0x183: {  	v3 =	vand.u32 $0x7, v3;
	v4 =	vand.u32 $0xFFFFFFF0, v43  }
0x184: {  	v3 =	vor.u32 v3, v4  }
0x185: {  	v4 =	vperm.xlane v3, v0;
	_ =	sdelay $0x1  }
0x186: {  	v3 =	vperm.xlane v3, v2;
	v4 =	vadd.s32 v1, v4;
	_ =	sdelay $0x1  }
0x187: {  	v3 =	vadd.s32 v1, v3;
	_ =	sdelay $0x2  }
0x188: {  	[tilespmem:s26], [sflag:$0x1] =	stream.indirect_vreg.gather [hbm4b:s3+s2], $0x80, v4, vm0, $0xb8;
	[tilespmem:$0x12300] =	vst v63  }
0x189: {  	s22 =	simm.s32 $0x3B00  }
0x18a: {  	[tilespmem:s22], [sflag:$0x1] =	stream.indirect_vreg.gather [hbm4b:s3+s2], $0x80, v3, vm0, $0xb8;
	[tilespmem:$0x12300] =	vst v63  }
0x18b: {  	v3 =	vld [tilespmem:$0x1C0];
	_ =	sdelay $0x4  }
0x18c: {  	v44 =	vshll.u32 v3, $0x1  }
0x18d: {  	v3 =	vand.u32 $0x7, v3;
	v4 =	vand.u32 $0xFFFFFFF0, v44  }
0x18e: {  	v3 =	vor.u32 v3, v4  }
0x18f: {  	v4 =	vperm.xlane v3, v0;
	_ =	sdelay $0x1  }
0x190: {  	v3 =	vperm.xlane v3, v2;
	v4 =	vadd.s32 v1, v4;
	_ =	sdelay $0x1  }
0x191: {  	v3 =	vadd.s32 v1, v3;
	_ =	sdelay $0x2  }
0x192: {  	[tilespmem:s28], [sflag:$0x1] =	stream.indirect_vreg.gather [hbm4b:s3+s2], $0x80, v4, vm0, $0xb8;
	[tilespmem:$0x12300] =	vst v63  }
0x193: {  	s17 =	simm.s32 $0x4B00  }
0x194: {  	[tilespmem:s17], [sflag:$0x1] =	stream.indirect_vreg.gather [hbm4b:s3+s2], $0x80, v3, vm0, $0xb8;
	[tilespmem:$0x12300] =	vst v63  }
0x195: {  	v3 =	vld [tilespmem:$0x1D0];
	_ =	sdelay $0x4  }
0x196: {  	v45 =	vshll.u32 v3, $0x1  }
0x197: {  	v3 =	vand.u32 $0x7, v3;
	v4 =	vand.u32 $0xFFFFFFF0, v45  }
0x198: {  	v3 =	vor.u32 v3, v4  }
0x199: {  	v4 =	vperm.xlane v3, v0;
	_ =	sdelay $0x1  }
0x19a: {  	v3 =	vperm.xlane v3, v2;
	v4 =	vadd.s32 v1, v4;
	_ =	sdelay $0x1  }
0x19b: {  	v3 =	vadd.s32 v1, v3;
	_ =	sdelay $0x2  }
0x19c: {  	[tilespmem:s29], [sflag:$0x1] =	stream.indirect_vreg.gather [hbm4b:s3+s2], $0x80, v4, vm0, $0xb8;
	[tilespmem:$0x12300] =	vst v63  }
0x19d: {  	_ = 	snop  }
0x19e: {  	[tilespmem:s0], [sflag:$0x1] =	stream.indirect_vreg.gather [hbm4b:s3+s2], $0x80, v3, vm0, $0xb8;
	[tilespmem:$0x12300] =	vst v63  }
0x19f: {  	s22 =	rddreg [dreg:$0x15]  }
0x1a0: {  	[tilespmem:s20], [sflag:$0x3] =	stream.indirect.gather [hbm4b:s4+s19], $0x80, s22, s19, $0xb8;
	[tilespmem:$0x12300] =	vst v63  }
0x1a1: {  	_ =	swait.ge [sflag:s12], $0x6000  }
0x1a2: {  	[sflag:s12] =	ssyncset.done $0x0  }
0x1a3: {  	[sflag:s12] =	ssyncadd.s32 $0xFFFFA000  }
0x1a4: {  	_ =	swait.ge [sflag:s13], $0x3000  }
0x1a5: {  	[sflag:s13] =	ssyncset.done $0x0  }
0x1a6: {  	s17 =	rddreg [dreg:$0x9];
	[sflag:s13] =	ssyncadd.s32 $0xFFFFD000  }
0x1a7: {  	[hbm4b:s17+s2] =	stream.linear.scatter [tilespmem:s21], [sflag:$0x6], $0x6000, $0x38;
	[tilespmem:$0x12300] =	vst v63  }
0x1a8: {  	s22 =	rddreg [dreg:$0xa]  }
0x1a9: {  	[hbm4b:s22+s2] =	stream.linear.scatter [tilespmem:s6], [sflag:$0x8], $0x3000, $0x38;
	[tilespmem:$0x12300] =	vst v63  }
0x1aa: {  	_ =	swait.ge [sflag:s14], $0x6000  }
0x1ab: {  	[sflag:s14] =	ssyncset.done $0x0  }
0x1ac: {  	[sflag:s14] =	ssyncadd.s32 $0xFFFFA000  }
0x1ad: {  	_ =	swait.ge [sflag:s15], $0x3000  }
0x1ae: {  	[sflag:s15] =	ssyncset.done $0x0  }
0x1af: {  	[sflag:s15] =	ssyncadd.s32 $0xFFFFD000  }
0x1b0: {  	v3 =	vld [tilespmem:$0x1E0];
	_ =	sdelay $0x4  }
0x1b1: {  	v46 =	vshll.u32 v3, $0x1  }
0x1b2: {  	v3 =	vand.u32 $0x7, v3;
	v4 =	vand.u32 $0xFFFFFFF0, v46  }
0x1b3: {  	v3 =	vor.u32 v3, v4  }
0x1b4: {  	v4 =	vperm.xlane v3, v0;
	_ =	sdelay $0x1  }
0x1b5: {  	v3 =	vperm.xlane v3, v2;
	v4 =	vadd.s32 v1, v4;
	_ =	sdelay $0x1  }
0x1b6: {  	v3 =	vadd.s32 v1, v3;
	_ =	sdelay $0x2  }
0x1b7: {  	[tilespmem:s21], [sflag:$0x2] =	stream.indirect_vreg.gather [hbm4b:s3+s2], $0x80, v4, vm0, $0xb8;
	[tilespmem:$0x12300] =	vst v63  }
0x1b8: {  	s22 =	simm.s32 $0x6B00  }
0x1b9: {  	[tilespmem:s22], [sflag:$0x2] =	stream.indirect_vreg.gather [hbm4b:s3+s2], $0x80, v3, vm0, $0xb8;
	[tilespmem:$0x12300] =	vst v63  }
0x1ba: {  	v3 =	vld [tilespmem:$0x1F0];
	_ =	sdelay $0x4  }
0x1bb: {  	v47 =	vshll.u32 v3, $0x1  }
0x1bc: {  	v3 =	vand.u32 $0x7, v3;
	v4 =	vand.u32 $0xFFFFFFF0, v47  }
0x1bd: {  	v3 =	vor.u32 v3, v4  }
0x1be: {  	v4 =	vperm.xlane v3, v0;
	_ =	sdelay $0x1  }
0x1bf: {  	v3 =	vperm.xlane v3, v2;
	v4 =	vadd.s32 v1, v4;
	_ =	sdelay $0x1  }
0x1c0: {  	v3 =	vadd.s32 v1, v3;
	_ =	sdelay $0x1  }
0x1c1: {  	s23 =	simm.s32 $0x7300  }
0x1c2: {  	[tilespmem:s23], [sflag:$0x2] =	stream.indirect_vreg.gather [hbm4b:s3+s2], $0x80, v4, vm0, $0xb8;
	[tilespmem:$0x12300] =	vst v63  }
0x1c3: {  	s23 =	simm.s32 $0x7B00  }
0x1c4: {  	[tilespmem:s23], [sflag:$0x2] =	stream.indirect_vreg.gather [hbm4b:s3+s2], $0x80, v3, vm0, $0xb8;
	[tilespmem:$0x12300] =	vst v63  }
0x1c5: {  	v3 =	vld [tilespmem:$0x200];
	_ =	sdelay $0x4  }
0x1c6: {  	v48 =	vshll.u32 v3, $0x1  }
0x1c7: {  	v3 =	vand.u32 $0x7, v3;
	v4 =	vand.u32 $0xFFFFFFF0, v48  }
0x1c8: {  	v3 =	vor.u32 v3, v4  }
0x1c9: {  	v4 =	vperm.xlane v3, v0;
	_ =	sdelay $0x1  }
0x1ca: {  	v3 =	vperm.xlane v3, v2;
	v4 =	vadd.s32 v1, v4;
	_ =	sdelay $0x1  }
0x1cb: {  	v3 =	vadd.s32 v1, v3;
	_ =	sdelay $0x1  }
0x1cc: {  	s24 =	simm.s32 $0x8300  }
0x1cd: {  	[tilespmem:s24], [sflag:$0x2] =	stream.indirect_vreg.gather [hbm4b:s3+s2], $0x80, v4, vm0, $0xb8;
	[tilespmem:$0x12300] =	vst v63  }
0x1ce: {  	s24 =	simm.s32 $0x8B00  }
0x1cf: {  	[tilespmem:s24], [sflag:$0x2] =	stream.indirect_vreg.gather [hbm4b:s3+s2], $0x80, v3, vm0, $0xb8;
	[tilespmem:$0x12300] =	vst v63  }
0x1d0: {  	v3 =	vld [tilespmem:$0x210];
	_ =	sdelay $0x4  }
0x1d1: {  	v49 =	vshll.u32 v3, $0x1  }
0x1d2: {  	v3 =	vand.u32 $0x7, v3;
	v4 =	vand.u32 $0xFFFFFFF0, v49  }
0x1d3: {  	v3 =	vor.u32 v3, v4  }
0x1d4: {  	v4 =	vperm.xlane v3, v0;
	_ =	sdelay $0x1  }
0x1d5: {  	v3 =	vperm.xlane v3, v2;
	v4 =	vadd.s32 v1, v4;
	_ =	sdelay $0x1  }
0x1d6: {  	v3 =	vadd.s32 v1, v3;
	_ =	sdelay $0x1  }
0x1d7: {  	s25 =	simm.s32 $0x9300  }
0x1d8: {  	[tilespmem:s25], [sflag:$0x2] =	stream.indirect_vreg.gather [hbm4b:s3+s2], $0x80, v4, vm0, $0xb8;
	[tilespmem:$0x12300] =	vst v63  }
0x1d9: {  	s25 =	simm.s32 $0x9B00  }
0x1da: {  	[tilespmem:s25], [sflag:$0x2] =	stream.indirect_vreg.gather [hbm4b:s3+s2], $0x80, v3, vm0, $0xb8;
	[tilespmem:$0x12300] =	vst v63  }
0x1db: {  	v3 =	vld [tilespmem:$0x220];
	_ =	sdelay $0x4  }
0x1dc: {  	v50 =	vshll.u32 v3, $0x1  }
0x1dd: {  	v3 =	vand.u32 $0x7, v3;
	v4 =	vand.u32 $0xFFFFFFF0, v50  }
0x1de: {  	v3 =	vor.u32 v3, v4  }
0x1df: {  	v4 =	vperm.xlane v3, v0;
	_ =	sdelay $0x1  }
0x1e0: {  	v3 =	vperm.xlane v3, v2;
	v4 =	vadd.s32 v1, v4;
	_ =	sdelay $0x1  }
0x1e1: {  	v3 =	vadd.s32 v1, v3;
	_ =	sdelay $0x1  }
0x1e2: {  	s31 =	simm.s32 $0xA300  }
0x1e3: {  	[tilespmem:s31], [sflag:$0x2] =	stream.indirect_vreg.gather [hbm4b:s3+s2], $0x80, v4, vm0, $0xb8;
	[tilespmem:$0x12300] =	vst v63  }
0x1e4: {  	s17 =	simm.s32 $0xAB00  }
0x1e5: {  	[tilespmem:s17], [sflag:$0x2] =	stream.indirect_vreg.gather [hbm4b:s3+s2], $0x80, v3, vm0, $0xb8;
	[tilespmem:$0x12300] =	vst v63  }
0x1e6: {  	v3 =	vld [tilespmem:$0x230];
	_ =	sdelay $0x4  }
0x1e7: {  	v51 =	vshll.u32 v3, $0x1  }
0x1e8: {  	v3 =	vand.u32 $0x7, v3;
	v4 =	vand.u32 $0xFFFFFFF0, v51  }
0x1e9: {  	v3 =	vor.u32 v3, v4  }
0x1ea: {  	v4 =	vperm.xlane v3, v0;
	_ =	sdelay $0x1  }
0x1eb: {  	v3 =	vperm.xlane v3, v2;
	v4 =	vadd.s32 v1, v4;
	_ =	sdelay $0x1  }
0x1ec: {  	v3 =	vadd.s32 v1, v3;
	_ =	sdelay $0x1  }
0x1ed: {  	s31 =	simm.s32 $0xB300  }
0x1ee: {  	[tilespmem:s31], [sflag:$0x2] =	stream.indirect_vreg.gather [hbm4b:s3+s2], $0x80, v4, vm0, $0xb8;
	[tilespmem:$0x12300] =	vst v63  }
0x1ef: {  	s18 =	simm.s32 $0xBB00  }
0x1f0: {  	[tilespmem:s18], [sflag:$0x2] =	stream.indirect_vreg.gather [hbm4b:s3+s2], $0x80, v3, vm0, $0xb8;
	[tilespmem:$0x12300] =	vst v63  }
0x1f1: {  	s17 =	rddreg [dreg:$0x16]  }
0x1f2: {  	[tilespmem:s6], [sflag:$0x4] =	stream.indirect.gather [hbm4b:s4+s19], $0x80, s17, s19, $0xb8;
	[tilespmem:$0x12300] =	vst v63  }
0x1f3: {  	_ =	swait.ge [sflag:s8], $0x6000  }
0x1f4: {  	[sflag:s8] =	ssyncset.done $0x0  }
0x1f5: {  	[sflag:s8] =	ssyncadd.s32 $0xFFFFA000  }
0x1f6: {  	_ =	swait.ge [sflag:s9], $0x3000  }
0x1f7: {  	[sflag:s9] =	ssyncset.done $0x0  }
0x1f8: {  	s16 =	rddreg [dreg:$0xb];
	[sflag:s9] =	ssyncadd.s32 $0xFFFFD000  }
0x1f9: {  	[hbm4b:s16+s2] =	stream.linear.scatter [tilespmem:s30], [sflag:$0x5], $0x6000, $0x38;
	[tilespmem:$0x12300] =	vst v63  }
0x1fa: {  	s17 =	rddreg [dreg:$0xc]  }
0x1fb: {  	[hbm4b:s17+s2] =	stream.linear.scatter [tilespmem:s20], [sflag:$0x7], $0x3000, $0x38;
	[tilespmem:$0x12300] =	vst v63  }
0x1fc: {  	_ =	swait.ge [sflag:s10], $0x6000  }
0x1fd: {  	[sflag:s10] =	ssyncset.done $0x0  }
0x1fe: {  	[sflag:s10] =	ssyncadd.s32 $0xFFFFA000  }
0x1ff: {  	_ =	swait.ge [sflag:s11], $0x3000  }
0x200: {  	[sflag:s11] =	ssyncset.done $0x0  }
0x201: {  	[sflag:s11] =	ssyncadd.s32 $0xFFFFD000  }
0x202: {  	v3 =	vld [tilespmem:$0x240];
	_ =	sdelay $0x4  }
0x203: {  	v52 =	vshll.u32 v3, $0x1  }
0x204: {  	v3 =	vand.u32 $0x7, v3;
	v4 =	vand.u32 $0xFFFFFFF0, v52  }
0x205: {  	v3 =	vor.u32 v3, v4  }
0x206: {  	v4 =	vperm.xlane v3, v0;
	_ =	sdelay $0x1  }
0x207: {  	v3 =	vperm.xlane v3, v2;
	v4 =	vadd.s32 v1, v4;
	_ =	sdelay $0x1  }
0x208: {  	v3 =	vadd.s32 v1, v3;
	_ =	sdelay $0x2  }
0x209: {  	[tilespmem:s30], [sflag:$0x1] =	stream.indirect_vreg.gather [hbm4b:s3+s2], $0x80, v4, vm0, $0xb8;
	[tilespmem:$0x12300] =	vst v63  }
0x20a: {  	s17 =	simm.s32 $0xB00  }
0x20b: {  	[tilespmem:s17], [sflag:$0x1] =	stream.indirect_vreg.gather [hbm4b:s3+s2], $0x80, v3, vm0, $0xb8;
	[tilespmem:$0x12300] =	vst v63  }
0x20c: {  	v3 =	vld [tilespmem:$0x250];
	_ =	sdelay $0x4  }
0x20d: {  	v53 =	vshll.u32 v3, $0x1  }
0x20e: {  	v3 =	vand.u32 $0x7, v3;
	v4 =	vand.u32 $0xFFFFFFF0, v53  }
0x20f: {  	v3 =	vor.u32 v3, v4  }
0x210: {  	v4 =	vperm.xlane v3, v0;
	_ =	sdelay $0x1  }
0x211: {  	v3 =	vperm.xlane v3, v2;
	v4 =	vadd.s32 v1, v4;
	_ =	sdelay $0x1  }
0x212: {  	v3 =	vadd.s32 v1, v3;
	_ =	sdelay $0x1  }
0x213: {  	s1 =	simm.s32 $0x1300  }
0x214: {  	[tilespmem:s1], [sflag:$0x1] =	stream.indirect_vreg.gather [hbm4b:s3+s2], $0x80, v4, vm0, $0xb8;
	[tilespmem:$0x12300] =	vst v63  }
0x215: {  	s16 =	simm.s32 $0x1B00  }
0x216: {  	[tilespmem:s16], [sflag:$0x1] =	stream.indirect_vreg.gather [hbm4b:s3+s2], $0x80, v3, vm0, $0xb8;
	[tilespmem:$0x12300] =	vst v63  }
0x217: {  	v3 =	vld [tilespmem:$0x260];
	_ =	sdelay $0x4  }
0x218: {  	v54 =	vshll.u32 v3, $0x1  }
0x219: {  	v3 =	vand.u32 $0x7, v3;
	v4 =	vand.u32 $0xFFFFFFF0, v54  }
0x21a: {  	v3 =	vor.u32 v3, v4  }
0x21b: {  	v4 =	vperm.xlane v3, v0;
	_ =	sdelay $0x1  }
0x21c: {  	v3 =	vperm.xlane v3, v2;
	v4 =	vadd.s32 v1, v4;
	_ =	sdelay $0x1  }
0x21d: {  	v3 =	vadd.s32 v1, v3;
	_ =	sdelay $0x1  }
0x21e: {  	s7 =	simm.s32 $0x2300  }
0x21f: {  	[tilespmem:s7], [sflag:$0x1] =	stream.indirect_vreg.gather [hbm4b:s3+s2], $0x80, v4, vm0, $0xb8;
	[tilespmem:$0x12300] =	vst v63  }
0x220: {  	s17 =	simm.s32 $0x2B00  }
0x221: {  	[tilespmem:s17], [sflag:$0x1] =	stream.indirect_vreg.gather [hbm4b:s3+s2], $0x80, v3, vm0, $0xb8;
	[tilespmem:$0x12300] =	vst v63  }
0x222: {  	v3 =	vld [tilespmem:$0x270];
	_ =	sdelay $0x4  }
0x223: {  	v55 =	vshll.u32 v3, $0x1  }
0x224: {  	v3 =	vand.u32 $0x7, v3;
	v4 =	vand.u32 $0xFFFFFFF0, v55  }
0x225: {  	v3 =	vor.u32 v3, v4  }
0x226: {  	v4 =	vperm.xlane v3, v0;
	_ =	sdelay $0x1  }
0x227: {  	v3 =	vperm.xlane v3, v2;
	v4 =	vadd.s32 v1, v4;
	_ =	sdelay $0x1  }
0x228: {  	v3 =	vadd.s32 v1, v3;
	_ =	sdelay $0x1  }
0x229: {  	s26 =	simm.s32 $0x3300  }
0x22a: {  	[tilespmem:s26], [sflag:$0x1] =	stream.indirect_vreg.gather [hbm4b:s3+s2], $0x80, v4, vm0, $0xb8;
	[tilespmem:$0x12300] =	vst v63  }
0x22b: {  	s26 =	simm.s32 $0x3B00  }
0x22c: {  	[tilespmem:s26], [sflag:$0x1] =	stream.indirect_vreg.gather [hbm4b:s3+s2], $0x80, v3, vm0, $0xb8;
	[tilespmem:$0x12300] =	vst v63  }
0x22d: {  	v3 =	vld [tilespmem:$0x280];
	_ =	sdelay $0x4  }
0x22e: {  	v56 =	vshll.u32 v3, $0x1  }
0x22f: {  	v3 =	vand.u32 $0x7, v3;
	v4 =	vand.u32 $0xFFFFFFF0, v56  }
0x230: {  	v3 =	vor.u32 v3, v4  }
0x231: {  	v4 =	vperm.xlane v3, v0;
	_ =	sdelay $0x1  }
0x232: {  	v3 =	vperm.xlane v3, v2;
	v4 =	vadd.s32 v1, v4;
	_ =	sdelay $0x1  }
0x233: {  	v3 =	vadd.s32 v1, v3;
	_ =	sdelay $0x1  }
0x234: {  	s28 =	simm.s32 $0x4300  }
0x235: {  	[tilespmem:s28], [sflag:$0x1] =	stream.indirect_vreg.gather [hbm4b:s3+s2], $0x80, v4, vm0, $0xb8;
	[tilespmem:$0x12300] =	vst v63  }
0x236: {  	s28 =	simm.s32 $0x4B00  }
0x237: {  	[tilespmem:s28], [sflag:$0x1] =	stream.indirect_vreg.gather [hbm4b:s3+s2], $0x80, v3, vm0, $0xb8;
	[tilespmem:$0x12300] =	vst v63  }
0x238: {  	v3 =	vld [tilespmem:$0x290];
	_ =	sdelay $0x4  }
0x239: {  	v57 =	vshll.u32 v3, $0x1  }
0x23a: {  	v3 =	vand.u32 $0x7, v3;
	v4 =	vand.u32 $0xFFFFFFF0, v57  }
0x23b: {  	v3 =	vor.u32 v3, v4  }
0x23c: {  	v4 =	vperm.xlane v3, v0;
	_ =	sdelay $0x1  }
0x23d: {  	v3 =	vperm.xlane v3, v2;
	v4 =	vadd.s32 v1, v4;
	_ =	sdelay $0x1  }
0x23e: {  	v3 =	vadd.s32 v1, v3;
	_ =	sdelay $0x1  }
0x23f: {  	s29 =	simm.s32 $0x5300  }
0x240: {  	[tilespmem:s29], [sflag:$0x1] =	stream.indirect_vreg.gather [hbm4b:s3+s2], $0x80, v4, vm0, $0xb8;
	[tilespmem:$0x12300] =	vst v63  }
0x241: {  	s0 =	simm.s32 $0x5B00  }
0x242: {  	[tilespmem:s0], [sflag:$0x1] =	stream.indirect_vreg.gather [hbm4b:s3+s2], $0x80, v3, vm0, $0xb8;
	[tilespmem:$0x12300] =	vst v63  }
0x243: {  	s29 =	rddreg [dreg:$0x17]  }
0x244: {  	[tilespmem:s20], [sflag:$0x3] =	stream.indirect.gather [hbm4b:s4+s19], $0x80, s29, s19, $0xb8;
	[tilespmem:$0x12300] =	vst v63  }
0x245: {  	_ =	swait.ge [sflag:s12], $0x6000  }
0x246: {  	[sflag:s12] =	ssyncset.done $0x0  }
0x247: {  	[sflag:s12] =	ssyncadd.s32 $0xFFFFA000  }
0x248: {  	_ =	swait.ge [sflag:s13], $0x3000  }
0x249: {  	[sflag:s13] =	ssyncset.done $0x0  }
0x24a: {  	s1 =	rddreg [dreg:$0xd];
	[sflag:s13] =	ssyncadd.s32 $0xFFFFD000  }
0x24b: {  	[hbm4b:s1+s2] =	stream.linear.scatter [tilespmem:s21], [sflag:$0x6], $0x6000, $0x38;
	[tilespmem:$0x12300] =	vst v63  }
0x24c: {  	s7 =	rddreg [dreg:$0xe]  }
0x24d: {  	[hbm4b:s7+s2] =	stream.linear.scatter [tilespmem:s6], [sflag:$0x8], $0x3000, $0x38;
	[tilespmem:$0x12300] =	vst v63  }
0x24e: {  	_ =	swait.ge [sflag:s14], $0x6000  }
0x24f: {  	[sflag:s14] =	ssyncset.done $0x0  }
0x250: {  	[sflag:s14] =	ssyncadd.s32 $0xFFFFA000  }
0x251: {  	_ =	swait.ge [sflag:s15], $0x3000  }
0x252: {  	[sflag:s15] =	ssyncset.done $0x0  }
0x253: {  	[sflag:s15] =	ssyncadd.s32 $0xFFFFD000  }
0x254: {  	v3 =	vld [tilespmem:$0x2A0];
	_ =	sdelay $0x4  }
0x255: {  	v58 =	vshll.u32 v3, $0x1  }
0x256: {  	v3 =	vand.u32 $0x7, v3;
	v4 =	vand.u32 $0xFFFFFFF0, v58  }
0x257: {  	v3 =	vor.u32 v3, v4  }
0x258: {  	v4 =	vperm.xlane v3, v0;
	_ =	sdelay $0x1  }
0x259: {  	v3 =	vperm.xlane v3, v2;
	v4 =	vadd.s32 v1, v4;
	_ =	sdelay $0x1  }
0x25a: {  	v3 =	vadd.s32 v1, v3;
	_ =	sdelay $0x2  }
0x25b: {  	[tilespmem:s21], [sflag:$0x2] =	stream.indirect_vreg.gather [hbm4b:s3+s2], $0x80, v4, vm0, $0xb8;
	[tilespmem:$0x12300] =	vst v63  }
0x25c: {  	s16 =	simm.s32 $0x6B00  }
0x25d: {  	[tilespmem:s16], [sflag:$0x2] =	stream.indirect_vreg.gather [hbm4b:s3+s2], $0x80, v3, vm0, $0xb8;
	[tilespmem:$0x12300] =	vst v63  }
0x25e: {  	v3 =	vld [tilespmem:$0x2B0];
	_ =	sdelay $0x4  }
0x25f: {  	v59 =	vshll.u32 v3, $0x1  }
0x260: {  	v3 =	vand.u32 $0x7, v3;
	v4 =	vand.u32 $0xFFFFFFF0, v59  }
0x261: {  	v3 =	vor.u32 v3, v4  }
0x262: {  	v4 =	vperm.xlane v3, v0;
	_ =	sdelay $0x1  }
0x263: {  	v3 =	vperm.xlane v3, v2;
	v4 =	vadd.s32 v1, v4;
	_ =	sdelay $0x1  }
0x264: {  	v3 =	vadd.s32 v1, v3;
	_ =	sdelay $0x1  }
0x265: {  	s22 =	simm.s32 $0x7300  }
0x266: {  	[tilespmem:s22], [sflag:$0x2] =	stream.indirect_vreg.gather [hbm4b:s3+s2], $0x80, v4, vm0, $0xb8;
	[tilespmem:$0x12300] =	vst v63  }
0x267: {  	s17 =	simm.s32 $0x7B00  }
0x268: {  	[tilespmem:s17], [sflag:$0x2] =	stream.indirect_vreg.gather [hbm4b:s3+s2], $0x80, v3, vm0, $0xb8;
	[tilespmem:$0x12300] =	vst v63  }
0x269: {  	v3 =	vld [tilespmem:$0x2C0];
	_ =	sdelay $0x4  }
0x26a: {  	v60 =	vshll.u32 v3, $0x1  }
0x26b: {  	v3 =	vand.u32 $0x7, v3;
	v4 =	vand.u32 $0xFFFFFFF0, v60  }
0x26c: {  	v3 =	vor.u32 v3, v4  }
0x26d: {  	v4 =	vperm.xlane v3, v0;
	_ =	sdelay $0x1  }
0x26e: {  	v3 =	vperm.xlane v3, v2;
	v4 =	vadd.s32 v1, v4;
	_ =	sdelay $0x1  }
0x26f: {  	v3 =	vadd.s32 v1, v3;
	_ =	sdelay $0x1  }
0x270: {  	s23 =	simm.s32 $0x8300  }
0x271: {  	[tilespmem:s23], [sflag:$0x2] =	stream.indirect_vreg.gather [hbm4b:s3+s2], $0x80, v4, vm0, $0xb8;
	[tilespmem:$0x12300] =	vst v63  }
0x272: {  	s22 =	simm.s32 $0x8B00  }
0x273: {  	[tilespmem:s22], [sflag:$0x2] =	stream.indirect_vreg.gather [hbm4b:s3+s2], $0x80, v3, vm0, $0xb8;
	[tilespmem:$0x12300] =	vst v63  }
0x274: {  	v3 =	vld [tilespmem:$0x2D0];
	_ =	sdelay $0x4  }
0x275: {  	v61 =	vshll.u32 v3, $0x1  }
0x276: {  	v3 =	vand.u32 $0x7, v3;
	v4 =	vand.u32 $0xFFFFFFF0, v61  }
0x277: {  	v3 =	vor.u32 v3, v4  }
0x278: {  	v4 =	vperm.xlane v3, v0;
	_ =	sdelay $0x1  }
0x279: {  	v3 =	vperm.xlane v3, v2;
	v4 =	vadd.s32 v1, v4;
	_ =	sdelay $0x1  }
0x27a: {  	v3 =	vadd.s32 v1, v3;
	_ =	sdelay $0x1  }
0x27b: {  	s24 =	simm.s32 $0x9300  }
0x27c: {  	[tilespmem:s24], [sflag:$0x2] =	stream.indirect_vreg.gather [hbm4b:s3+s2], $0x80, v4, vm0, $0xb8;
	[tilespmem:$0x12300] =	vst v63  }
0x27d: {  	s23 =	simm.s32 $0x9B00  }
0x27e: {  	[tilespmem:s23], [sflag:$0x2] =	stream.indirect_vreg.gather [hbm4b:s3+s2], $0x80, v3, vm0, $0xb8;
	[tilespmem:$0x12300] =	vst v63  }
0x27f: {  	v3 =	vld [tilespmem:$0x2E0];
	_ =	sdelay $0x4  }
0x280: {  	v62 =	vshll.u32 v3, $0x1  }
0x281: {  	v3 =	vand.u32 $0x7, v3;
	v4 =	vand.u32 $0xFFFFFFF0, v62  }
0x282: {  	v3 =	vor.u32 v3, v4  }
0x283: {  	v4 =	vperm.xlane v3, v0;
	_ =	sdelay $0x1  }
0x284: {  	v3 =	vperm.xlane v3, v2;
	v4 =	vadd.s32 v1, v4;
	_ =	sdelay $0x1  }
0x285: {  	v3 =	vadd.s32 v1, v3;
	_ =	sdelay $0x1  }
0x286: {  	s25 =	simm.s32 $0xA300  }
0x287: {  	[tilespmem:s25], [sflag:$0x2] =	stream.indirect_vreg.gather [hbm4b:s3+s2], $0x80, v4, vm0, $0xb8;
	[tilespmem:$0x12300] =	vst v63  }
0x288: {  	s24 =	simm.s32 $0xAB00  }
0x289: {  	[tilespmem:s24], [sflag:$0x2] =	stream.indirect_vreg.gather [hbm4b:s3+s2], $0x80, v3, vm0, $0xb8;
	[tilespmem:$0x12300] =	vst v63  }
0x28a: {  	v3 =	vld [tilespmem:$0x2F0];
	_ =	sdelay $0x4  }
0x28b: {  	v63 =	vshll.u32 v3, $0x1  }
0x28c: {  	v3 =	vand.u32 $0x7, v3;
	v4 =	vand.u32 $0xFFFFFFF0, v63  }
0x28d: {  	v3 =	vor.u32 v3, v4  }
0x28e: {  	v4 =	vperm.xlane v3, v0;
	_ =	sdelay $0x1  }
0x28f: {  	v3 =	vperm.xlane v3, v2;
	v4 =	vadd.s32 v1, v4;
	_ =	sdelay $0x1  }
0x290: {  	v3 =	vadd.s32 v1, v3;
	_ =	sdelay $0x1  }
0x291: {  	s31 =	simm.s32 $0xB300  }
0x292: {  	[tilespmem:s31], [sflag:$0x2] =	stream.indirect_vreg.gather [hbm4b:s3+s2], $0x80, v4, vm0, $0xb8;
	[tilespmem:$0x12300] =	vst v63  }
0x293: {  	s18 =	simm.s32 $0xBB00  }
0x294: {  	[tilespmem:s18], [sflag:$0x2] =	stream.indirect_vreg.gather [hbm4b:s3+s2], $0x80, v3, vm0, $0xb8;
	[tilespmem:$0x12300] =	vst v63  }
0x295: {  	s25 =	rddreg [dreg:$0x18]  }
0x296: {  	[tilespmem:s6], [sflag:$0x4] =	stream.indirect.gather [hbm4b:s4+s19], $0x80, s25, s19, $0xb8;
	[tilespmem:$0x12300] =	vst v63  }
0x297: {  	_ =	swait.ge [sflag:s8], $0x6000  }
0x298: {  	[sflag:s8] =	ssyncset.done $0x0  }
0x299: {  	[sflag:s8] =	ssyncadd.s32 $0xFFFFA000  }
0x29a: {  	_ =	swait.ge [sflag:s9], $0x3000  }
0x29b: {  	[sflag:s9] =	ssyncset.done $0x0  }
0x29c: {  	s26 =	rddreg [dreg:$0xf];
	[sflag:s9] =	ssyncadd.s32 $0xFFFFD000  }
0x29d: {  	[hbm4b:s26+s2] =	stream.linear.scatter [tilespmem:s30], [sflag:$0x5], $0x6000, $0x38;
	[tilespmem:$0x12300] =	vst v63  }
0x29e: {  	s28 =	rddreg [dreg:$0x10]  }
0x29f: {  	[hbm4b:s28+s2] =	stream.linear.scatter [tilespmem:s20], [sflag:$0x7], $0x3000, $0x38;
	[tilespmem:$0x12300] =	vst v63  }
0x2a0: {  	_ =	swait.ge [sflag:s12], $0x6000  }
0x2a1: {  	[sflag:s12] =	ssyncset.done $0x0  }
0x2a2: {  	[sflag:s12] =	ssyncadd.s32 $0xFFFFA000  }
0x2a3: {  	_ =	swait.ge [sflag:s13], $0x3000  }
0x2a4: {  	[sflag:s13] =	ssyncset.done $0x0  }
0x2a5: {  	s29 =	rddreg [dreg:$0x11];
	[sflag:s13] =	ssyncadd.s32 $0xFFFFD000  }
0x2a6: {  	[hbm4b:s29+s2] =	stream.linear.scatter [tilespmem:s21], [sflag:$0x6], $0x6000, $0x38;
	[tilespmem:$0x12300] =	vst v63  }
0x2a7: {  	s31 =	rddreg [dreg:$0x12]  }
0x2a8: {  	[hbm4b:s31+s2] =	stream.linear.scatter [tilespmem:s6], [sflag:$0x8], $0x3000, $0x38;
	[tilespmem:$0x12300] =	vst v63  }
0x2a9: {  	_ =	swait.ge [sflag:s10], $0x6000  }
0x2aa: {  	[sflag:s10] =	ssyncset.done $0x0  }
0x2ab: {  	[sflag:s10] =	ssyncadd.s32 $0xFFFFA000  }
0x2ac: {  	_ =	swait.ge [sflag:s11], $0x3000  }
0x2ad: {  	[sflag:s11] =	ssyncset.done $0x0  }
0x2ae: {  	[sflag:s11] =	ssyncadd.s32 $0xFFFFD000  }
0x2af: {  	p0 =	sne.s32 s5, $0x1;
	_ =	swait.ge [sflag:s14], $0x6000  }
.Ltmp0:
0x2b0: {  	[sflag:s14] =	ssyncset.done $0x0;
	(pc) =	sbr.rel @p0 .LBB2_1-.Ltmp0, $4  }
0x2b1: {  	[sflag:s14] =	ssyncadd.s32 $0xFFFFA000  }
0x2b2: {  	_ =	swait.ge [sflag:s15], $0x3000  }
0x2b3: {  	[sflag:s15] =	ssyncset.done $0x0  }
0x2b4: {  	s5 =	sadd.s32 $0xFFFFFFFF, s5;
	[sflag:s15] =	ssyncadd.s32 $0xFFFFD000  }
0x2b5: {  	_ =	sfence.sel $0x180000  }
0x2b6: {  	[bflag:$0x0] =	sbarrier.arrive $0xFFFF  }
0x2b7: {  	_ =	strace $0x90000047  }
0x2b8: {  	s0 =	stileid.u32;
	[bflag:$0x2] =	sbarrier.arrive $0xFFFF  }
0x2b9: {  	p0 =	sne.s32 s0, $0x0;
	s0 =	rddreg [dreg:$0x1]  }
0x2ba: {  	s0 =	sadd.s32 @!p0 $0x100000, s0  }
0x2bb: {  	[sflag:s0] =	ssyncadd.tile.s32 @!p0 $0x1;
	_ =	shalt  }
.Lfunc_end2:
_tile_overlayer_lowered:
.L_overlay_start_2:
0x2bc: {  	(tag) =	ssettag $0x2  }
0x2bd: {  	s0 =	rddreg [dreg:$0x0];
	s2 =	stileid.u32  }
0x2be: {  	s1 =	rddreg [dreg:$0x1];
	p0 =	sne.s32 s2, $0x0  }
0x2bf: {  	s3 =	rddreg [dreg:$0x2];
	[bflag:$0x3] =	sbarrier.arrive $0xFFFF;
	s2 =	simm.s32 @!p0 $0x1C09  }
0x2c0: {  	[timem:s3], [sflag:s2] =	dma.local @!p0 [hbm:s0], s1  }
0x2c1: {  	s0 =	simm.s32 @!p0 $0x9  }
0x2c2: {  	_ =	swait.ge @!p0 [sflag:s0], s1  }
0x2c3: {  	s1 =	ssub.s32 @!p0 $0x0, s1;
	[sflag:s0] =	ssyncset.done @!p0 $0x0  }
0x2c4: {  	[sflag:s0] =	ssyncadd.s32 @!p0 s1  }
0x2c5: {  	[bflag:$0x3] =	sbarrier.arrive $0xFFFF  }
0x2c6: {  	_ =	shalt  }

</sc_bundles>
